<compile_context>
chip_gen: v7x
topology: tpu7x:2x2x1
jax: 0.10.2.dev20260603
libtpu: 0.0.44.dev20260713+nightly
codegen_flags: <defaults>
</compile_context>

<pallas_src>
import functools

import jax
import jax.numpy as jnp
from jax import lax
from jax.experimental import pallas as pl
from jax.experimental.pallas import tpu as pltpu
from jax.experimental.pallas import tpu_sc as plsc

B, H, W, C = 4, 112, 112, 192
oH, oW = 2 * H, 2 * W
CB = 16
NCB = C // CB
NC, NS = 2, 16
NTASK = B * NCB
TPC = NTASK // NC
HPT = H // NS
EPT = HPT * CB * W
NCHUNK = EPT // 128
ACC = oH * CB * oW
OPT = ACC // NS
YPT = oH // NS
WCH = CB * oW
NWP = YPT // 2
ZCH = 3136

_mesh = plsc.VectorSubcoreMesh(core_axis_name="c", subcore_axis_name="s")


@functools.partial(
    pl.kernel,
    mesh=_mesh,
    out_type=jax.ShapeDtypeStruct((B, oH, C, oW), jnp.float32),
    scratch_types=[
        pltpu.VMEM((HPT, CB, W), jnp.float32),
        pltpu.VMEM((HPT, CB, W), jnp.int32),
        pltpu.VMEM((NCHUNK, 128), jnp.float32),
        pltpu.VMEM((NCHUNK, 128), jnp.int32),
        pltpu.VMEM((WCH,), jnp.float32),
        pltpu.VMEM((WCH,), jnp.float32),
        pltpu.VMEM((1, CB, oW), jnp.float32),
        pltpu.VMEM((1, CB, oW), jnp.float32),
        pltpu.VMEM((ZCH,), jnp.float32),
        pltpu.VMEM_SHARED((ACC,), jnp.float32),
        pltpu.SemaphoreType.DMA,
        pltpu.SemaphoreType.DMA,
        pltpu.SemaphoreType.DMA,
        pltpu.SemaphoreType.DMA,
        pltpu.SemaphoreType.DMA,
        pltpu.SemaphoreType.DMA,
        pltpu.SemaphoreType.DMA,
    ],
)
def _unpool_sc(upd_hbm, mask_hbm, out_hbm, u_raw, m_raw, uv, iv, st1a, st1b,
               st3a, st3b, zbuf, acc, sem_s, sem_z, sem_in, sem_ra, sem_rb,
               sem_wa, sem_wb):
    core = lax.axis_index("c")
    sid = lax.axis_index("s")

    zero16 = jnp.zeros((16,), jnp.float32)

    def zinit(i, carry):
        zbuf[pl.ds(i * 16, 16)] = zero16
        return carry

    lax.fori_loop(0, ZCH // 16, zinit, 0)

    third = jnp.float32(1.0 / 3.0)
    seventh = jnp.float32(1.0 / 7.0)

    h0 = sid * HPT
    y0 = sid * YPT

    def in_slices(task):
        b = task // NCB
        cb0 = (task % NCB) * CB
        return (upd_hbm.at[b, pl.ds(h0, HPT), pl.ds(cb0, CB), :],
                mask_hbm.at[b, pl.ds(h0, HPT), pl.ds(cb0, CB), :])

    u_sl0, m_sl0 = in_slices(core * TPC)
    pltpu.async_copy(u_sl0, u_raw, sem_in)
    pltpu.async_copy(m_sl0, m_raw, sem_in)

    def task_body(t, carry):
        task = core * TPC + t
        b = task // NCB
        cb0 = (task % NCB) * CB

        for z in range(OPT // ZCH):
            pltpu.async_copy(zbuf, acc.at[pl.ds(sid * OPT + z * ZCH, ZCH)],
                             sem_z)

        u_sl, m_sl = in_slices(task)
        pltpu.make_async_copy(u_sl, u_raw, sem_in).wait()
        pltpu.make_async_copy(m_sl, m_raw, sem_in).wait()

        @plsc.parallel_loop(0, HPT * CB, unroll=8)
        def _compute(row):
            hh = row >> 4
            cc = row & (CB - 1)
            c224 = cc * oW
            j0 = row * (W // 16)
            for v in range(W // 16):
                m = m_raw[hh, cc, pl.ds(v * 16, 16)]
                u = u_raw[hh, cc, pl.ds(v * 16, 16)]
                t6 = lax.shift_right_logical(m, 6)
                s = (t6.astype(jnp.float32) * third).astype(jnp.int32)
                t7 = lax.shift_right_logical(s, 5)
                y = (t7.astype(jnp.float32) * seventh).astype(jnp.int32)
                idx = s + y * (CB * oW - oW) + c224
                j = j0 + v
                cj = j >> 3
                off = (j & 7) * 16
                iv[cj, pl.ds(off, 16)] = idx
                uv[cj, pl.ds(off, 16)] = u

        for z in range(OPT // ZCH):
            pltpu.make_async_copy(
                zbuf, acc.at[pl.ds(sid * OPT + z * ZCH, ZCH)], sem_z).wait()
        plsc.subcore_barrier()

        @plsc.parallel_loop(0, NCHUNK, unroll=4)
        def _cscat(cj):
            pltpu.async_copy(uv.at[cj], acc.at[iv.at[cj]], sem_s, add=True)

        @pl.when(t < TPC - 1)
        def _prefetch():
            u_sn, m_sn = in_slices(task + 1)
            pltpu.async_copy(u_sn, u_raw, sem_in)
            pltpu.async_copy(m_sn, m_raw, sem_in)

        @plsc.parallel_loop(0, NCHUNK, unroll=4)
        def _cdrain(cj):
            pltpu.make_async_copy(uv.at[cj], acc.at[iv.at[cj]], sem_s).wait()
        plsc.subcore_barrier()

        def acc_sl(r):
            return acc.at[pl.ds(sid * OPT + r * WCH, WCH)]

        def out_sl(r):
            return out_hbm.at[b, pl.ds(y0 + r, 1), pl.ds(cb0, CB), :]

        def regroup(st1, st3):
            @plsc.parallel_loop(0, CB, unroll=2)
            def _wc(cc):
                base = cc * oW
                for v in range(oW // 16):
                    st3[0, cc, pl.ds(v * 16, 16)] = (
                        st1[pl.ds(base + v * 16, 16)])

        pltpu.async_copy(acc_sl(0), st1a, sem_ra)

        def wpair(p, carry2):
            r0 = 2 * p
            pltpu.make_async_copy(acc_sl(r0), st1a, sem_ra).wait()
            pltpu.async_copy(acc_sl(r0 + 1), st1b, sem_rb)

            @pl.when(p > 0)
            def _wa():
                pltpu.make_async_copy(st3a, out_sl(r0 - 2), sem_wa).wait()

            regroup(st1a, st3a)
            pltpu.async_copy(st3a, out_sl(r0), sem_wa)

            @pl.when(p < NWP - 1)
            def _ra():
                pltpu.async_copy(acc_sl(r0 + 2), st1a, sem_ra)

            pltpu.make_async_copy(acc_sl(r0 + 1), st1b, sem_rb).wait()

            @pl.when(p > 0)
            def _wb():
                pltpu.make_async_copy(st3b, out_sl(r0 - 1), sem_wb).wait()

            regroup(st1b, st3b)
            pltpu.async_copy(st3b, out_sl(r0 + 1), sem_wb)
            return carry2

        lax.fori_loop(0, NWP, wpair, 0)
        pltpu.make_async_copy(st3a, out_sl(YPT - 2), sem_wa).wait()
        pltpu.make_async_copy(st3b, out_sl(YPT - 1), sem_wb).wait()
        return carry

    lax.fori_loop(0, TPC, task_body, 0)


def kernel(updates, mask):
    u4 = updates.transpose(0, 1, 3, 2)
    m4 = mask.astype(jnp.int32).transpose(0, 1, 3, 2)
    out = _unpool_sc(u4, m4)
    return out.transpose(0, 1, 3, 2)

# --- scband reference (transcript-rebuilt; emitter-appended) ---
"""Pipeline reference for scband-max-unpooling2-d-85839216377924 (READ-ONLY COPY).

The authoritative reference and input builder live on the scoring server;
editing this copy changes nothing except your own understanding.
"""

import jax, jax.numpy as jnp
import numpy as np

SIZE = (2, 2)

def setup_inputs(seed: int = 0) -> dict:
    key = jax.random.key(seed)
    k1, k2 = jax.random.split(key)
    B, H, W, C = 4, 112, 112, 192
    oH, oW = H * SIZE[0], W * SIZE[1]
    updates = jax.random.normal(k1, (B, H, W, C), dtype=jnp.float32)
    # mask holds flattened argmax indices into the (oH, oW, C) space (batch excluded),
    # matching tf.nn.max_pool_with_argmax(include_batch_in_index=False)
    mask = jax.random.randint(k2, (B, H, W, C), 0, oH * oW * C, dtype=jnp.int32)
    return {"updates": updates, "mask": mask}


def reference(updates, mask):
    size = SIZE
    B, H, W, C = updates.shape
    oB, oH, oW, oC = B, H * size[0], W * size[1], C
    mask = mask.astype(jnp.int32)
    one_like_mask = jnp.ones_like(mask)
    batch_range = jnp.arange(oB, dtype=jnp.int32).reshape(oB, 1, 1, 1)
    b = one_like_mask * batch_range
    y = mask // (oW * oC)
    x = (mask // oC) % oW
    feature_range = jnp.arange(oC, dtype=jnp.int32)
    f = one_like_mask * feature_range
    n = updates.size
    bi = b.reshape(n)
    yi = y.reshape(n)
    xi = x.reshape(n)
    fi = f.reshape(n)
    values = updates.reshape(n)
    # tf.scatter_nd accumulates duplicate indices -> use .at[].add
    ret = jnp.zeros((oB, oH, oW, oC), dtype=updates.dtype).at[bi, yi, xi, fi].add(values)
    return ret

if __name__ == "__main__":
    import jax
    _d = setup_inputs()
    print(jax.jit(kernel)(*tuple(_d.values())))

</pallas_src>

<mosaic_0001>
#map = affine_map<(d0, d1) -> (0, 0, 0, 0)>
module attributes {stable_mosaic.version = 14 : i64} {
  func.func @_unpool_sc(%arg0: i32, %arg1: i32, %arg2: memref<4x112x192x112xf32, #tpu.memory_space<hbm>>, %arg3: memref<4x112x192x112xi32, #tpu.memory_space<hbm>>, %arg4: memref<4x224x192x224xf32, #tpu.memory_space<hbm>>, %arg5: memref<7x16x112xf32, #tpu.memory_space<vmem>>, %arg6: memref<7x16x112xi32, #tpu.memory_space<vmem>>, %arg7: memref<98x128xf32, #tpu.memory_space<vmem>>, %arg8: memref<98x128xi32, #tpu.memory_space<vmem>>, %arg9: memref<3584xf32, #tpu.memory_space<vmem>>, %arg10: memref<3584xf32, #tpu.memory_space<vmem>>, %arg11: memref<1x16x224xf32, #tpu.memory_space<vmem>>, %arg12: memref<1x16x224xf32, #tpu.memory_space<vmem>>, %arg13: memref<3136xf32, #tpu.memory_space<vmem>>, %arg14: memref<802816xf32, #tpu.memory_space<vmem_shared>>, %arg15: memref<!tpu.dma_semaphore, #tpu.memory_space<semaphore_mem>>, %arg16: memref<!tpu.dma_semaphore, #tpu.memory_space<semaphore_mem>>, %arg17: memref<!tpu.dma_semaphore, #tpu.memory_space<semaphore_mem>>, %arg18: memref<!tpu.dma_semaphore, #tpu.memory_space<semaphore_mem>>, %arg19: memref<!tpu.dma_semaphore, #tpu.memory_space<semaphore_mem>>, %arg20: memref<!tpu.dma_semaphore, #tpu.memory_space<semaphore_mem>>, %arg21: memref<!tpu.dma_semaphore, #tpu.memory_space<semaphore_mem>>) attributes {dimension_semantics = [#tpu.dimension_semantics<core_parallel>, #tpu.dimension_semantics<subcore_parallel>], iteration_bounds = array<i64: 2, 16>, scalar_prefetch = 0 : i64, scratch_operands = 17 : i64, tpu.core_type = #tpu.core_type<sc_vector_subcore>, window_params = [{transform_indices = #map}, {transform_indices = #map}, {transform_indices = #map}]} {
    %broadcast_in_dim3A = arith.constant 0.000000e+00 : f32
    %broadcast_in_dim3A_0 = vector.broadcast %broadcast_in_dim3A : f32 to vector<16xf32>
    %scan3A = arith.constant 0 : i32
    %scan3A_1 = arith.constant 0 : i32
    %scan3A_2 = arith.constant 196 : i32
    %scan3A_3 = arith.addi %scan3A_1, %scan3A_2 : i32
    %scan3A_4 = arith.constant 1 : i32
    scf.for %scan3A_61 = %scan3A_1 to %scan3A_3 step %scan3A_4  : i32 {
      %mul3A_62 = arith.constant 16 : i32
      %mul3A_63 = arith.muli %scan3A_61, %mul3A_62 : i32
      %swap3A = arith.index_cast %mul3A_63 : i32 to index
      %swap3A_64 = tpu.vector_load %arg13[%swap3A] {strides = array<i32>} : memref<3136xf32, #tpu.memory_space<vmem>>, vector<16xf32>,
      %swap3A_65 = vector.shape_cast %swap3A_64 : vector<16xf32> to vector<16xf32>
      %swap3A_66 = vector.shape_cast %broadcast_in_dim3A_0 : vector<16xf32> to vector<16xf32>
      tpu.vector_store %arg13[%swap3A], %swap3A_66 {strides = array<i32>} : memref<3136xf32, #tpu.memory_space<vmem>>, vector<16xf32>,
    }
    %scan3A_5 = arith.constant 196 : i32
    %mul3A = arith.constant 7 : i32
    %mul3A_6 = arith.muli %arg1, %mul3A : i32
    %mul3A_7 = arith.constant 14 : i32
    %mul3A_8 = arith.muli %arg1, %mul3A_7 : i32
    %mul3A_9 = arith.constant 24 : i32
    %mul3A_10 = arith.muli %arg0, %mul3A_9 : i32
    %jit3A = arith.constant 12 : i32
    %div3A = arith.divsi %mul3A_10, %jit3A : i32
    %sign3A = arith.constant 0 : i32
    %sign3A_11 = arith.cmpi sgt, %mul3A_10, %sign3A : i32
    %sign3A_12 = arith.extui %sign3A_11 : i1 to i32
    %sign3A_13 = arith.constant 0 : i32
    %sign3A_14 = arith.cmpi slt, %mul3A_10, %sign3A_13 : i32
    %sign3A_15 = arith.extui %sign3A_14 : i1 to i32
    %sign3A_16 = arith.subi %sign3A_12, %sign3A_15 : i32
    %sign3A_17 = arith.constant 0 : i32
    %sign3A_18 = arith.cmpi sgt, %jit3A, %sign3A_17 : i32
    %sign3A_19 = arith.extui %sign3A_18 : i1 to i32
    %sign3A_20 = arith.constant 0 : i32
    %sign3A_21 = arith.cmpi slt, %jit3A, %sign3A_20 : i32
    %sign3A_22 = arith.extui %sign3A_21 : i1 to i32
    %sign3A_23 = arith.subi %sign3A_19, %sign3A_22 : i32
    %ne3A = arith.cmpi ne, %sign3A_16, %sign3A_23 : i32
    %rem3A = arith.remsi %mul3A_10, %jit3A : i32
    %ne3A_24 = arith.constant 0 : i32
    %ne3A_25 = arith.cmpi ne, %rem3A, %ne3A_24 : i32
    %and3A = arith.andi %ne3A, %ne3A_25 : i1
    %sub3A = arith.constant 1 : i32
    %sub3A_26 = arith.subi %div3A, %sub3A : i32
    %select_n3A = arith.select %and3A, %sub3A_26, %div3A : i32
    %jit3A_27 = arith.constant 12 : i32
    %eq3A = arith.constant 0 : i32
    %eq3A_28 = arith.cmpi eq, %jit3A_27, %eq3A : i32
    %jit3A_29 = arith.constant 1 : i32
    %select_n3A_30 = arith.select %eq3A_28, %jit3A_29, %jit3A_27 : i32
    %rem3A_31 = arith.remsi %mul3A_10, %select_n3A_30 : i32
    %ne3A_32 = arith.constant 0 : i32
    %ne3A_33 = arith.cmpi ne, %rem3A_31, %ne3A_32 : i32
    %lt3A = arith.constant 0 : i32
    %lt3A_34 = arith.cmpi slt, %rem3A_31, %lt3A : i32
    %lt3A_35 = arith.constant 0 : i32
    %lt3A_36 = arith.cmpi slt, %select_n3A_30, %lt3A_35 : i32
    %ne3A_37 = arith.xori %lt3A_34, %lt3A_36 : i1
    %and3A_38 = arith.andi %ne3A_37, %ne3A_33 : i1
    %add3A = arith.addi %rem3A_31, %select_n3A_30 : i32
    %select_n3A_39 = arith.select %and3A_38, %add3A, %rem3A_31 : i32
    %mul3A_40 = arith.constant 16 : i32
    %mul3A_41 = arith.muli %select_n3A_39, %mul3A_40 : i32
    %dma_start3A = arith.constant 0 : i32
    %dma_start3A_42 = tpu.memref_slice %arg2[%select_n3A, %mul3A_6, %mul3A_41, %dma_start3A] : memref<4x112x192x112xf32, #tpu.memory_space<hbm>> -> memref<1x7x16x112xf32, #tpu.memory_space<hbm>>
    %dma_start3A_43 = tpu.memref_squeeze %dma_start3A_42 : memref<1x7x16x112xf32, #tpu.memory_space<hbm>> -> memref<7x16x112xf32, #tpu.memory_space<hbm>>
    %dma_start3A_44 = arith.constant 0 : i32
    %dma_start3A_45 = tpu.memref_slice %arg2[%select_n3A, %mul3A_6, %mul3A_41, %dma_start3A_44] : memref<4x112x192x112xf32, #tpu.memory_space<hbm>> -> memref<1x7x16x112xf32, #tpu.memory_space<hbm>>
    %dma_start3A_46 = tpu.memref_squeeze %dma_start3A_45 : memref<1x7x16x112xf32, #tpu.memory_space<hbm>> -> memref<7x16x112xf32, #tpu.memory_space<hbm>>
    tpu.enqueue_dma source(%dma_start3A_46 : memref<7x16x112xf32, #tpu.memory_space<hbm>>) target(%arg5 : memref<7x16x112xf32, #tpu.memory_space<vmem>>) target_semaphore(%arg17 : memref<!tpu.dma_semaphore, #tpu.memory_space<semaphore_mem>>)
    %dma_start3A_47 = arith.constant 0 : i32
    %dma_start3A_48 = tpu.memref_slice %arg3[%select_n3A, %mul3A_6, %mul3A_41, %dma_start3A_47] : memref<4x112x192x112xi32, #tpu.memory_space<hbm>> -> memref<1x7x16x112xi32, #tpu.memory_space<hbm>>
    %dma_start3A_49 = tpu.memref_squeeze %dma_start3A_48 : memref<1x7x16x112xi32, #tpu.memory_space<hbm>> -> memref<7x16x112xi32, #tpu.memory_space<hbm>>
    %dma_start3A_50 = arith.constant 0 : i32
    %dma_start3A_51 = tpu.memref_slice %arg3[%select_n3A, %mul3A_6, %mul3A_41, %dma_start3A_50] : memref<4x112x192x112xi32, #tpu.memory_space<hbm>> -> memref<1x7x16x112xi32, #tpu.memory_space<hbm>>
    %dma_start3A_52 = tpu.memref_squeeze %dma_start3A_51 : memref<1x7x16x112xi32, #tpu.memory_space<hbm>> -> memref<7x16x112xi32, #tpu.memory_space<hbm>>
    tpu.enqueue_dma source(%dma_start3A_52 : memref<7x16x112xi32, #tpu.memory_space<hbm>>) target(%arg6 : memref<7x16x112xi32, #tpu.memory_space<vmem>>) target_semaphore(%arg17 : memref<!tpu.dma_semaphore, #tpu.memory_space<semaphore_mem>>)
    %scan3A_53 = arith.constant 0 : i32
    %scan3A_54 = arith.constant 0.333333343 : f32
    %scan3A_55 = arith.constant 0.142857149 : f32
    %scan3A_56 = arith.constant 0 : i32
    %scan3A_57 = arith.constant 24 : i32
    %scan3A_58 = arith.addi %scan3A_56, %scan3A_57 : i32
    %scan3A_59 = arith.constant 1 : i32
    scf.for %scan3A_61 = %scan3A_56 to %scan3A_58 step %scan3A_59  : i32 {
      %mul3A_62 = arith.constant 24 : i32
      %mul3A_63 = arith.muli %arg0, %mul3A_62 : i32
      %add3A_64 = arith.addi %mul3A_63, %scan3A_61 : i32
      %jit3A_65 = arith.constant 12 : i32
      %div3A_66 = arith.divsi %add3A_64, %jit3A_65 : i32
      %sign3A_67 = arith.constant 0 : i32
      %sign3A_68 = arith.cmpi sgt, %add3A_64, %sign3A_67 : i32
      %sign3A_69 = arith.extui %sign3A_68 : i1 to i32
      %sign3A_70 = arith.constant 0 : i32
      %sign3A_71 = arith.cmpi slt, %add3A_64, %sign3A_70 : i32
      %sign3A_72 = arith.extui %sign3A_71 : i1 to i32
      %sign3A_73 = arith.subi %sign3A_69, %sign3A_72 : i32
      %sign3A_74 = arith.constant 0 : i32
      %sign3A_75 = arith.cmpi sgt, %jit3A_65, %sign3A_74 : i32
      %sign3A_76 = arith.extui %sign3A_75 : i1 to i32
      %sign3A_77 = arith.constant 0 : i32
      %sign3A_78 = arith.cmpi slt, %jit3A_65, %sign3A_77 : i32
      %sign3A_79 = arith.extui %sign3A_78 : i1 to i32
      %sign3A_80 = arith.subi %sign3A_76, %sign3A_79 : i32
      %ne3A_81 = arith.cmpi ne, %sign3A_73, %sign3A_80 : i32
      %rem3A_82 = arith.remsi %add3A_64, %jit3A_65 : i32
      %ne3A_83 = arith.constant 0 : i32
      %ne3A_84 = arith.cmpi ne, %rem3A_82, %ne3A_83 : i32
      %and3A_85 = arith.andi %ne3A_81, %ne3A_84 : i1
      %sub3A_86 = arith.constant 1 : i32
      %sub3A_87 = arith.subi %div3A_66, %sub3A_86 : i32
      %select_n3A_88 = arith.select %and3A_85, %sub3A_87, %div3A_66 : i32
      %jit3A_89 = arith.constant 12 : i32
      %eq3A_90 = arith.constant 0 : i32
      %eq3A_91 = arith.cmpi eq, %jit3A_89, %eq3A_90 : i32
      %jit3A_92 = arith.constant 1 : i32
      %select_n3A_93 = arith.select %eq3A_91, %jit3A_92, %jit3A_89 : i32
      %rem3A_94 = arith.remsi %add3A_64, %select_n3A_93 : i32
      %ne3A_95 = arith.constant 0 : i32
      %ne3A_96 = arith.cmpi ne, %rem3A_94, %ne3A_95 : i32
      %lt3A_97 = arith.constant 0 : i32
      %lt3A_98 = arith.cmpi slt, %rem3A_94, %lt3A_97 : i32
      %lt3A_99 = arith.constant 0 : i32
      %lt3A_100 = arith.cmpi slt, %select_n3A_93, %lt3A_99 : i32
      %ne3A_101 = arith.xori %lt3A_98, %lt3A_100 : i1
      %and3A_102 = arith.andi %ne3A_101, %ne3A_96 : i1
      %add3A_103 = arith.addi %rem3A_94, %select_n3A_93 : i32
      %select_n3A_104 = arith.select %and3A_102, %add3A_103, %rem3A_94 : i32
      %mul3A_105 = arith.constant 16 : i32
      %mul3A_106 = arith.muli %select_n3A_104, %mul3A_105 : i32
      %mul3A_107 = arith.constant 50176 : i32
      %mul3A_108 = arith.muli %arg1, %mul3A_107 : i32
      %add3A_109 = arith.constant 0 : i32
      %add3A_110 = arith.addi %mul3A_108, %add3A_109 : i32
      %dma_start3A_111 = tpu.memref_slice %arg14[%add3A_110] : memref<802816xf32, #tpu.memory_space<vmem_shared>> -> memref<3136xf32, #tpu.memory_space<vmem_shared>>
      %dma_start3A_112 = tpu.memref_slice %arg14[%add3A_110] : memref<802816xf32, #tpu.memory_space<vmem_shared>> -> memref<3136xf32, #tpu.memory_space<vmem_shared>>
      tpu.enqueue_dma source(%arg13 : memref<3136xf32, #tpu.memory_space<vmem>>) target(%dma_start3A_112 : memref<3136xf32, #tpu.memory_space<vmem_shared>>) target_semaphore(%arg16 : memref<!tpu.dma_semaphore, #tpu.memory_space<semaphore_mem>>)
      %mul3A_113 = arith.constant 50176 : i32
      %mul3A_114 = arith.muli %arg1, %mul3A_113 : i32
      %add3A_115 = arith.constant 3136 : i32
      %add3A_116 = arith.addi %mul3A_114, %add3A_115 : i32
      %dma_start3A_117 = tpu.memref_slice %arg14[%add3A_116] : memref<802816xf32, #tpu.memory_space<vmem_shared>> -> memref<3136xf32, #tpu.memory_space<vmem_shared>>
      %dma_start3A_118 = tpu.memref_slice %arg14[%add3A_116] : memref<802816xf32, #tpu.memory_space<vmem_shared>> -> memref<3136xf32, #tpu.memory_space<vmem_shared>>
      tpu.enqueue_dma source(%arg13 : memref<3136xf32, #tpu.memory_space<vmem>>) target(%dma_start3A_118 : memref<3136xf32, #tpu.memory_space<vmem_shared>>) target_semaphore(%arg16 : memref<!tpu.dma_semaphore, #tpu.memory_space<semaphore_mem>>)
      %mul3A_119 = arith.constant 50176 : i32
      %mul3A_120 = arith.muli %arg1, %mul3A_119 : i32
      %add3A_121 = arith.constant 6272 : i32
      %add3A_122 = arith.addi %mul3A_120, %add3A_121 : i32
      %dma_start3A_123 = tpu.memref_slice %arg14[%add3A_122] : memref<802816xf32, #tpu.memory_space<vmem_shared>> -> memref<3136xf32, #tpu.memory_space<vmem_shared>>
      %dma_start3A_124 = tpu.memref_slice %arg14[%add3A_122] : memref<802816xf32, #tpu.memory_space<vmem_shared>> -> memref<3136xf32, #tpu.memory_space<vmem_shared>>
      tpu.enqueue_dma source(%arg13 : memref<3136xf32, #tpu.memory_space<vmem>>) target(%dma_start3A_124 : memref<3136xf32, #tpu.memory_space<vmem_shared>>) target_semaphore(%arg16 : memref<!tpu.dma_semaphore, #tpu.memory_space<semaphore_mem>>)
      %mul3A_125 = arith.constant 50176 : i32
      %mul3A_126 = arith.muli %arg1, %mul3A_125 : i32
      %add3A_127 = arith.constant 9408 : i32
      %add3A_128 = arith.addi %mul3A_126, %add3A_127 : i32
      %dma_start3A_129 = tpu.memref_slice %arg14[%add3A_128] : memref<802816xf32, #tpu.memory_space<vmem_shared>> -> memref<3136xf32, #tpu.memory_space<vmem_shared>>
      %dma_start3A_130 = tpu.memref_slice %arg14[%add3A_128] : memref<802816xf32, #tpu.memory_space<vmem_shared>> -> memref<3136xf32, #tpu.memory_space<vmem_shared>>
      tpu.enqueue_dma source(%arg13 : memref<3136xf32, #tpu.memory_space<vmem>>) target(%dma_start3A_130 : memref<3136xf32, #tpu.memory_space<vmem_shared>>) target_semaphore(%arg16 : memref<!tpu.dma_semaphore, #tpu.memory_space<semaphore_mem>>)
      %mul3A_131 = arith.constant 50176 : i32
      %mul3A_132 = arith.muli %arg1, %mul3A_131 : i32
      %add3A_133 = arith.constant 12544 : i32
      %add3A_134 = arith.addi %mul3A_132, %add3A_133 : i32
      %dma_start3A_135 = tpu.memref_slice %arg14[%add3A_134] : memref<802816xf32, #tpu.memory_space<vmem_shared>> -> memref<3136xf32, #tpu.memory_space<vmem_shared>>
      %dma_start3A_136 = tpu.memref_slice %arg14[%add3A_134] : memref<802816xf32, #tpu.memory_space<vmem_shared>> -> memref<3136xf32, #tpu.memory_space<vmem_shared>>
      tpu.enqueue_dma source(%arg13 : memref<3136xf32, #tpu.memory_space<vmem>>) target(%dma_start3A_136 : memref<3136xf32, #tpu.memory_space<vmem_shared>>) target_semaphore(%arg16 : memref<!tpu.dma_semaphore, #tpu.memory_space<semaphore_mem>>)
      %mul3A_137 = arith.constant 50176 : i32
      %mul3A_138 = arith.muli %arg1, %mul3A_137 : i32
      %add3A_139 = arith.constant 15680 : i32
      %add3A_140 = arith.addi %mul3A_138, %add3A_139 : i32
      %dma_start3A_141 = tpu.memref_slice %arg14[%add3A_140] : memref<802816xf32, #tpu.memory_space<vmem_shared>> -> memref<3136xf32, #tpu.memory_space<vmem_shared>>
      %dma_start3A_142 = tpu.memref_slice %arg14[%add3A_140] : memref<802816xf32, #tpu.memory_space<vmem_shared>> -> memref<3136xf32, #tpu.memory_space<vmem_shared>>
      tpu.enqueue_dma source(%arg13 : memref<3136xf32, #tpu.memory_space<vmem>>) target(%dma_start3A_142 : memref<3136xf32, #tpu.memory_space<vmem_shared>>) target_semaphore(%arg16 : memref<!tpu.dma_semaphore, #tpu.memory_space<semaphore_mem>>)
      %mul3A_143 = arith.constant 50176 : i32
      %mul3A_144 = arith.muli %arg1, %mul3A_143 : i32
      %add3A_145 = arith.constant 18816 : i32
      %add3A_146 = arith.addi %mul3A_144, %add3A_145 : i32
      %dma_start3A_147 = tpu.memref_slice %arg14[%add3A_146] : memref<802816xf32, #tpu.memory_space<vmem_shared>> -> memref<3136xf32, #tpu.memory_space<vmem_shared>>
      %dma_start3A_148 = tpu.memref_slice %arg14[%add3A_146] : memref<802816xf32, #tpu.memory_space<vmem_shared>> -> memref<3136xf32, #tpu.memory_space<vmem_shared>>
      tpu.enqueue_dma source(%arg13 : memref<3136xf32, #tpu.memory_space<vmem>>) target(%dma_start3A_148 : memref<3136xf32, #tpu.memory_space<vmem_shared>>) target_semaphore(%arg16 : memref<!tpu.dma_semaphore, #tpu.memory_space<semaphore_mem>>)
      %mul3A_149 = arith.constant 50176 : i32
      %mul3A_150 = arith.muli %arg1, %mul3A_149 : i32
      %add3A_151 = arith.constant 21952 : i32
      %add3A_152 = arith.addi %mul3A_150, %add3A_151 : i32
      %dma_start3A_153 = tpu.memref_slice %arg14[%add3A_152] : memref<802816xf32, #tpu.memory_space<vmem_shared>> -> memref<3136xf32, #tpu.memory_space<vmem_shared>>
      %dma_start3A_154 = tpu.memref_slice %arg14[%add3A_152] : memref<802816xf32, #tpu.memory_space<vmem_shared>> -> memref<3136xf32, #tpu.memory_space<vmem_shared>>
      tpu.enqueue_dma source(%arg13 : memref<3136xf32, #tpu.memory_space<vmem>>) target(%dma_start3A_154 : memref<3136xf32, #tpu.memory_space<vmem_shared>>) target_semaphore(%arg16 : memref<!tpu.dma_semaphore, #tpu.memory_space<semaphore_mem>>)
      %mul3A_155 = arith.constant 50176 : i32
      %mul3A_156 = arith.muli %arg1, %mul3A_155 : i32
      %add3A_157 = arith.constant 25088 : i32
      %add3A_158 = arith.addi %mul3A_156, %add3A_157 : i32
      %dma_start3A_159 = tpu.memref_slice %arg14[%add3A_158] : memref<802816xf32, #tpu.memory_space<vmem_shared>> -> memref<3136xf32, #tpu.memory_space<vmem_shared>>
      %dma_start3A_160 = tpu.memref_slice %arg14[%add3A_158] : memref<802816xf32, #tpu.memory_space<vmem_shared>> -> memref<3136xf32, #tpu.memory_space<vmem_shared>>
      tpu.enqueue_dma source(%arg13 : memref<3136xf32, #tpu.memory_space<vmem>>) target(%dma_start3A_160 : memref<3136xf32, #tpu.memory_space<vmem_shared>>) target_semaphore(%arg16 : memref<!tpu.dma_semaphore, #tpu.memory_space<semaphore_mem>>)
      %mul3A_161 = arith.constant 50176 : i32
      %mul3A_162 = arith.muli %arg1, %mul3A_161 : i32
      %add3A_163 = arith.constant 28224 : i32
      %add3A_164 = arith.addi %mul3A_162, %add3A_163 : i32
      %dma_start3A_165 = tpu.memref_slice %arg14[%add3A_164] : memref<802816xf32, #tpu.memory_space<vmem_shared>> -> memref<3136xf32, #tpu.memory_space<vmem_shared>>
      %dma_start3A_166 = tpu.memref_slice %arg14[%add3A_164] : memref<802816xf32, #tpu.memory_space<vmem_shared>> -> memref<3136xf32, #tpu.memory_space<vmem_shared>>
      tpu.enqueue_dma source(%arg13 : memref<3136xf32, #tpu.memory_space<vmem>>) target(%dma_start3A_166 : memref<3136xf32, #tpu.memory_space<vmem_shared>>) target_semaphore(%arg16 : memref<!tpu.dma_semaphore, #tpu.memory_space<semaphore_mem>>)
      %mul3A_167 = arith.constant 50176 : i32
      %mul3A_168 = arith.muli %arg1, %mul3A_167 : i32
      %add3A_169 = arith.constant 31360 : i32
      %add3A_170 = arith.addi %mul3A_168, %add3A_169 : i32
      %dma_start3A_171 = tpu.memref_slice %arg14[%add3A_170] : memref<802816xf32, #tpu.memory_space<vmem_shared>> -> memref<3136xf32, #tpu.memory_space<vmem_shared>>
      %dma_start3A_172 = tpu.memref_slice %arg14[%add3A_170] : memref<802816xf32, #tpu.memory_space<vmem_shared>> -> memref<3136xf32, #tpu.memory_space<vmem_shared>>
      tpu.enqueue_dma source(%arg13 : memref<3136xf32, #tpu.memory_space<vmem>>) target(%dma_start3A_172 : memref<3136xf32, #tpu.memory_space<vmem_shared>>) target_semaphore(%arg16 : memref<!tpu.dma_semaphore, #tpu.memory_space<semaphore_mem>>)
      %mul3A_173 = arith.constant 50176 : i32
      %mul3A_174 = arith.muli %arg1, %mul3A_173 : i32
      %add3A_175 = arith.constant 34496 : i32
      %add3A_176 = arith.addi %mul3A_174, %add3A_175 : i32
      %dma_start3A_177 = tpu.memref_slice %arg14[%add3A_176] : memref<802816xf32, #tpu.memory_space<vmem_shared>> -> memref<3136xf32, #tpu.memory_space<vmem_shared>>
      %dma_start3A_178 = tpu.memref_slice %arg14[%add3A_176] : memref<802816xf32, #tpu.memory_space<vmem_shared>> -> memref<3136xf32, #tpu.memory_space<vmem_shared>>
      tpu.enqueue_dma source(%arg13 : memref<3136xf32, #tpu.memory_space<vmem>>) target(%dma_start3A_178 : memref<3136xf32, #tpu.memory_space<vmem_shared>>) target_semaphore(%arg16 : memref<!tpu.dma_semaphore, #tpu.memory_space<semaphore_mem>>)
      %mul3A_179 = arith.constant 50176 : i32
      %mul3A_180 = arith.muli %arg1, %mul3A_179 : i32
      %add3A_181 = arith.constant 37632 : i32
      %add3A_182 = arith.addi %mul3A_180, %add3A_181 : i32
      %dma_start3A_183 = tpu.memref_slice %arg14[%add3A_182] : memref<802816xf32, #tpu.memory_space<vmem_shared>> -> memref<3136xf32, #tpu.memory_space<vmem_shared>>
      %dma_start3A_184 = tpu.memref_slice %arg14[%add3A_182] : memref<802816xf32, #tpu.memory_space<vmem_shared>> -> memref<3136xf32, #tpu.memory_space<vmem_shared>>
      tpu.enqueue_dma source(%arg13 : memref<3136xf32, #tpu.memory_space<vmem>>) target(%dma_start3A_184 : memref<3136xf32, #tpu.memory_space<vmem_shared>>) target_semaphore(%arg16 : memref<!tpu.dma_semaphore, #tpu.memory_space<semaphore_mem>>)
      %mul3A_185 = arith.constant 50176 : i32
      %mul3A_186 = arith.muli %arg1, %mul3A_185 : i32
      %add3A_187 = arith.constant 40768 : i32
      %add3A_188 = arith.addi %mul3A_186, %add3A_187 : i32
      %dma_start3A_189 = tpu.memref_slice %arg14[%add3A_188] : memref<802816xf32, #tpu.memory_space<vmem_shared>> -> memref<3136xf32, #tpu.memory_space<vmem_shared>>
      %dma_start3A_190 = tpu.memref_slice %arg14[%add3A_188] : memref<802816xf32, #tpu.memory_space<vmem_shared>> -> memref<3136xf32, #tpu.memory_space<vmem_shared>>
      tpu.enqueue_dma source(%arg13 : memref<3136xf32, #tpu.memory_space<vmem>>) target(%dma_start3A_190 : memref<3136xf32, #tpu.memory_space<vmem_shared>>) target_semaphore(%arg16 : memref<!tpu.dma_semaphore, #tpu.memory_space<semaphore_mem>>)
      %mul3A_191 = arith.constant 50176 : i32
      %mul3A_192 = arith.muli %arg1, %mul3A_191 : i32
      %add3A_193 = arith.constant 43904 : i32
      %add3A_194 = arith.addi %mul3A_192, %add3A_193 : i32
      %dma_start3A_195 = tpu.memref_slice %arg14[%add3A_194] : memref<802816xf32, #tpu.memory_space<vmem_shared>> -> memref<3136xf32, #tpu.memory_space<vmem_shared>>
      %dma_start3A_196 = tpu.memref_slice %arg14[%add3A_194] : memref<802816xf32, #tpu.memory_space<vmem_shared>> -> memref<3136xf32, #tpu.memory_space<vmem_shared>>
      tpu.enqueue_dma source(%arg13 : memref<3136xf32, #tpu.memory_space<vmem>>) target(%dma_start3A_196 : memref<3136xf32, #tpu.memory_space<vmem_shared>>) target_semaphore(%arg16 : memref<!tpu.dma_semaphore, #tpu.memory_space<semaphore_mem>>)
      %mul3A_197 = arith.constant 50176 : i32
      %mul3A_198 = arith.muli %arg1, %mul3A_197 : i32
      %add3A_199 = arith.constant 47040 : i32
      %add3A_200 = arith.addi %mul3A_198, %add3A_199 : i32
      %dma_start3A_201 = tpu.memref_slice %arg14[%add3A_200] : memref<802816xf32, #tpu.memory_space<vmem_shared>> -> memref<3136xf32, #tpu.memory_space<vmem_shared>>
      %dma_start3A_202 = tpu.memref_slice %arg14[%add3A_200] : memref<802816xf32, #tpu.memory_space<vmem_shared>> -> memref<3136xf32, #tpu.memory_space<vmem_shared>>
      tpu.enqueue_dma source(%arg13 : memref<3136xf32, #tpu.memory_space<vmem>>) target(%dma_start3A_202 : memref<3136xf32, #tpu.memory_space<vmem_shared>>) target_semaphore(%arg16 : memref<!tpu.dma_semaphore, #tpu.memory_space<semaphore_mem>>)
      %jit3A_203 = arith.constant 12 : i32
      %div3A_204 = arith.divsi %add3A_64, %jit3A_203 : i32
      %sign3A_205 = arith.constant 0 : i32
      %sign3A_206 = arith.cmpi sgt, %add3A_64, %sign3A_205 : i32
      %sign3A_207 = arith.extui %sign3A_206 : i1 to i32
      %sign3A_208 = arith.constant 0 : i32
      %sign3A_209 = arith.cmpi slt, %add3A_64, %sign3A_208 : i32
      %sign3A_210 = arith.extui %sign3A_209 : i1 to i32
      %sign3A_211 = arith.subi %sign3A_207, %sign3A_210 : i32
      %sign3A_212 = arith.constant 0 : i32
      %sign3A_213 = arith.cmpi sgt, %jit3A_203, %sign3A_212 : i32
      %sign3A_214 = arith.extui %sign3A_213 : i1 to i32
      %sign3A_215 = arith.constant 0 : i32
      %sign3A_216 = arith.cmpi slt, %jit3A_203, %sign3A_215 : i32
      %sign3A_217 = arith.extui %sign3A_216 : i1 to i32
      %sign3A_218 = arith.subi %sign3A_214, %sign3A_217 : i32
      %ne3A_219 = arith.cmpi ne, %sign3A_211, %sign3A_218 : i32
      %rem3A_220 = arith.remsi %add3A_64, %jit3A_203 : i32
      %ne3A_221 = arith.constant 0 : i32
      %ne3A_222 = arith.cmpi ne, %rem3A_220, %ne3A_221 : i32
      %and3A_223 = arith.andi %ne3A_219, %ne3A_222 : i1
      %sub3A_224 = arith.constant 1 : i32
      %sub3A_225 = arith.subi %div3A_204, %sub3A_224 : i32
      %select_n3A_226 = arith.select %and3A_223, %sub3A_225, %div3A_204 : i32
      %jit3A_227 = arith.constant 12 : i32
      %eq3A_228 = arith.constant 0 : i32
      %eq3A_229 = arith.cmpi eq, %jit3A_227, %eq3A_228 : i32
      %jit3A_230 = arith.constant 1 : i32
      %select_n3A_231 = arith.select %eq3A_229, %jit3A_230, %jit3A_227 : i32
      %rem3A_232 = arith.remsi %add3A_64, %select_n3A_231 : i32
      %ne3A_233 = arith.constant 0 : i32
      %ne3A_234 = arith.cmpi ne, %rem3A_232, %ne3A_233 : i32
      %lt3A_235 = arith.constant 0 : i32
      %lt3A_236 = arith.cmpi slt, %rem3A_232, %lt3A_235 : i32
      %lt3A_237 = arith.constant 0 : i32
      %lt3A_238 = arith.cmpi slt, %select_n3A_231, %lt3A_237 : i32
      %ne3A_239 = arith.xori %lt3A_236, %lt3A_238 : i1
      %and3A_240 = arith.andi %ne3A_239, %ne3A_234 : i1
      %add3A_241 = arith.addi %rem3A_232, %select_n3A_231 : i32
      %select_n3A_242 = arith.select %and3A_240, %add3A_241, %rem3A_232 : i32
      %mul3A_243 = arith.constant 16 : i32
      %mul3A_244 = arith.muli %select_n3A_242, %mul3A_243 : i32
      %dma_wait3A = arith.constant 0 : i32
      %dma_wait3A_245 = tpu.memref_slice %arg2[%select_n3A_226, %mul3A_6, %mul3A_244, %dma_wait3A] : memref<4x112x192x112xf32, #tpu.memory_space<hbm>> -> memref<1x7x16x112xf32, #tpu.memory_space<hbm>>
      %dma_wait3A_246 = tpu.memref_squeeze %dma_wait3A_245 : memref<1x7x16x112xf32, #tpu.memory_space<hbm>> -> memref<7x16x112xf32, #tpu.memory_space<hbm>>
      %dma_wait3A_247 = arith.constant 0 : i32
      %dma_wait3A_248 = tpu.memref_slice %arg2[%select_n3A_226, %mul3A_6, %mul3A_244, %dma_wait3A_247] : memref<4x112x192x112xf32, #tpu.memory_space<hbm>> -> memref<1x7x16x112xf32, #tpu.memory_space<hbm>>
      %dma_wait3A_249 = tpu.memref_squeeze %dma_wait3A_248 : memref<1x7x16x112xf32, #tpu.memory_space<hbm>> -> memref<7x16x112xf32, #tpu.memory_space<hbm>>
      tpu.wait_dma2 semaphore(%arg17 : memref<!tpu.dma_semaphore, #tpu.memory_space<semaphore_mem>>) src(%dma_wait3A_249 : memref<7x16x112xf32, #tpu.memory_space<hbm>>) dst(%arg5 : memref<7x16x112xf32, #tpu.memory_space<vmem>>)
      %dma_wait3A_250 = arith.constant 0 : i32
      %dma_wait3A_251 = tpu.memref_slice %arg3[%select_n3A_226, %mul3A_6, %mul3A_244, %dma_wait3A_250] : memref<4x112x192x112xi32, #tpu.memory_space<hbm>> -> memref<1x7x16x112xi32, #tpu.memory_space<hbm>>
      %dma_wait3A_252 = tpu.memref_squeeze %dma_wait3A_251 : memref<1x7x16x112xi32, #tpu.memory_space<hbm>> -> memref<7x16x112xi32, #tpu.memory_space<hbm>>
      %dma_wait3A_253 = arith.constant 0 : i32
      %dma_wait3A_254 = tpu.memref_slice %arg3[%select_n3A_226, %mul3A_6, %mul3A_244, %dma_wait3A_253] : memref<4x112x192x112xi32, #tpu.memory_space<hbm>> -> memref<1x7x16x112xi32, #tpu.memory_space<hbm>>
      %dma_wait3A_255 = tpu.memref_squeeze %dma_wait3A_254 : memref<1x7x16x112xi32, #tpu.memory_space<hbm>> -> memref<7x16x112xi32, #tpu.memory_space<hbm>>
      tpu.wait_dma2 semaphore(%arg17 : memref<!tpu.dma_semaphore, #tpu.memory_space<semaphore_mem>>) src(%dma_wait3A_255 : memref<7x16x112xi32, #tpu.memory_space<hbm>>) dst(%arg6 : memref<7x16x112xi32, #tpu.memory_space<vmem>>)
      %parallel_loop3A = arith.constant 0 : i32
      %parallel_loop3A_256 = arith.constant 112 : i32
      %parallel_loop3A_257 = arith.constant 1 : i32
      scf.for %parallel_loop3A_392 = %parallel_loop3A to %parallel_loop3A_256 step %parallel_loop3A_257  : i32 {
        %parallel_loop3A_393 = arith.constant 4 : i32
        %parallel_loop3A_394 = arith.shrsi %parallel_loop3A_392, %parallel_loop3A_393 : i32
        %parallel_loop3A_395 = arith.constant 15 : i32
        %parallel_loop3A_396 = arith.andi %parallel_loop3A_392, %parallel_loop3A_395 : i32
        %parallel_loop3A_397 = arith.constant 224 : i32
        %parallel_loop3A_398 = arith.muli %parallel_loop3A_396, %parallel_loop3A_397 : i32
        %parallel_loop3A_399 = arith.constant 7 : i32
        %parallel_loop3A_400 = arith.muli %parallel_loop3A_392, %parallel_loop3A_399 : i32
        %parallel_loop3A_401 = arith.index_cast %parallel_loop3A_394 : i32 to index
        %parallel_loop3A_402 = arith.index_cast %parallel_loop3A_396 : i32 to index
        %parallel_loop3A_403 = arith.constant 0 : index
        %parallel_loop3A_404 = tpu.vector_load %arg6[%parallel_loop3A_401, %parallel_loop3A_402, %parallel_loop3A_403] {strides = array<i32>} : memref<7x16x112xi32, #tpu.memory_space<vmem>>, vector<1x1x16xi32>,
        %parallel_loop3A_405 = vector.shape_cast %parallel_loop3A_404 : vector<1x1x16xi32> to vector<16xi32>
        %parallel_loop3A_406 = arith.index_cast %parallel_loop3A_394 : i32 to index
        %parallel_loop3A_407 = arith.index_cast %parallel_loop3A_396 : i32 to index
        %parallel_loop3A_408 = arith.constant 0 : index
        %parallel_loop3A_409 = tpu.vector_load %arg5[%parallel_loop3A_406, %parallel_loop3A_407, %parallel_loop3A_408] {strides = array<i32>} : memref<7x16x112xf32, #tpu.memory_space<vmem>>, vector<1x1x16xf32>,
        %parallel_loop3A_410 = vector.shape_cast %parallel_loop3A_409 : vector<1x1x16xf32> to vector<16xf32>
        %parallel_loop3A_411 = arith.constant 6 : i32
        %parallel_loop3A_412 = vector.broadcast %parallel_loop3A_411 : i32 to vector<16xi32>
        %parallel_loop3A_413 = arith.shrui %parallel_loop3A_405, %parallel_loop3A_412 : vector<16xi32>
        %parallel_loop3A_414 = arith.sitofp %parallel_loop3A_413 : vector<16xi32> to vector<16xf32>
        %parallel_loop3A_415 = vector.broadcast %scan3A_54 : f32 to vector<16xf32>
        %parallel_loop3A_416 = arith.mulf %parallel_loop3A_414, %parallel_loop3A_415 : vector<16xf32>
        %parallel_loop3A_417 = arith.fptosi %parallel_loop3A_416 : vector<16xf32> to vector<16xi32>
        %parallel_loop3A_418 = arith.constant 5 : i32
        %parallel_loop3A_419 = vector.broadcast %parallel_loop3A_418 : i32 to vector<16xi32>
        %parallel_loop3A_420 = arith.shrui %parallel_loop3A_417, %parallel_loop3A_419 : vector<16xi32>
        %parallel_loop3A_421 = arith.sitofp %parallel_loop3A_420 : vector<16xi32> to vector<16xf32>
        %parallel_loop3A_422 = vector.broadcast %scan3A_55 : f32 to vector<16xf32>
        %parallel_loop3A_423 = arith.mulf %parallel_loop3A_421, %parallel_loop3A_422 : vector<16xf32>
        %parallel_loop3A_424 = arith.fptosi %parallel_loop3A_423 : vector<16xf32> to vector<16xi32>
        %parallel_loop3A_425 = arith.constant 3360 : i32
        %parallel_loop3A_426 = vector.broadcast %parallel_loop3A_425 : i32 to vector<16xi32>
        %parallel_loop3A_427 = arith.muli %parallel_loop3A_424, %parallel_loop3A_426 : vector<16xi32>
        %parallel_loop3A_428 = arith.addi %parallel_loop3A_417, %parallel_loop3A_427 : vector<16xi32>
        %parallel_loop3A_429 = vector.broadcast %parallel_loop3A_398 : i32 to vector<16xi32>
        %parallel_loop3A_430 = arith.addi %parallel_loop3A_428, %parallel_loop3A_429 : vector<16xi32>
        %parallel_loop3A_431 = arith.constant 0 : i32
        %parallel_loop3A_432 = arith.addi %parallel_loop3A_400, %parallel_loop3A_431 : i32
        %parallel_loop3A_433 = arith.constant 3 : i32
        %parallel_loop3A_434 = arith.shrsi %parallel_loop3A_432, %parallel_loop3A_433 : i32
        %parallel_loop3A_435 = arith.constant 7 : i32
        %parallel_loop3A_436 = arith.andi %parallel_loop3A_432, %parallel_loop3A_435 : i32
        %parallel_loop3A_437 = arith.constant 16 : i32
        %parallel_loop3A_438 = arith.muli %parallel_loop3A_436, %parallel_loop3A_437 : i32
        %parallel_loop3A_439 = arith.index_cast %parallel_loop3A_434 : i32 to index
        %parallel_loop3A_440 = arith.index_cast %parallel_loop3A_438 : i32 to index
        %parallel_loop3A_441 = tpu.vector_load %arg8[%parallel_loop3A_439, %parallel_loop3A_440] {strides = array<i32>} : memref<98x128xi32, #tpu.memory_space<vmem>>, vector<1x16xi32>,
        %parallel_loop3A_442 = vector.shape_cast %parallel_loop3A_441 : vector<1x16xi32> to vector<16xi32>
        %parallel_loop3A_443 = vector.shape_cast %parallel_loop3A_430 : vector<16xi32> to vector<1x16xi32>
        tpu.vector_store %arg8[%parallel_loop3A_439, %parallel_loop3A_440], %parallel_loop3A_443 {strides = array<i32>} : memref<98x128xi32, #tpu.memory_space<vmem>>, vector<1x16xi32>,
        %parallel_loop3A_444 = arith.index_cast %parallel_loop3A_434 : i32 to index
        %parallel_loop3A_445 = arith.index_cast %parallel_loop3A_438 : i32 to index
        %parallel_loop3A_446 = tpu.vector_load %arg7[%parallel_loop3A_444, %parallel_loop3A_445] {strides = array<i32>} : memref<98x128xf32, #tpu.memory_space<vmem>>, vector<1x16xf32>,
        %parallel_loop3A_447 = vector.shape_cast %parallel_loop3A_446 : vector<1x16xf32> to vector<16xf32>
        %parallel_loop3A_448 = vector.shape_cast %parallel_loop3A_410 : vector<16xf32> to vector<1x16xf32>
        tpu.vector_store %arg7[%parallel_loop3A_444, %parallel_loop3A_445], %parallel_loop3A_448 {strides = array<i32>} : memref<98x128xf32, #tpu.memory_space<vmem>>, vector<1x16xf32>,
        %parallel_loop3A_449 = arith.index_cast %parallel_loop3A_394 : i32 to index
        %parallel_loop3A_450 = arith.index_cast %parallel_loop3A_396 : i32 to index
        %parallel_loop3A_451 = arith.constant 16 : index
        %parallel_loop3A_452 = tpu.vector_load %arg6[%parallel_loop3A_449, %parallel_loop3A_450, %parallel_loop3A_451] {strides = array<i32>} : memref<7x16x112xi32, #tpu.memory_space<vmem>>, vector<1x1x16xi32>,
        %parallel_loop3A_453 = vector.shape_cast %parallel_loop3A_452 : vector<1x1x16xi32> to vector<16xi32>
        %parallel_loop3A_454 = arith.index_cast %parallel_loop3A_394 : i32 to index
        %parallel_loop3A_455 = arith.index_cast %parallel_loop3A_396 : i32 to index
        %parallel_loop3A_456 = arith.constant 16 : index
        %parallel_loop3A_457 = tpu.vector_load %arg5[%parallel_loop3A_454, %parallel_loop3A_455, %parallel_loop3A_456] {strides = array<i32>} : memref<7x16x112xf32, #tpu.memory_space<vmem>>, vector<1x1x16xf32>,
        %parallel_loop3A_458 = vector.shape_cast %parallel_loop3A_457 : vector<1x1x16xf32> to vector<16xf32>
        %parallel_loop3A_459 = arith.constant 6 : i32
        %parallel_loop3A_460 = vector.broadcast %parallel_loop3A_459 : i32 to vector<16xi32>
        %parallel_loop3A_461 = arith.shrui %parallel_loop3A_453, %parallel_loop3A_460 : vector<16xi32>
        %parallel_loop3A_462 = arith.sitofp %parallel_loop3A_461 : vector<16xi32> to vector<16xf32>
        %parallel_loop3A_463 = vector.broadcast %scan3A_54 : f32 to vector<16xf32>
        %parallel_loop3A_464 = arith.mulf %parallel_loop3A_462, %parallel_loop3A_463 : vector<16xf32>
        %parallel_loop3A_465 = arith.fptosi %parallel_loop3A_464 : vector<16xf32> to vector<16xi32>
        %parallel_loop3A_466 = arith.constant 5 : i32
        %parallel_loop3A_467 = vector.broadcast %parallel_loop3A_466 : i32 to vector<16xi32>
        %parallel_loop3A_468 = arith.shrui %parallel_loop3A_465, %parallel_loop3A_467 : vector<16xi32>
        %parallel_loop3A_469 = arith.sitofp %parallel_loop3A_468 : vector<16xi32> to vector<16xf32>
        %parallel_loop3A_470 = vector.broadcast %scan3A_55 : f32 to vector<16xf32>
        %parallel_loop3A_471 = arith.mulf %parallel_loop3A_469, %parallel_loop3A_470 : vector<16xf32>
        %parallel_loop3A_472 = arith.fptosi %parallel_loop3A_471 : vector<16xf32> to vector<16xi32>
        %parallel_loop3A_473 = arith.constant 3360 : i32
        %parallel_loop3A_474 = vector.broadcast %parallel_loop3A_473 : i32 to vector<16xi32>
        %parallel_loop3A_475 = arith.muli %parallel_loop3A_472, %parallel_loop3A_474 : vector<16xi32>
        %parallel_loop3A_476 = arith.addi %parallel_loop3A_465, %parallel_loop3A_475 : vector<16xi32>
        %parallel_loop3A_477 = vector.broadcast %parallel_loop3A_398 : i32 to vector<16xi32>
        %parallel_loop3A_478 = arith.addi %parallel_loop3A_476, %parallel_loop3A_477 : vector<16xi32>
        %parallel_loop3A_479 = arith.constant 1 : i32
        %parallel_loop3A_480 = arith.addi %parallel_loop3A_400, %parallel_loop3A_479 : i32
        %parallel_loop3A_481 = arith.constant 3 : i32
        %parallel_loop3A_482 = arith.shrsi %parallel_loop3A_480, %parallel_loop3A_481 : i32
        %parallel_loop3A_483 = arith.constant 7 : i32
        %parallel_loop3A_484 = arith.andi %parallel_loop3A_480, %parallel_loop3A_483 : i32
        %parallel_loop3A_485 = arith.constant 16 : i32
        %parallel_loop3A_486 = arith.muli %parallel_loop3A_484, %parallel_loop3A_485 : i32
        %parallel_loop3A_487 = arith.index_cast %parallel_loop3A_482 : i32 to index
        %parallel_loop3A_488 = arith.index_cast %parallel_loop3A_486 : i32 to index
        %parallel_loop3A_489 = tpu.vector_load %arg8[%parallel_loop3A_487, %parallel_loop3A_488] {strides = array<i32>} : memref<98x128xi32, #tpu.memory_space<vmem>>, vector<1x16xi32>,
        %parallel_loop3A_490 = vector.shape_cast %parallel_loop3A_489 : vector<1x16xi32> to vector<16xi32>
        %parallel_loop3A_491 = vector.shape_cast %parallel_loop3A_478 : vector<16xi32> to vector<1x16xi32>
        tpu.vector_store %arg8[%parallel_loop3A_487, %parallel_loop3A_488], %parallel_loop3A_491 {strides = array<i32>} : memref<98x128xi32, #tpu.memory_space<vmem>>, vector<1x16xi32>,
        %parallel_loop3A_492 = arith.index_cast %parallel_loop3A_482 : i32 to index
        %parallel_loop3A_493 = arith.index_cast %parallel_loop3A_486 : i32 to index
        %parallel_loop3A_494 = tpu.vector_load %arg7[%parallel_loop3A_492, %parallel_loop3A_493] {strides = array<i32>} : memref<98x128xf32, #tpu.memory_space<vmem>>, vector<1x16xf32>,
        %parallel_loop3A_495 = vector.shape_cast %parallel_loop3A_494 : vector<1x16xf32> to vector<16xf32>
        %parallel_loop3A_496 = vector.shape_cast %parallel_loop3A_458 : vector<16xf32> to vector<1x16xf32>
        tpu.vector_store %arg7[%parallel_loop3A_492, %parallel_loop3A_493], %parallel_loop3A_496 {strides = array<i32>} : memref<98x128xf32, #tpu.memory_space<vmem>>, vector<1x16xf32>,
        %parallel_loop3A_497 = arith.index_cast %parallel_loop3A_394 : i32 to index
        %parallel_loop3A_498 = arith.index_cast %parallel_loop3A_396 : i32 to index
        %parallel_loop3A_499 = arith.constant 32 : index
        %parallel_loop3A_500 = tpu.vector_load %arg6[%parallel_loop3A_497, %parallel_loop3A_498, %parallel_loop3A_499] {strides = array<i32>} : memref<7x16x112xi32, #tpu.memory_space<vmem>>, vector<1x1x16xi32>,
        %parallel_loop3A_501 = vector.shape_cast %parallel_loop3A_500 : vector<1x1x16xi32> to vector<16xi32>
        %parallel_loop3A_502 = arith.index_cast %parallel_loop3A_394 : i32 to index
        %parallel_loop3A_503 = arith.index_cast %parallel_loop3A_396 : i32 to index
        %parallel_loop3A_504 = arith.constant 32 : index
        %parallel_loop3A_505 = tpu.vector_load %arg5[%parallel_loop3A_502, %parallel_loop3A_503, %parallel_loop3A_504] {strides = array<i32>} : memref<7x16x112xf32, #tpu.memory_space<vmem>>, vector<1x1x16xf32>,
        %parallel_loop3A_506 = vector.shape_cast %parallel_loop3A_505 : vector<1x1x16xf32> to vector<16xf32>
        %parallel_loop3A_507 = arith.constant 6 : i32
        %parallel_loop3A_508 = vector.broadcast %parallel_loop3A_507 : i32 to vector<16xi32>
        %parallel_loop3A_509 = arith.shrui %parallel_loop3A_501, %parallel_loop3A_508 : vector<16xi32>
        %parallel_loop3A_510 = arith.sitofp %parallel_loop3A_509 : vector<16xi32> to vector<16xf32>
        %parallel_loop3A_511 = vector.broadcast %scan3A_54 : f32 to vector<16xf32>
        %parallel_loop3A_512 = arith.mulf %parallel_loop3A_510, %parallel_loop3A_511 : vector<16xf32>
        %parallel_loop3A_513 = arith.fptosi %parallel_loop3A_512 : vector<16xf32> to vector<16xi32>
        %parallel_loop3A_514 = arith.constant 5 : i32
        %parallel_loop3A_515 = vector.broadcast %parallel_loop3A_514 : i32 to vector<16xi32>
        %parallel_loop3A_516 = arith.shrui %parallel_loop3A_513, %parallel_loop3A_515 : vector<16xi32>
        %parallel_loop3A_517 = arith.sitofp %parallel_loop3A_516 : vector<16xi32> to vector<16xf32>
        %parallel_loop3A_518 = vector.broadcast %scan3A_55 : f32 to vector<16xf32>
        %parallel_loop3A_519 = arith.mulf %parallel_loop3A_517, %parallel_loop3A_518 : vector<16xf32>
        %parallel_loop3A_520 = arith.fptosi %parallel_loop3A_519 : vector<16xf32> to vector<16xi32>
        %parallel_loop3A_521 = arith.constant 3360 : i32
        %parallel_loop3A_522 = vector.broadcast %parallel_loop3A_521 : i32 to vector<16xi32>
        %parallel_loop3A_523 = arith.muli %parallel_loop3A_520, %parallel_loop3A_522 : vector<16xi32>
        %parallel_loop3A_524 = arith.addi %parallel_loop3A_513, %parallel_loop3A_523 : vector<16xi32>
        %parallel_loop3A_525 = vector.broadcast %parallel_loop3A_398 : i32 to vector<16xi32>
        %parallel_loop3A_526 = arith.addi %parallel_loop3A_524, %parallel_loop3A_525 : vector<16xi32>
        %parallel_loop3A_527 = arith.constant 2 : i32
        %parallel_loop3A_528 = arith.addi %parallel_loop3A_400, %parallel_loop3A_527 : i32
        %parallel_loop3A_529 = arith.constant 3 : i32
        %parallel_loop3A_530 = arith.shrsi %parallel_loop3A_528, %parallel_loop3A_529 : i32
        %parallel_loop3A_531 = arith.constant 7 : i32
        %parallel_loop3A_532 = arith.andi %parallel_loop3A_528, %parallel_loop3A_531 : i32
        %parallel_loop3A_533 = arith.constant 16 : i32
        %parallel_loop3A_534 = arith.muli %parallel_loop3A_532, %parallel_loop3A_533 : i32
        %parallel_loop3A_535 = arith.index_cast %parallel_loop3A_530 : i32 to index
        %parallel_loop3A_536 = arith.index_cast %parallel_loop3A_534 : i32 to index
        %parallel_loop3A_537 = tpu.vector_load %arg8[%parallel_loop3A_535, %parallel_loop3A_536] {strides = array<i32>} : memref<98x128xi32, #tpu.memory_space<vmem>>, vector<1x16xi32>,
        %parallel_loop3A_538 = vector.shape_cast %parallel_loop3A_537 : vector<1x16xi32> to vector<16xi32>
        %parallel_loop3A_539 = vector.shape_cast %parallel_loop3A_526 : vector<16xi32> to vector<1x16xi32>
        tpu.vector_store %arg8[%parallel_loop3A_535, %parallel_loop3A_536], %parallel_loop3A_539 {strides = array<i32>} : memref<98x128xi32, #tpu.memory_space<vmem>>, vector<1x16xi32>,
        %parallel_loop3A_540 = arith.index_cast %parallel_loop3A_530 : i32 to index
        %parallel_loop3A_541 = arith.index_cast %parallel_loop3A_534 : i32 to index
        %parallel_loop3A_542 = tpu.vector_load %arg7[%parallel_loop3A_540, %parallel_loop3A_541] {strides = array<i32>} : memref<98x128xf32, #tpu.memory_space<vmem>>, vector<1x16xf32>,
        %parallel_loop3A_543 = vector.shape_cast %parallel_loop3A_542 : vector<1x16xf32> to vector<16xf32>
        %parallel_loop3A_544 = vector.shape_cast %parallel_loop3A_506 : vector<16xf32> to vector<1x16xf32>
        tpu.vector_store %arg7[%parallel_loop3A_540, %parallel_loop3A_541], %parallel_loop3A_544 {strides = array<i32>} : memref<98x128xf32, #tpu.memory_space<vmem>>, vector<1x16xf32>,
        %parallel_loop3A_545 = arith.index_cast %parallel_loop3A_394 : i32 to index
        %parallel_loop3A_546 = arith.index_cast %parallel_loop3A_396 : i32 to index
        %parallel_loop3A_547 = arith.constant 48 : index
        %parallel_loop3A_548 = tpu.vector_load %arg6[%parallel_loop3A_545, %parallel_loop3A_546, %parallel_loop3A_547] {strides = array<i32>} : memref<7x16x112xi32, #tpu.memory_space<vmem>>, vector<1x1x16xi32>,
        %parallel_loop3A_549 = vector.shape_cast %parallel_loop3A_548 : vector<1x1x16xi32> to vector<16xi32>
        %parallel_loop3A_550 = arith.index_cast %parallel_loop3A_394 : i32 to index
        %parallel_loop3A_551 = arith.index_cast %parallel_loop3A_396 : i32 to index
        %parallel_loop3A_552 = arith.constant 48 : index
        %parallel_loop3A_553 = tpu.vector_load %arg5[%parallel_loop3A_550, %parallel_loop3A_551, %parallel_loop3A_552] {strides = array<i32>} : memref<7x16x112xf32, #tpu.memory_space<vmem>>, vector<1x1x16xf32>,
        %parallel_loop3A_554 = vector.shape_cast %parallel_loop3A_553 : vector<1x1x16xf32> to vector<16xf32>
        %parallel_loop3A_555 = arith.constant 6 : i32
        %parallel_loop3A_556 = vector.broadcast %parallel_loop3A_555 : i32 to vector<16xi32>
        %parallel_loop3A_557 = arith.shrui %parallel_loop3A_549, %parallel_loop3A_556 : vector<16xi32>
        %parallel_loop3A_558 = arith.sitofp %parallel_loop3A_557 : vector<16xi32> to vector<16xf32>
        %parallel_loop3A_559 = vector.broadcast %scan3A_54 : f32 to vector<16xf32>
        %parallel_loop3A_560 = arith.mulf %parallel_loop3A_558, %parallel_loop3A_559 : vector<16xf32>
        %parallel_loop3A_561 = arith.fptosi %parallel_loop3A_560 : vector<16xf32> to vector<16xi32>
        %parallel_loop3A_562 = arith.constant 5 : i32
        %parallel_loop3A_563 = vector.broadcast %parallel_loop3A_562 : i32 to vector<16xi32>
        %parallel_loop3A_564 = arith.shrui %parallel_loop3A_561, %parallel_loop3A_563 : vector<16xi32>
        %parallel_loop3A_565 = arith.sitofp %parallel_loop3A_564 : vector<16xi32> to vector<16xf32>
        %parallel_loop3A_566 = vector.broadcast %scan3A_55 : f32 to vector<16xf32>
        %parallel_loop3A_567 = arith.mulf %parallel_loop3A_565, %parallel_loop3A_566 : vector<16xf32>
        %parallel_loop3A_568 = arith.fptosi %parallel_loop3A_567 : vector<16xf32> to vector<16xi32>
        %parallel_loop3A_569 = arith.constant 3360 : i32
        %parallel_loop3A_570 = vector.broadcast %parallel_loop3A_569 : i32 to vector<16xi32>
        %parallel_loop3A_571 = arith.muli %parallel_loop3A_568, %parallel_loop3A_570 : vector<16xi32>
        %parallel_loop3A_572 = arith.addi %parallel_loop3A_561, %parallel_loop3A_571 : vector<16xi32>
        %parallel_loop3A_573 = vector.broadcast %parallel_loop3A_398 : i32 to vector<16xi32>
        %parallel_loop3A_574 = arith.addi %parallel_loop3A_572, %parallel_loop3A_573 : vector<16xi32>
        %parallel_loop3A_575 = arith.constant 3 : i32
        %parallel_loop3A_576 = arith.addi %parallel_loop3A_400, %parallel_loop3A_575 : i32
        %parallel_loop3A_577 = arith.constant 3 : i32
        %parallel_loop3A_578 = arith.shrsi %parallel_loop3A_576, %parallel_loop3A_577 : i32
        %parallel_loop3A_579 = arith.constant 7 : i32
        %parallel_loop3A_580 = arith.andi %parallel_loop3A_576, %parallel_loop3A_579 : i32
        %parallel_loop3A_581 = arith.constant 16 : i32
        %parallel_loop3A_582 = arith.muli %parallel_loop3A_580, %parallel_loop3A_581 : i32
        %parallel_loop3A_583 = arith.index_cast %parallel_loop3A_578 : i32 to index
        %parallel_loop3A_584 = arith.index_cast %parallel_loop3A_582 : i32 to index
        %parallel_loop3A_585 = tpu.vector_load %arg8[%parallel_loop3A_583, %parallel_loop3A_584] {strides = array<i32>} : memref<98x128xi32, #tpu.memory_space<vmem>>, vector<1x16xi32>,
        %parallel_loop3A_586 = vector.shape_cast %parallel_loop3A_585 : vector<1x16xi32> to vector<16xi32>
        %parallel_loop3A_587 = vector.shape_cast %parallel_loop3A_574 : vector<16xi32> to vector<1x16xi32>
        tpu.vector_store %arg8[%parallel_loop3A_583, %parallel_loop3A_584], %parallel_loop3A_587 {strides = array<i32>} : memref<98x128xi32, #tpu.memory_space<vmem>>, vector<1x16xi32>,
        %parallel_loop3A_588 = arith.index_cast %parallel_loop3A_578 : i32 to index
        %parallel_loop3A_589 = arith.index_cast %parallel_loop3A_582 : i32 to index
        %parallel_loop3A_590 = tpu.vector_load %arg7[%parallel_loop3A_588, %parallel_loop3A_589] {strides = array<i32>} : memref<98x128xf32, #tpu.memory_space<vmem>>, vector<1x16xf32>,
        %parallel_loop3A_591 = vector.shape_cast %parallel_loop3A_590 : vector<1x16xf32> to vector<16xf32>
        %parallel_loop3A_592 = vector.shape_cast %parallel_loop3A_554 : vector<16xf32> to vector<1x16xf32>
        tpu.vector_store %arg7[%parallel_loop3A_588, %parallel_loop3A_589], %parallel_loop3A_592 {strides = array<i32>} : memref<98x128xf32, #tpu.memory_space<vmem>>, vector<1x16xf32>,
        %parallel_loop3A_593 = arith.index_cast %parallel_loop3A_394 : i32 to index
        %parallel_loop3A_594 = arith.index_cast %parallel_loop3A_396 : i32 to index
        %parallel_loop3A_595 = arith.constant 64 : index
        %parallel_loop3A_596 = tpu.vector_load %arg6[%parallel_loop3A_593, %parallel_loop3A_594, %parallel_loop3A_595] {strides = array<i32>} : memref<7x16x112xi32, #tpu.memory_space<vmem>>, vector<1x1x16xi32>,
        %parallel_loop3A_597 = vector.shape_cast %parallel_loop3A_596 : vector<1x1x16xi32> to vector<16xi32>
        %parallel_loop3A_598 = arith.index_cast %parallel_loop3A_394 : i32 to index
        %parallel_loop3A_599 = arith.index_cast %parallel_loop3A_396 : i32 to index
        %parallel_loop3A_600 = arith.constant 64 : index
        %parallel_loop3A_601 = tpu.vector_load %arg5[%parallel_loop3A_598, %parallel_loop3A_599, %parallel_loop3A_600] {strides = array<i32>} : memref<7x16x112xf32, #tpu.memory_space<vmem>>, vector<1x1x16xf32>,
        %parallel_loop3A_602 = vector.shape_cast %parallel_loop3A_601 : vector<1x1x16xf32> to vector<16xf32>
        %parallel_loop3A_603 = arith.constant 6 : i32
        %parallel_loop3A_604 = vector.broadcast %parallel_loop3A_603 : i32 to vector<16xi32>
        %parallel_loop3A_605 = arith.shrui %parallel_loop3A_597, %parallel_loop3A_604 : vector<16xi32>
        %parallel_loop3A_606 = arith.sitofp %parallel_loop3A_605 : vector<16xi32> to vector<16xf32>
        %parallel_loop3A_607 = vector.broadcast %scan3A_54 : f32 to vector<16xf32>
        %parallel_loop3A_608 = arith.mulf %parallel_loop3A_606, %parallel_loop3A_607 : vector<16xf32>
        %parallel_loop3A_609 = arith.fptosi %parallel_loop3A_608 : vector<16xf32> to vector<16xi32>
        %parallel_loop3A_610 = arith.constant 5 : i32
        %parallel_loop3A_611 = vector.broadcast %parallel_loop3A_610 : i32 to vector<16xi32>
        %parallel_loop3A_612 = arith.shrui %parallel_loop3A_609, %parallel_loop3A_611 : vector<16xi32>
        %parallel_loop3A_613 = arith.sitofp %parallel_loop3A_612 : vector<16xi32> to vector<16xf32>
        %parallel_loop3A_614 = vector.broadcast %scan3A_55 : f32 to vector<16xf32>
        %parallel_loop3A_615 = arith.mulf %parallel_loop3A_613, %parallel_loop3A_614 : vector<16xf32>
        %parallel_loop3A_616 = arith.fptosi %parallel_loop3A_615 : vector<16xf32> to vector<16xi32>
        %parallel_loop3A_617 = arith.constant 3360 : i32
        %parallel_loop3A_618 = vector.broadcast %parallel_loop3A_617 : i32 to vector<16xi32>
        %parallel_loop3A_619 = arith.muli %parallel_loop3A_616, %parallel_loop3A_618 : vector<16xi32>
        %parallel_loop3A_620 = arith.addi %parallel_loop3A_609, %parallel_loop3A_619 : vector<16xi32>
        %parallel_loop3A_621 = vector.broadcast %parallel_loop3A_398 : i32 to vector<16xi32>
        %parallel_loop3A_622 = arith.addi %parallel_loop3A_620, %parallel_loop3A_621 : vector<16xi32>
        %parallel_loop3A_623 = arith.constant 4 : i32
        %parallel_loop3A_624 = arith.addi %parallel_loop3A_400, %parallel_loop3A_623 : i32
        %parallel_loop3A_625 = arith.constant 3 : i32
        %parallel_loop3A_626 = arith.shrsi %parallel_loop3A_624, %parallel_loop3A_625 : i32
        %parallel_loop3A_627 = arith.constant 7 : i32
        %parallel_loop3A_628 = arith.andi %parallel_loop3A_624, %parallel_loop3A_627 : i32
        %parallel_loop3A_629 = arith.constant 16 : i32
        %parallel_loop3A_630 = arith.muli %parallel_loop3A_628, %parallel_loop3A_629 : i32
        %parallel_loop3A_631 = arith.index_cast %parallel_loop3A_626 : i32 to index
        %parallel_loop3A_632 = arith.index_cast %parallel_loop3A_630 : i32 to index
        %parallel_loop3A_633 = tpu.vector_load %arg8[%parallel_loop3A_631, %parallel_loop3A_632] {strides = array<i32>} : memref<98x128xi32, #tpu.memory_space<vmem>>, vector<1x16xi32>,
        %parallel_loop3A_634 = vector.shape_cast %parallel_loop3A_633 : vector<1x16xi32> to vector<16xi32>
        %parallel_loop3A_635 = vector.shape_cast %parallel_loop3A_622 : vector<16xi32> to vector<1x16xi32>
        tpu.vector_store %arg8[%parallel_loop3A_631, %parallel_loop3A_632], %parallel_loop3A_635 {strides = array<i32>} : memref<98x128xi32, #tpu.memory_space<vmem>>, vector<1x16xi32>,
        %parallel_loop3A_636 = arith.index_cast %parallel_loop3A_626 : i32 to index
        %parallel_loop3A_637 = arith.index_cast %parallel_loop3A_630 : i32 to index
        %parallel_loop3A_638 = tpu.vector_load %arg7[%parallel_loop3A_636, %parallel_loop3A_637] {strides = array<i32>} : memref<98x128xf32, #tpu.memory_space<vmem>>, vector<1x16xf32>,
        %parallel_loop3A_639 = vector.shape_cast %parallel_loop3A_638 : vector<1x16xf32> to vector<16xf32>
        %parallel_loop3A_640 = vector.shape_cast %parallel_loop3A_602 : vector<16xf32> to vector<1x16xf32>
        tpu.vector_store %arg7[%parallel_loop3A_636, %parallel_loop3A_637], %parallel_loop3A_640 {strides = array<i32>} : memref<98x128xf32, #tpu.memory_space<vmem>>, vector<1x16xf32>,
        %parallel_loop3A_641 = arith.index_cast %parallel_loop3A_394 : i32 to index
        %parallel_loop3A_642 = arith.index_cast %parallel_loop3A_396 : i32 to index
        %parallel_loop3A_643 = arith.constant 80 : index
        %parallel_loop3A_644 = tpu.vector_load %arg6[%parallel_loop3A_641, %parallel_loop3A_642, %parallel_loop3A_643] {strides = array<i32>} : memref<7x16x112xi32, #tpu.memory_space<vmem>>, vector<1x1x16xi32>,
        %parallel_loop3A_645 = vector.shape_cast %parallel_loop3A_644 : vector<1x1x16xi32> to vector<16xi32>
        %parallel_loop3A_646 = arith.index_cast %parallel_loop3A_394 : i32 to index
        %parallel_loop3A_647 = arith.index_cast %parallel_loop3A_396 : i32 to index
        %parallel_loop3A_648 = arith.constant 80 : index
        %parallel_loop3A_649 = tpu.vector_load %arg5[%parallel_loop3A_646, %parallel_loop3A_647, %parallel_loop3A_648] {strides = array<i32>} : memref<7x16x112xf32, #tpu.memory_space<vmem>>, vector<1x1x16xf32>,
        %parallel_loop3A_650 = vector.shape_cast %parallel_loop3A_649 : vector<1x1x16xf32> to vector<16xf32>
        %parallel_loop3A_651 = arith.constant 6 : i32
        %parallel_loop3A_652 = vector.broadcast %parallel_loop3A_651 : i32 to vector<16xi32>
        %parallel_loop3A_653 = arith.shrui %parallel_loop3A_645, %parallel_loop3A_652 : vector<16xi32>
        %parallel_loop3A_654 = arith.sitofp %parallel_loop3A_653 : vector<16xi32> to vector<16xf32>
        %parallel_loop3A_655 = vector.broadcast %scan3A_54 : f32 to vector<16xf32>
        %parallel_loop3A_656 = arith.mulf %parallel_loop3A_654, %parallel_loop3A_655 : vector<16xf32>
        %parallel_loop3A_657 = arith.fptosi %parallel_loop3A_656 : vector<16xf32> to vector<16xi32>
        %parallel_loop3A_658 = arith.constant 5 : i32
        %parallel_loop3A_659 = vector.broadcast %parallel_loop3A_658 : i32 to vector<16xi32>
        %parallel_loop3A_660 = arith.shrui %parallel_loop3A_657, %parallel_loop3A_659 : vector<16xi32>
        %parallel_loop3A_661 = arith.sitofp %parallel_loop3A_660 : vector<16xi32> to vector<16xf32>
        %parallel_loop3A_662 = vector.broadcast %scan3A_55 : f32 to vector<16xf32>
        %parallel_loop3A_663 = arith.mulf %parallel_loop3A_661, %parallel_loop3A_662 : vector<16xf32>
        %parallel_loop3A_664 = arith.fptosi %parallel_loop3A_663 : vector<16xf32> to vector<16xi32>
        %parallel_loop3A_665 = arith.constant 3360 : i32
        %parallel_loop3A_666 = vector.broadcast %parallel_loop3A_665 : i32 to vector<16xi32>
        %parallel_loop3A_667 = arith.muli %parallel_loop3A_664, %parallel_loop3A_666 : vector<16xi32>
        %parallel_loop3A_668 = arith.addi %parallel_loop3A_657, %parallel_loop3A_667 : vector<16xi32>
        %parallel_loop3A_669 = vector.broadcast %parallel_loop3A_398 : i32 to vector<16xi32>
        %parallel_loop3A_670 = arith.addi %parallel_loop3A_668, %parallel_loop3A_669 : vector<16xi32>
        %parallel_loop3A_671 = arith.constant 5 : i32
        %parallel_loop3A_672 = arith.addi %parallel_loop3A_400, %parallel_loop3A_671 : i32
        %parallel_loop3A_673 = arith.constant 3 : i32
        %parallel_loop3A_674 = arith.shrsi %parallel_loop3A_672, %parallel_loop3A_673 : i32
        %parallel_loop3A_675 = arith.constant 7 : i32
        %parallel_loop3A_676 = arith.andi %parallel_loop3A_672, %parallel_loop3A_675 : i32
        %parallel_loop3A_677 = arith.constant 16 : i32
        %parallel_loop3A_678 = arith.muli %parallel_loop3A_676, %parallel_loop3A_677 : i32
        %parallel_loop3A_679 = arith.index_cast %parallel_loop3A_674 : i32 to index
        %parallel_loop3A_680 = arith.index_cast %parallel_loop3A_678 : i32 to index
        %parallel_loop3A_681 = tpu.vector_load %arg8[%parallel_loop3A_679, %parallel_loop3A_680] {strides = array<i32>} : memref<98x128xi32, #tpu.memory_space<vmem>>, vector<1x16xi32>,
        %parallel_loop3A_682 = vector.shape_cast %parallel_loop3A_681 : vector<1x16xi32> to vector<16xi32>
        %parallel_loop3A_683 = vector.shape_cast %parallel_loop3A_670 : vector<16xi32> to vector<1x16xi32>
        tpu.vector_store %arg8[%parallel_loop3A_679, %parallel_loop3A_680], %parallel_loop3A_683 {strides = array<i32>} : memref<98x128xi32, #tpu.memory_space<vmem>>, vector<1x16xi32>,
        %parallel_loop3A_684 = arith.index_cast %parallel_loop3A_674 : i32 to index
        %parallel_loop3A_685 = arith.index_cast %parallel_loop3A_678 : i32 to index
        %parallel_loop3A_686 = tpu.vector_load %arg7[%parallel_loop3A_684, %parallel_loop3A_685] {strides = array<i32>} : memref<98x128xf32, #tpu.memory_space<vmem>>, vector<1x16xf32>,
        %parallel_loop3A_687 = vector.shape_cast %parallel_loop3A_686 : vector<1x16xf32> to vector<16xf32>
        %parallel_loop3A_688 = vector.shape_cast %parallel_loop3A_650 : vector<16xf32> to vector<1x16xf32>
        tpu.vector_store %arg7[%parallel_loop3A_684, %parallel_loop3A_685], %parallel_loop3A_688 {strides = array<i32>} : memref<98x128xf32, #tpu.memory_space<vmem>>, vector<1x16xf32>,
        %parallel_loop3A_689 = arith.index_cast %parallel_loop3A_394 : i32 to index
        %parallel_loop3A_690 = arith.index_cast %parallel_loop3A_396 : i32 to index
        %parallel_loop3A_691 = arith.constant 96 : index
        %parallel_loop3A_692 = tpu.vector_load %arg6[%parallel_loop3A_689, %parallel_loop3A_690, %parallel_loop3A_691] {strides = array<i32>} : memref<7x16x112xi32, #tpu.memory_space<vmem>>, vector<1x1x16xi32>,
        %parallel_loop3A_693 = vector.shape_cast %parallel_loop3A_692 : vector<1x1x16xi32> to vector<16xi32>
        %parallel_loop3A_694 = arith.index_cast %parallel_loop3A_394 : i32 to index
        %parallel_loop3A_695 = arith.index_cast %parallel_loop3A_396 : i32 to index
        %parallel_loop3A_696 = arith.constant 96 : index
        %parallel_loop3A_697 = tpu.vector_load %arg5[%parallel_loop3A_694, %parallel_loop3A_695, %parallel_loop3A_696] {strides = array<i32>} : memref<7x16x112xf32, #tpu.memory_space<vmem>>, vector<1x1x16xf32>,
        %parallel_loop3A_698 = vector.shape_cast %parallel_loop3A_697 : vector<1x1x16xf32> to vector<16xf32>
        %parallel_loop3A_699 = arith.constant 6 : i32
        %parallel_loop3A_700 = vector.broadcast %parallel_loop3A_699 : i32 to vector<16xi32>
        %parallel_loop3A_701 = arith.shrui %parallel_loop3A_693, %parallel_loop3A_700 : vector<16xi32>
        %parallel_loop3A_702 = arith.sitofp %parallel_loop3A_701 : vector<16xi32> to vector<16xf32>
        %parallel_loop3A_703 = vector.broadcast %scan3A_54 : f32 to vector<16xf32>
        %parallel_loop3A_704 = arith.mulf %parallel_loop3A_702, %parallel_loop3A_703 : vector<16xf32>
        %parallel_loop3A_705 = arith.fptosi %parallel_loop3A_704 : vector<16xf32> to vector<16xi32>
        %parallel_loop3A_706 = arith.constant 5 : i32
        %parallel_loop3A_707 = vector.broadcast %parallel_loop3A_706 : i32 to vector<16xi32>
        %parallel_loop3A_708 = arith.shrui %parallel_loop3A_705, %parallel_loop3A_707 : vector<16xi32>
        %parallel_loop3A_709 = arith.sitofp %parallel_loop3A_708 : vector<16xi32> to vector<16xf32>
        %parallel_loop3A_710 = vector.broadcast %scan3A_55 : f32 to vector<16xf32>
        %parallel_loop3A_711 = arith.mulf %parallel_loop3A_709, %parallel_loop3A_710 : vector<16xf32>
        %parallel_loop3A_712 = arith.fptosi %parallel_loop3A_711 : vector<16xf32> to vector<16xi32>
        %parallel_loop3A_713 = arith.constant 3360 : i32
        %parallel_loop3A_714 = vector.broadcast %parallel_loop3A_713 : i32 to vector<16xi32>
        %parallel_loop3A_715 = arith.muli %parallel_loop3A_712, %parallel_loop3A_714 : vector<16xi32>
        %parallel_loop3A_716 = arith.addi %parallel_loop3A_705, %parallel_loop3A_715 : vector<16xi32>
        %parallel_loop3A_717 = vector.broadcast %parallel_loop3A_398 : i32 to vector<16xi32>
        %parallel_loop3A_718 = arith.addi %parallel_loop3A_716, %parallel_loop3A_717 : vector<16xi32>
        %parallel_loop3A_719 = arith.constant 6 : i32
        %parallel_loop3A_720 = arith.addi %parallel_loop3A_400, %parallel_loop3A_719 : i32
        %parallel_loop3A_721 = arith.constant 3 : i32
        %parallel_loop3A_722 = arith.shrsi %parallel_loop3A_720, %parallel_loop3A_721 : i32
        %parallel_loop3A_723 = arith.constant 7 : i32
        %parallel_loop3A_724 = arith.andi %parallel_loop3A_720, %parallel_loop3A_723 : i32
        %parallel_loop3A_725 = arith.constant 16 : i32
        %parallel_loop3A_726 = arith.muli %parallel_loop3A_724, %parallel_loop3A_725 : i32
        %parallel_loop3A_727 = arith.index_cast %parallel_loop3A_722 : i32 to index
        %parallel_loop3A_728 = arith.index_cast %parallel_loop3A_726 : i32 to index
        %parallel_loop3A_729 = tpu.vector_load %arg8[%parallel_loop3A_727, %parallel_loop3A_728] {strides = array<i32>} : memref<98x128xi32, #tpu.memory_space<vmem>>, vector<1x16xi32>,
        %parallel_loop3A_730 = vector.shape_cast %parallel_loop3A_729 : vector<1x16xi32> to vector<16xi32>
        %parallel_loop3A_731 = vector.shape_cast %parallel_loop3A_718 : vector<16xi32> to vector<1x16xi32>
        tpu.vector_store %arg8[%parallel_loop3A_727, %parallel_loop3A_728], %parallel_loop3A_731 {strides = array<i32>} : memref<98x128xi32, #tpu.memory_space<vmem>>, vector<1x16xi32>,
        %parallel_loop3A_732 = arith.index_cast %parallel_loop3A_722 : i32 to index
        %parallel_loop3A_733 = arith.index_cast %parallel_loop3A_726 : i32 to index
        %parallel_loop3A_734 = tpu.vector_load %arg7[%parallel_loop3A_732, %parallel_loop3A_733] {strides = array<i32>} : memref<98x128xf32, #tpu.memory_space<vmem>>, vector<1x16xf32>,
        %parallel_loop3A_735 = vector.shape_cast %parallel_loop3A_734 : vector<1x16xf32> to vector<16xf32>
        %parallel_loop3A_736 = vector.shape_cast %parallel_loop3A_698 : vector<16xf32> to vector<1x16xf32>
        tpu.vector_store %arg7[%parallel_loop3A_732, %parallel_loop3A_733], %parallel_loop3A_736 {strides = array<i32>} : memref<98x128xf32, #tpu.memory_space<vmem>>, vector<1x16xf32>,
      } {sc.loop_unroll_factor = 8 : i64, sc.parallel_access}
      %mul3A_258 = arith.constant 50176 : i32
      %mul3A_259 = arith.muli %arg1, %mul3A_258 : i32
      %add3A_260 = arith.constant 0 : i32
      %add3A_261 = arith.addi %mul3A_259, %add3A_260 : i32
      %dma_wait3A_262 = tpu.memref_slice %arg14[%add3A_261] : memref<802816xf32, #tpu.memory_space<vmem_shared>> -> memref<3136xf32, #tpu.memory_space<vmem_shared>>
      %dma_wait3A_263 = tpu.memref_slice %arg14[%add3A_261] : memref<802816xf32, #tpu.memory_space<vmem_shared>> -> memref<3136xf32, #tpu.memory_space<vmem_shared>>
      tpu.wait_dma2 semaphore(%arg16 : memref<!tpu.dma_semaphore, #tpu.memory_space<semaphore_mem>>) src(%arg13 : memref<3136xf32, #tpu.memory_space<vmem>>) dst(%dma_wait3A_263 : memref<3136xf32, #tpu.memory_space<vmem_shared>>)
      %mul3A_264 = arith.constant 50176 : i32
      %mul3A_265 = arith.muli %arg1, %mul3A_264 : i32
      %add3A_266 = arith.constant 3136 : i32
      %add3A_267 = arith.addi %mul3A_265, %add3A_266 : i32
      %dma_wait3A_268 = tpu.memref_slice %arg14[%add3A_267] : memref<802816xf32, #tpu.memory_space<vmem_shared>> -> memref<3136xf32, #tpu.memory_space<vmem_shared>>
      %dma_wait3A_269 = tpu.memref_slice %arg14[%add3A_267] : memref<802816xf32, #tpu.memory_space<vmem_shared>> -> memref<3136xf32, #tpu.memory_space<vmem_shared>>
      tpu.wait_dma2 semaphore(%arg16 : memref<!tpu.dma_semaphore, #tpu.memory_space<semaphore_mem>>) src(%arg13 : memref<3136xf32, #tpu.memory_space<vmem>>) dst(%dma_wait3A_269 : memref<3136xf32, #tpu.memory_space<vmem_shared>>)
      %mul3A_270 = arith.constant 50176 : i32
      %mul3A_271 = arith.muli %arg1, %mul3A_270 : i32
      %add3A_272 = arith.constant 6272 : i32
      %add3A_273 = arith.addi %mul3A_271, %add3A_272 : i32
      %dma_wait3A_274 = tpu.memref_slice %arg14[%add3A_273] : memref<802816xf32, #tpu.memory_space<vmem_shared>> -> memref<3136xf32, #tpu.memory_space<vmem_shared>>
      %dma_wait3A_275 = tpu.memref_slice %arg14[%add3A_273] : memref<802816xf32, #tpu.memory_space<vmem_shared>> -> memref<3136xf32, #tpu.memory_space<vmem_shared>>
      tpu.wait_dma2 semaphore(%arg16 : memref<!tpu.dma_semaphore, #tpu.memory_space<semaphore_mem>>) src(%arg13 : memref<3136xf32, #tpu.memory_space<vmem>>) dst(%dma_wait3A_275 : memref<3136xf32, #tpu.memory_space<vmem_shared>>)
      %mul3A_276 = arith.constant 50176 : i32
      %mul3A_277 = arith.muli %arg1, %mul3A_276 : i32
      %add3A_278 = arith.constant 9408 : i32
      %add3A_279 = arith.addi %mul3A_277, %add3A_278 : i32
      %dma_wait3A_280 = tpu.memref_slice %arg14[%add3A_279] : memref<802816xf32, #tpu.memory_space<vmem_shared>> -> memref<3136xf32, #tpu.memory_space<vmem_shared>>
      %dma_wait3A_281 = tpu.memref_slice %arg14[%add3A_279] : memref<802816xf32, #tpu.memory_space<vmem_shared>> -> memref<3136xf32, #tpu.memory_space<vmem_shared>>
      tpu.wait_dma2 semaphore(%arg16 : memref<!tpu.dma_semaphore, #tpu.memory_space<semaphore_mem>>) src(%arg13 : memref<3136xf32, #tpu.memory_space<vmem>>) dst(%dma_wait3A_281 : memref<3136xf32, #tpu.memory_space<vmem_shared>>)
      %mul3A_282 = arith.constant 50176 : i32
      %mul3A_283 = arith.muli %arg1, %mul3A_282 : i32
      %add3A_284 = arith.constant 12544 : i32
      %add3A_285 = arith.addi %mul3A_283, %add3A_284 : i32
      %dma_wait3A_286 = tpu.memref_slice %arg14[%add3A_285] : memref<802816xf32, #tpu.memory_space<vmem_shared>> -> memref<3136xf32, #tpu.memory_space<vmem_shared>>
      %dma_wait3A_287 = tpu.memref_slice %arg14[%add3A_285] : memref<802816xf32, #tpu.memory_space<vmem_shared>> -> memref<3136xf32, #tpu.memory_space<vmem_shared>>
      tpu.wait_dma2 semaphore(%arg16 : memref<!tpu.dma_semaphore, #tpu.memory_space<semaphore_mem>>) src(%arg13 : memref<3136xf32, #tpu.memory_space<vmem>>) dst(%dma_wait3A_287 : memref<3136xf32, #tpu.memory_space<vmem_shared>>)
      %mul3A_288 = arith.constant 50176 : i32
      %mul3A_289 = arith.muli %arg1, %mul3A_288 : i32
      %add3A_290 = arith.constant 15680 : i32
      %add3A_291 = arith.addi %mul3A_289, %add3A_290 : i32
      %dma_wait3A_292 = tpu.memref_slice %arg14[%add3A_291] : memref<802816xf32, #tpu.memory_space<vmem_shared>> -> memref<3136xf32, #tpu.memory_space<vmem_shared>>
      %dma_wait3A_293 = tpu.memref_slice %arg14[%add3A_291] : memref<802816xf32, #tpu.memory_space<vmem_shared>> -> memref<3136xf32, #tpu.memory_space<vmem_shared>>
      tpu.wait_dma2 semaphore(%arg16 : memref<!tpu.dma_semaphore, #tpu.memory_space<semaphore_mem>>) src(%arg13 : memref<3136xf32, #tpu.memory_space<vmem>>) dst(%dma_wait3A_293 : memref<3136xf32, #tpu.memory_space<vmem_shared>>)
      %mul3A_294 = arith.constant 50176 : i32
      %mul3A_295 = arith.muli %arg1, %mul3A_294 : i32
      %add3A_296 = arith.constant 18816 : i32
      %add3A_297 = arith.addi %mul3A_295, %add3A_296 : i32
      %dma_wait3A_298 = tpu.memref_slice %arg14[%add3A_297] : memref<802816xf32, #tpu.memory_space<vmem_shared>> -> memref<3136xf32, #tpu.memory_space<vmem_shared>>
      %dma_wait3A_299 = tpu.memref_slice %arg14[%add3A_297] : memref<802816xf32, #tpu.memory_space<vmem_shared>> -> memref<3136xf32, #tpu.memory_space<vmem_shared>>
      tpu.wait_dma2 semaphore(%arg16 : memref<!tpu.dma_semaphore, #tpu.memory_space<semaphore_mem>>) src(%arg13 : memref<3136xf32, #tpu.memory_space<vmem>>) dst(%dma_wait3A_299 : memref<3136xf32, #tpu.memory_space<vmem_shared>>)
      %mul3A_300 = arith.constant 50176 : i32
      %mul3A_301 = arith.muli %arg1, %mul3A_300 : i32
      %add3A_302 = arith.constant 21952 : i32
      %add3A_303 = arith.addi %mul3A_301, %add3A_302 : i32
      %dma_wait3A_304 = tpu.memref_slice %arg14[%add3A_303] : memref<802816xf32, #tpu.memory_space<vmem_shared>> -> memref<3136xf32, #tpu.memory_space<vmem_shared>>
      %dma_wait3A_305 = tpu.memref_slice %arg14[%add3A_303] : memref<802816xf32, #tpu.memory_space<vmem_shared>> -> memref<3136xf32, #tpu.memory_space<vmem_shared>>
      tpu.wait_dma2 semaphore(%arg16 : memref<!tpu.dma_semaphore, #tpu.memory_space<semaphore_mem>>) src(%arg13 : memref<3136xf32, #tpu.memory_space<vmem>>) dst(%dma_wait3A_305 : memref<3136xf32, #tpu.memory_space<vmem_shared>>)
      %mul3A_306 = arith.constant 50176 : i32
      %mul3A_307 = arith.muli %arg1, %mul3A_306 : i32
      %add3A_308 = arith.constant 25088 : i32
      %add3A_309 = arith.addi %mul3A_307, %add3A_308 : i32
      %dma_wait3A_310 = tpu.memref_slice %arg14[%add3A_309] : memref<802816xf32, #tpu.memory_space<vmem_shared>> -> memref<3136xf32, #tpu.memory_space<vmem_shared>>
      %dma_wait3A_311 = tpu.memref_slice %arg14[%add3A_309] : memref<802816xf32, #tpu.memory_space<vmem_shared>> -> memref<3136xf32, #tpu.memory_space<vmem_shared>>
      tpu.wait_dma2 semaphore(%arg16 : memref<!tpu.dma_semaphore, #tpu.memory_space<semaphore_mem>>) src(%arg13 : memref<3136xf32, #tpu.memory_space<vmem>>) dst(%dma_wait3A_311 : memref<3136xf32, #tpu.memory_space<vmem_shared>>)
      %mul3A_312 = arith.constant 50176 : i32
      %mul3A_313 = arith.muli %arg1, %mul3A_312 : i32
      %add3A_314 = arith.constant 28224 : i32
      %add3A_315 = arith.addi %mul3A_313, %add3A_314 : i32
      %dma_wait3A_316 = tpu.memref_slice %arg14[%add3A_315] : memref<802816xf32, #tpu.memory_space<vmem_shared>> -> memref<3136xf32, #tpu.memory_space<vmem_shared>>
      %dma_wait3A_317 = tpu.memref_slice %arg14[%add3A_315] : memref<802816xf32, #tpu.memory_space<vmem_shared>> -> memref<3136xf32, #tpu.memory_space<vmem_shared>>
      tpu.wait_dma2 semaphore(%arg16 : memref<!tpu.dma_semaphore, #tpu.memory_space<semaphore_mem>>) src(%arg13 : memref<3136xf32, #tpu.memory_space<vmem>>) dst(%dma_wait3A_317 : memref<3136xf32, #tpu.memory_space<vmem_shared>>)
      %mul3A_318 = arith.constant 50176 : i32
      %mul3A_319 = arith.muli %arg1, %mul3A_318 : i32
      %add3A_320 = arith.constant 31360 : i32
      %add3A_321 = arith.addi %mul3A_319, %add3A_320 : i32
      %dma_wait3A_322 = tpu.memref_slice %arg14[%add3A_321] : memref<802816xf32, #tpu.memory_space<vmem_shared>> -> memref<3136xf32, #tpu.memory_space<vmem_shared>>
      %dma_wait3A_323 = tpu.memref_slice %arg14[%add3A_321] : memref<802816xf32, #tpu.memory_space<vmem_shared>> -> memref<3136xf32, #tpu.memory_space<vmem_shared>>
      tpu.wait_dma2 semaphore(%arg16 : memref<!tpu.dma_semaphore, #tpu.memory_space<semaphore_mem>>) src(%arg13 : memref<3136xf32, #tpu.memory_space<vmem>>) dst(%dma_wait3A_323 : memref<3136xf32, #tpu.memory_space<vmem_shared>>)
      %mul3A_324 = arith.constant 50176 : i32
      %mul3A_325 = arith.muli %arg1, %mul3A_324 : i32
      %add3A_326 = arith.constant 34496 : i32
      %add3A_327 = arith.addi %mul3A_325, %add3A_326 : i32
      %dma_wait3A_328 = tpu.memref_slice %arg14[%add3A_327] : memref<802816xf32, #tpu.memory_space<vmem_shared>> -> memref<3136xf32, #tpu.memory_space<vmem_shared>>
      %dma_wait3A_329 = tpu.memref_slice %arg14[%add3A_327] : memref<802816xf32, #tpu.memory_space<vmem_shared>> -> memref<3136xf32, #tpu.memory_space<vmem_shared>>
      tpu.wait_dma2 semaphore(%arg16 : memref<!tpu.dma_semaphore, #tpu.memory_space<semaphore_mem>>) src(%arg13 : memref<3136xf32, #tpu.memory_space<vmem>>) dst(%dma_wait3A_329 : memref<3136xf32, #tpu.memory_space<vmem_shared>>)
      %mul3A_330 = arith.constant 50176 : i32
      %mul3A_331 = arith.muli %arg1, %mul3A_330 : i32
      %add3A_332 = arith.constant 37632 : i32
      %add3A_333 = arith.addi %mul3A_331, %add3A_332 : i32
      %dma_wait3A_334 = tpu.memref_slice %arg14[%add3A_333] : memref<802816xf32, #tpu.memory_space<vmem_shared>> -> memref<3136xf32, #tpu.memory_space<vmem_shared>>
      %dma_wait3A_335 = tpu.memref_slice %arg14[%add3A_333] : memref<802816xf32, #tpu.memory_space<vmem_shared>> -> memref<3136xf32, #tpu.memory_space<vmem_shared>>
      tpu.wait_dma2 semaphore(%arg16 : memref<!tpu.dma_semaphore, #tpu.memory_space<semaphore_mem>>) src(%arg13 : memref<3136xf32, #tpu.memory_space<vmem>>) dst(%dma_wait3A_335 : memref<3136xf32, #tpu.memory_space<vmem_shared>>)
      %mul3A_336 = arith.constant 50176 : i32
      %mul3A_337 = arith.muli %arg1, %mul3A_336 : i32
      %add3A_338 = arith.constant 40768 : i32
      %add3A_339 = arith.addi %mul3A_337, %add3A_338 : i32
      %dma_wait3A_340 = tpu.memref_slice %arg14[%add3A_339] : memref<802816xf32, #tpu.memory_space<vmem_shared>> -> memref<3136xf32, #tpu.memory_space<vmem_shared>>
      %dma_wait3A_341 = tpu.memref_slice %arg14[%add3A_339] : memref<802816xf32, #tpu.memory_space<vmem_shared>> -> memref<3136xf32, #tpu.memory_space<vmem_shared>>
      tpu.wait_dma2 semaphore(%arg16 : memref<!tpu.dma_semaphore, #tpu.memory_space<semaphore_mem>>) src(%arg13 : memref<3136xf32, #tpu.memory_space<vmem>>) dst(%dma_wait3A_341 : memref<3136xf32, #tpu.memory_space<vmem_shared>>)
      %mul3A_342 = arith.constant 50176 : i32
      %mul3A_343 = arith.muli %arg1, %mul3A_342 : i32
      %add3A_344 = arith.constant 43904 : i32
      %add3A_345 = arith.addi %mul3A_343, %add3A_344 : i32
      %dma_wait3A_346 = tpu.memref_slice %arg14[%add3A_345] : memref<802816xf32, #tpu.memory_space<vmem_shared>> -> memref<3136xf32, #tpu.memory_space<vmem_shared>>
      %dma_wait3A_347 = tpu.memref_slice %arg14[%add3A_345] : memref<802816xf32, #tpu.memory_space<vmem_shared>> -> memref<3136xf32, #tpu.memory_space<vmem_shared>>
      tpu.wait_dma2 semaphore(%arg16 : memref<!tpu.dma_semaphore, #tpu.memory_space<semaphore_mem>>) src(%arg13 : memref<3136xf32, #tpu.memory_space<vmem>>) dst(%dma_wait3A_347 : memref<3136xf32, #tpu.memory_space<vmem_shared>>)
      %mul3A_348 = arith.constant 50176 : i32
      %mul3A_349 = arith.muli %arg1, %mul3A_348 : i32
      %add3A_350 = arith.constant 47040 : i32
      %add3A_351 = arith.addi %mul3A_349, %add3A_350 : i32
      %dma_wait3A_352 = tpu.memref_slice %arg14[%add3A_351] : memref<802816xf32, #tpu.memory_space<vmem_shared>> -> memref<3136xf32, #tpu.memory_space<vmem_shared>>
      %dma_wait3A_353 = tpu.memref_slice %arg14[%add3A_351] : memref<802816xf32, #tpu.memory_space<vmem_shared>> -> memref<3136xf32, #tpu.memory_space<vmem_shared>>
      tpu.wait_dma2 semaphore(%arg16 : memref<!tpu.dma_semaphore, #tpu.memory_space<semaphore_mem>>) src(%arg13 : memref<3136xf32, #tpu.memory_space<vmem>>) dst(%dma_wait3A_353 : memref<3136xf32, #tpu.memory_space<vmem_shared>>)
      %barrier3A = arith.constant 0 : index
      tpu.barrier barrier_id(%barrier3A)
      %parallel_loop3A_354 = arith.constant 0 : i32
      %parallel_loop3A_355 = arith.constant 98 : i32
      %parallel_loop3A_356 = arith.constant 1 : i32
      scf.for %parallel_loop3A_392 = %parallel_loop3A_354 to %parallel_loop3A_355 step %parallel_loop3A_356  : i32 {
        %parallel_loop3A_393 = arith.constant 0 : i32
        %parallel_loop3A_394 = tpu.memref_slice %arg7[%parallel_loop3A_392, %parallel_loop3A_393] : memref<98x128xf32, #tpu.memory_space<vmem>> -> memref<1x128xf32, #tpu.memory_space<vmem>>
        %parallel_loop3A_395 = tpu.memref_squeeze %parallel_loop3A_394 : memref<1x128xf32, #tpu.memory_space<vmem>> -> memref<128xf32, #tpu.memory_space<vmem>>
        %parallel_loop3A_396 = arith.constant 0 : i32
        %parallel_loop3A_397 = tpu.memref_slice %arg8[%parallel_loop3A_392, %parallel_loop3A_396] : memref<98x128xi32, #tpu.memory_space<vmem>> -> memref<1x128xi32, #tpu.memory_space<vmem>>
        %parallel_loop3A_398 = tpu.memref_squeeze %parallel_loop3A_397 : memref<1x128xi32, #tpu.memory_space<vmem>> -> memref<128xi32, #tpu.memory_space<vmem>>
        %parallel_loop3A_399 = arith.constant 0 : i32
        %parallel_loop3A_400 = tpu.memref_slice %arg14[%parallel_loop3A_399] : memref<802816xf32, #tpu.memory_space<vmem_shared>> -> memref<802816xf32, #tpu.memory_space<vmem_shared>>
        tpu.enqueue_indirect_dma source(%parallel_loop3A_395 : memref<128xf32, #tpu.memory_space<vmem>>) target(%parallel_loop3A_400 : memref<802816xf32, #tpu.memory_space<vmem_shared>>) offsets(%parallel_loop3A_398 : memref<128xi32, #tpu.memory_space<vmem>>) semaphore(%arg15 : memref<!tpu.dma_semaphore, #tpu.memory_space<semaphore_mem>>) {add = true}
      } {sc.loop_unroll_factor = 4 : i64, sc.parallel_access}
      %lt3A_357 = arith.constant 23 : i32
      %lt3A_358 = arith.cmpi slt, %scan3A_61, %lt3A_357 : i32
      %convert_element_type3A = arith.extui %lt3A_358 : i1 to i32
      %cond3A = arith.constant 0 : i32
      %cond3A_359 = arith.cmpi ne, %convert_element_type3A, %cond3A : i32
      scf.if %cond3A_359 {
        %add3A_392 = arith.constant 1 : i32
        %add3A_393 = arith.addi %add3A_64, %add3A_392 : i32
        %jit3A_394 = arith.constant 12 : i32
        %div3A_395 = arith.divsi %add3A_393, %jit3A_394 : i32
        %sign3A_396 = arith.constant 0 : i32
        %sign3A_397 = arith.cmpi sgt, %add3A_393, %sign3A_396 : i32
        %sign3A_398 = arith.extui %sign3A_397 : i1 to i32
        %sign3A_399 = arith.constant 0 : i32
        %sign3A_400 = arith.cmpi slt, %add3A_393, %sign3A_399 : i32
        %sign3A_401 = arith.extui %sign3A_400 : i1 to i32
        %sign3A_402 = arith.subi %sign3A_398, %sign3A_401 : i32
        %sign3A_403 = arith.constant 0 : i32
        %sign3A_404 = arith.cmpi sgt, %jit3A_394, %sign3A_403 : i32
        %sign3A_405 = arith.extui %sign3A_404 : i1 to i32
        %sign3A_406 = arith.constant 0 : i32
        %sign3A_407 = arith.cmpi slt, %jit3A_394, %sign3A_406 : i32
        %sign3A_408 = arith.extui %sign3A_407 : i1 to i32
        %sign3A_409 = arith.subi %sign3A_405, %sign3A_408 : i32
        %ne3A_410 = arith.cmpi ne, %sign3A_402, %sign3A_409 : i32
        %rem3A_411 = arith.remsi %add3A_393, %jit3A_394 : i32
        %ne3A_412 = arith.constant 0 : i32
        %ne3A_413 = arith.cmpi ne, %rem3A_411, %ne3A_412 : i32
        %and3A_414 = arith.andi %ne3A_410, %ne3A_413 : i1
        %sub3A_415 = arith.constant 1 : i32
        %sub3A_416 = arith.subi %div3A_395, %sub3A_415 : i32
        %select_n3A_417 = arith.select %and3A_414, %sub3A_416, %div3A_395 : i32
        %jit3A_418 = arith.constant 12 : i32
        %eq3A_419 = arith.constant 0 : i32
        %eq3A_420 = arith.cmpi eq, %jit3A_418, %eq3A_419 : i32
        %jit3A_421 = arith.constant 1 : i32
        %select_n3A_422 = arith.select %eq3A_420, %jit3A_421, %jit3A_418 : i32
        %rem3A_423 = arith.remsi %add3A_393, %select_n3A_422 : i32
        %ne3A_424 = arith.constant 0 : i32
        %ne3A_425 = arith.cmpi ne, %rem3A_423, %ne3A_424 : i32
        %lt3A_426 = arith.constant 0 : i32
        %lt3A_427 = arith.cmpi slt, %rem3A_423, %lt3A_426 : i32
        %lt3A_428 = arith.constant 0 : i32
        %lt3A_429 = arith.cmpi slt, %select_n3A_422, %lt3A_428 : i32
        %ne3A_430 = arith.xori %lt3A_427, %lt3A_429 : i1
        %and3A_431 = arith.andi %ne3A_430, %ne3A_425 : i1
        %add3A_432 = arith.addi %rem3A_423, %select_n3A_422 : i32
        %select_n3A_433 = arith.select %and3A_431, %add3A_432, %rem3A_423 : i32
        %mul3A_434 = arith.constant 16 : i32
        %mul3A_435 = arith.muli %select_n3A_433, %mul3A_434 : i32
        %dma_start3A_436 = arith.constant 0 : i32
        %dma_start3A_437 = tpu.memref_slice %arg2[%select_n3A_417, %mul3A_6, %mul3A_435, %dma_start3A_436] : memref<4x112x192x112xf32, #tpu.memory_space<hbm>> -> memref<1x7x16x112xf32, #tpu.memory_space<hbm>>
        %dma_start3A_438 = tpu.memref_squeeze %dma_start3A_437 : memref<1x7x16x112xf32, #tpu.memory_space<hbm>> -> memref<7x16x112xf32, #tpu.memory_space<hbm>>
        %dma_start3A_439 = arith.constant 0 : i32
        %dma_start3A_440 = tpu.memref_slice %arg2[%select_n3A_417, %mul3A_6, %mul3A_435, %dma_start3A_439] : memref<4x112x192x112xf32, #tpu.memory_space<hbm>> -> memref<1x7x16x112xf32, #tpu.memory_space<hbm>>
        %dma_start3A_441 = tpu.memref_squeeze %dma_start3A_440 : memref<1x7x16x112xf32, #tpu.memory_space<hbm>> -> memref<7x16x112xf32, #tpu.memory_space<hbm>>
        tpu.enqueue_dma source(%dma_start3A_441 : memref<7x16x112xf32, #tpu.memory_space<hbm>>) target(%arg5 : memref<7x16x112xf32, #tpu.memory_space<vmem>>) target_semaphore(%arg17 : memref<!tpu.dma_semaphore, #tpu.memory_space<semaphore_mem>>)
        %dma_start3A_442 = arith.constant 0 : i32
        %dma_start3A_443 = tpu.memref_slice %arg3[%select_n3A_417, %mul3A_6, %mul3A_435, %dma_start3A_442] : memref<4x112x192x112xi32, #tpu.memory_space<hbm>> -> memref<1x7x16x112xi32, #tpu.memory_space<hbm>>
        %dma_start3A_444 = tpu.memref_squeeze %dma_start3A_443 : memref<1x7x16x112xi32, #tpu.memory_space<hbm>> -> memref<7x16x112xi32, #tpu.memory_space<hbm>>
        %dma_start3A_445 = arith.constant 0 : i32
        %dma_start3A_446 = tpu.memref_slice %arg3[%select_n3A_417, %mul3A_6, %mul3A_435, %dma_start3A_445] : memref<4x112x192x112xi32, #tpu.memory_space<hbm>> -> memref<1x7x16x112xi32, #tpu.memory_space<hbm>>
        %dma_start3A_447 = tpu.memref_squeeze %dma_start3A_446 : memref<1x7x16x112xi32, #tpu.memory_space<hbm>> -> memref<7x16x112xi32, #tpu.memory_space<hbm>>
        tpu.enqueue_dma source(%dma_start3A_447 : memref<7x16x112xi32, #tpu.memory_space<hbm>>) target(%arg6 : memref<7x16x112xi32, #tpu.memory_space<vmem>>) target_semaphore(%arg17 : memref<!tpu.dma_semaphore, #tpu.memory_space<semaphore_mem>>)
      } else {
      }
      %parallel_loop3A_360 = arith.constant 0 : i32
      %parallel_loop3A_361 = arith.constant 98 : i32
      %parallel_loop3A_362 = arith.constant 1 : i32
      scf.for %parallel_loop3A_392 = %parallel_loop3A_360 to %parallel_loop3A_361 step %parallel_loop3A_362  : i32 {
        %parallel_loop3A_393 = arith.constant 0 : i32
        %parallel_loop3A_394 = tpu.memref_slice %arg7[%parallel_loop3A_392, %parallel_loop3A_393] : memref<98x128xf32, #tpu.memory_space<vmem>> -> memref<1x128xf32, #tpu.memory_space<vmem>>
        %parallel_loop3A_395 = tpu.memref_squeeze %parallel_loop3A_394 : memref<1x128xf32, #tpu.memory_space<vmem>> -> memref<128xf32, #tpu.memory_space<vmem>>
        %parallel_loop3A_396 = arith.constant 0 : i32
        %parallel_loop3A_397 = tpu.memref_slice %arg8[%parallel_loop3A_392, %parallel_loop3A_396] : memref<98x128xi32, #tpu.memory_space<vmem>> -> memref<1x128xi32, #tpu.memory_space<vmem>>
        %parallel_loop3A_398 = tpu.memref_squeeze %parallel_loop3A_397 : memref<1x128xi32, #tpu.memory_space<vmem>> -> memref<128xi32, #tpu.memory_space<vmem>>
        %parallel_loop3A_399 = arith.constant 0 : i32
        %parallel_loop3A_400 = tpu.memref_slice %arg14[%parallel_loop3A_399] : memref<802816xf32, #tpu.memory_space<vmem_shared>> -> memref<802816xf32, #tpu.memory_space<vmem_shared>>
        tpu.wait_indirect_dma semaphore(%arg15 : memref<!tpu.dma_semaphore, #tpu.memory_space<semaphore_mem>>) src(%parallel_loop3A_395 : memref<128xf32, #tpu.memory_space<vmem>>) dst(%parallel_loop3A_400 : memref<802816xf32, #tpu.memory_space<vmem_shared>>)
      } {sc.loop_unroll_factor = 4 : i64, sc.parallel_access}
      %barrier3A_363 = arith.constant 0 : index
      tpu.barrier barrier_id(%barrier3A_363)
      %mul3A_364 = arith.constant 50176 : i32
      %mul3A_365 = arith.muli %arg1, %mul3A_364 : i32
      %add3A_366 = arith.constant 0 : i32
      %add3A_367 = arith.addi %mul3A_365, %add3A_366 : i32
      %dma_start3A_368 = tpu.memref_slice %arg14[%add3A_367] : memref<802816xf32, #tpu.memory_space<vmem_shared>> -> memref<3584xf32, #tpu.memory_space<vmem_shared>>
      %dma_start3A_369 = tpu.memref_slice %arg14[%add3A_367] : memref<802816xf32, #tpu.memory_space<vmem_shared>> -> memref<3584xf32, #tpu.memory_space<vmem_shared>>
      tpu.enqueue_dma source(%dma_start3A_369 : memref<3584xf32, #tpu.memory_space<vmem_shared>>) target(%arg9 : memref<3584xf32, #tpu.memory_space<vmem>>) target_semaphore(%arg18 : memref<!tpu.dma_semaphore, #tpu.memory_space<semaphore_mem>>)
      %scan3A_370 = arith.constant 0 : i32
      %scan3A_371 = arith.constant 0 : i32
      %scan3A_372 = arith.constant 7 : i32
      %scan3A_373 = arith.addi %scan3A_371, %scan3A_372 : i32
      %scan3A_374 = arith.constant 1 : i32
      scf.for %scan3A_392 = %scan3A_371 to %scan3A_373 step %scan3A_374  : i32 {
        %mul3A_393 = arith.constant 2 : i32
        %mul3A_394 = arith.muli %mul3A_393, %scan3A_392 : i32
        %mul3A_395 = arith.constant 50176 : i32
        %mul3A_396 = arith.muli %arg1, %mul3A_395 : i32
        %mul3A_397 = arith.constant 3584 : i32
        %mul3A_398 = arith.muli %mul3A_394, %mul3A_397 : i32
        %add3A_399 = arith.addi %mul3A_396, %mul3A_398 : i32
        %dma_wait3A_400 = tpu.memref_slice %arg14[%add3A_399] : memref<802816xf32, #tpu.memory_space<vmem_shared>> -> memref<3584xf32, #tpu.memory_space<vmem_shared>>
        %dma_wait3A_401 = tpu.memref_slice %arg14[%add3A_399] : memref<802816xf32, #tpu.memory_space<vmem_shared>> -> memref<3584xf32, #tpu.memory_space<vmem_shared>>
        tpu.wait_dma2 semaphore(%arg18 : memref<!tpu.dma_semaphore, #tpu.memory_space<semaphore_mem>>) src(%dma_wait3A_401 : memref<3584xf32, #tpu.memory_space<vmem_shared>>) dst(%arg9 : memref<3584xf32, #tpu.memory_space<vmem>>)
        %add3A_402 = arith.constant 1 : i32
        %add3A_403 = arith.addi %mul3A_394, %add3A_402 : i32
        %mul3A_404 = arith.constant 50176 : i32
        %mul3A_405 = arith.muli %arg1, %mul3A_404 : i32
        %mul3A_406 = arith.constant 3584 : i32
        %mul3A_407 = arith.muli %add3A_403, %mul3A_406 : i32
        %add3A_408 = arith.addi %mul3A_405, %mul3A_407 : i32
        %dma_start3A_409 = tpu.memref_slice %arg14[%add3A_408] : memref<802816xf32, #tpu.memory_space<vmem_shared>> -> memref<3584xf32, #tpu.memory_space<vmem_shared>>
        %dma_start3A_410 = tpu.memref_slice %arg14[%add3A_408] : memref<802816xf32, #tpu.memory_space<vmem_shared>> -> memref<3584xf32, #tpu.memory_space<vmem_shared>>
        tpu.enqueue_dma source(%dma_start3A_410 : memref<3584xf32, #tpu.memory_space<vmem_shared>>) target(%arg10 : memref<3584xf32, #tpu.memory_space<vmem>>) target_semaphore(%arg19 : memref<!tpu.dma_semaphore, #tpu.memory_space<semaphore_mem>>)
        %gt3A = arith.constant 0 : i32
        %gt3A_411 = arith.cmpi sgt, %scan3A_392, %gt3A : i32
        %convert_element_type3A_412 = arith.extui %gt3A_411 : i1 to i32
        %cond3A_413 = arith.constant 0 : i32
        %cond3A_414 = arith.cmpi ne, %convert_element_type3A_412, %cond3A_413 : i32
        scf.if %cond3A_414 {
          %sub3A_456 = arith.constant 2 : i32
          %sub3A_457 = arith.subi %mul3A_394, %sub3A_456 : i32
          %add3A_458 = arith.addi %mul3A_8, %sub3A_457 : i32
          %dma_wait3A_459 = arith.constant 0 : i32
          %dma_wait3A_460 = tpu.memref_slice %arg4[%select_n3A_88, %add3A_458, %mul3A_106, %dma_wait3A_459] : memref<4x224x192x224xf32, #tpu.memory_space<hbm>> -> memref<1x1x16x224xf32, #tpu.memory_space<hbm>>
          %dma_wait3A_461 = tpu.memref_squeeze %dma_wait3A_460 : memref<1x1x16x224xf32, #tpu.memory_space<hbm>> -> memref<1x16x224xf32, #tpu.memory_space<hbm>>
          %dma_wait3A_462 = arith.constant 0 : i32
          %dma_wait3A_463 = tpu.memref_slice %arg4[%select_n3A_88, %add3A_458, %mul3A_106, %dma_wait3A_462] : memref<4x224x192x224xf32, #tpu.memory_space<hbm>> -> memref<1x1x16x224xf32, #tpu.memory_space<hbm>>
          %dma_wait3A_464 = tpu.memref_squeeze %dma_wait3A_463 : memref<1x1x16x224xf32, #tpu.memory_space<hbm>> -> memref<1x16x224xf32, #tpu.memory_space<hbm>>
          tpu.wait_dma2 semaphore(%arg20 : memref<!tpu.dma_semaphore, #tpu.memory_space<semaphore_mem>>) src(%arg11 : memref<1x16x224xf32, #tpu.memory_space<vmem>>) dst(%dma_wait3A_464 : memref<1x16x224xf32, #tpu.memory_space<hbm>>)
        } else {
        }
        %parallel_loop3A_415 = arith.constant 0 : i32
        %parallel_loop3A_416 = arith.constant 16 : i32
        %parallel_loop3A_417 = arith.constant 1 : i32
        scf.for %parallel_loop3A_456 = %parallel_loop3A_415 to %parallel_loop3A_416 step %parallel_loop3A_417  : i32 {
          %parallel_loop3A_457 = arith.constant 224 : i32
          %parallel_loop3A_458 = arith.muli %parallel_loop3A_456, %parallel_loop3A_457 : i32
          %parallel_loop3A_459 = arith.constant 0 : i32
          %parallel_loop3A_460 = arith.addi %parallel_loop3A_458, %parallel_loop3A_459 : i32
          %parallel_loop3A_461 = arith.index_cast %parallel_loop3A_460 : i32 to index
          %parallel_loop3A_462 = tpu.vector_load %arg9[%parallel_loop3A_461] {strides = array<i32>} : memref<3584xf32, #tpu.memory_space<vmem>>, vector<16xf32>,
          %parallel_loop3A_463 = vector.shape_cast %parallel_loop3A_462 : vector<16xf32> to vector<16xf32>
          %parallel_loop3A_464 = arith.constant 0 : i32
          %parallel_loop3A_465 = arith.index_cast %parallel_loop3A_464 : i32 to index
          %parallel_loop3A_466 = arith.index_cast %parallel_loop3A_456 : i32 to index
          %parallel_loop3A_467 = arith.constant 0 : index
          %parallel_loop3A_468 = tpu.vector_load %arg11[%parallel_loop3A_465, %parallel_loop3A_466, %parallel_loop3A_467] {strides = array<i32>} : memref<1x16x224xf32, #tpu.memory_space<vmem>>, vector<1x1x16xf32>,
          %parallel_loop3A_469 = vector.shape_cast %parallel_loop3A_468 : vector<1x1x16xf32> to vector<16xf32>
          %parallel_loop3A_470 = vector.shape_cast %parallel_loop3A_463 : vector<16xf32> to vector<1x1x16xf32>
          tpu.vector_store %arg11[%parallel_loop3A_465, %parallel_loop3A_466, %parallel_loop3A_467], %parallel_loop3A_470 {strides = array<i32>} : memref<1x16x224xf32, #tpu.memory_space<vmem>>, vector<1x1x16xf32>,
          %parallel_loop3A_471 = arith.constant 16 : i32
          %parallel_loop3A_472 = arith.addi %parallel_loop3A_458, %parallel_loop3A_471 : i32
          %parallel_loop3A_473 = arith.index_cast %parallel_loop3A_472 : i32 to index
          %parallel_loop3A_474 = tpu.vector_load %arg9[%parallel_loop3A_473] {strides = array<i32>} : memref<3584xf32, #tpu.memory_space<vmem>>, vector<16xf32>,
          %parallel_loop3A_475 = vector.shape_cast %parallel_loop3A_474 : vector<16xf32> to vector<16xf32>
          %parallel_loop3A_476 = arith.constant 0 : i32
          %parallel_loop3A_477 = arith.index_cast %parallel_loop3A_476 : i32 to index
          %parallel_loop3A_478 = arith.index_cast %parallel_loop3A_456 : i32 to index
          %parallel_loop3A_479 = arith.constant 16 : index
          %parallel_loop3A_480 = tpu.vector_load %arg11[%parallel_loop3A_477, %parallel_loop3A_478, %parallel_loop3A_479] {strides = array<i32>} : memref<1x16x224xf32, #tpu.memory_space<vmem>>, vector<1x1x16xf32>,
          %parallel_loop3A_481 = vector.shape_cast %parallel_loop3A_480 : vector<1x1x16xf32> to vector<16xf32>
          %parallel_loop3A_482 = vector.shape_cast %parallel_loop3A_475 : vector<16xf32> to vector<1x1x16xf32>
          tpu.vector_store %arg11[%parallel_loop3A_477, %parallel_loop3A_478, %parallel_loop3A_479], %parallel_loop3A_482 {strides = array<i32>} : memref<1x16x224xf32, #tpu.memory_space<vmem>>, vector<1x1x16xf32>,
          %parallel_loop3A_483 = arith.constant 32 : i32
          %parallel_loop3A_484 = arith.addi %parallel_loop3A_458, %parallel_loop3A_483 : i32
          %parallel_loop3A_485 = arith.index_cast %parallel_loop3A_484 : i32 to index
          %parallel_loop3A_486 = tpu.vector_load %arg9[%parallel_loop3A_485] {strides = array<i32>} : memref<3584xf32, #tpu.memory_space<vmem>>, vector<16xf32>,
          %parallel_loop3A_487 = vector.shape_cast %parallel_loop3A_486 : vector<16xf32> to vector<16xf32>
          %parallel_loop3A_488 = arith.constant 0 : i32
          %parallel_loop3A_489 = arith.index_cast %parallel_loop3A_488 : i32 to index
          %parallel_loop3A_490 = arith.index_cast %parallel_loop3A_456 : i32 to index
          %parallel_loop3A_491 = arith.constant 32 : index
          %parallel_loop3A_492 = tpu.vector_load %arg11[%parallel_loop3A_489, %parallel_loop3A_490, %parallel_loop3A_491] {strides = array<i32>} : memref<1x16x224xf32, #tpu.memory_space<vmem>>, vector<1x1x16xf32>,
          %parallel_loop3A_493 = vector.shape_cast %parallel_loop3A_492 : vector<1x1x16xf32> to vector<16xf32>
          %parallel_loop3A_494 = vector.shape_cast %parallel_loop3A_487 : vector<16xf32> to vector<1x1x16xf32>
          tpu.vector_store %arg11[%parallel_loop3A_489, %parallel_loop3A_490, %parallel_loop3A_491], %parallel_loop3A_494 {strides = array<i32>} : memref<1x16x224xf32, #tpu.memory_space<vmem>>, vector<1x1x16xf32>,
          %parallel_loop3A_495 = arith.constant 48 : i32
          %parallel_loop3A_496 = arith.addi %parallel_loop3A_458, %parallel_loop3A_495 : i32
          %parallel_loop3A_497 = arith.index_cast %parallel_loop3A_496 : i32 to index
          %parallel_loop3A_498 = tpu.vector_load %arg9[%parallel_loop3A_497] {strides = array<i32>} : memref<3584xf32, #tpu.memory_space<vmem>>, vector<16xf32>,
          %parallel_loop3A_499 = vector.shape_cast %parallel_loop3A_498 : vector<16xf32> to vector<16xf32>
          %parallel_loop3A_500 = arith.constant 0 : i32
          %parallel_loop3A_501 = arith.index_cast %parallel_loop3A_500 : i32 to index
          %parallel_loop3A_502 = arith.index_cast %parallel_loop3A_456 : i32 to index
          %parallel_loop3A_503 = arith.constant 48 : index
          %parallel_loop3A_504 = tpu.vector_load %arg11[%parallel_loop3A_501, %parallel_loop3A_502, %parallel_loop3A_503] {strides = array<i32>} : memref<1x16x224xf32, #tpu.memory_space<vmem>>, vector<1x1x16xf32>,
          %parallel_loop3A_505 = vector.shape_cast %parallel_loop3A_504 : vector<1x1x16xf32> to vector<16xf32>
          %parallel_loop3A_506 = vector.shape_cast %parallel_loop3A_499 : vector<16xf32> to vector<1x1x16xf32>
          tpu.vector_store %arg11[%parallel_loop3A_501, %parallel_loop3A_502, %parallel_loop3A_503], %parallel_loop3A_506 {strides = array<i32>} : memref<1x16x224xf32, #tpu.memory_space<vmem>>, vector<1x1x16xf32>,
          %parallel_loop3A_507 = arith.constant 64 : i32
          %parallel_loop3A_508 = arith.addi %parallel_loop3A_458, %parallel_loop3A_507 : i32
          %parallel_loop3A_509 = arith.index_cast %parallel_loop3A_508 : i32 to index
          %parallel_loop3A_510 = tpu.vector_load %arg9[%parallel_loop3A_509] {strides = array<i32>} : memref<3584xf32, #tpu.memory_space<vmem>>, vector<16xf32>,
          %parallel_loop3A_511 = vector.shape_cast %parallel_loop3A_510 : vector<16xf32> to vector<16xf32>
          %parallel_loop3A_512 = arith.constant 0 : i32
          %parallel_loop3A_513 = arith.index_cast %parallel_loop3A_512 : i32 to index
          %parallel_loop3A_514 = arith.index_cast %parallel_loop3A_456 : i32 to index
          %parallel_loop3A_515 = arith.constant 64 : index
          %parallel_loop3A_516 = tpu.vector_load %arg11[%parallel_loop3A_513, %parallel_loop3A_514, %parallel_loop3A_515] {strides = array<i32>} : memref<1x16x224xf32, #tpu.memory_space<vmem>>, vector<1x1x16xf32>,
          %parallel_loop3A_517 = vector.shape_cast %parallel_loop3A_516 : vector<1x1x16xf32> to vector<16xf32>
          %parallel_loop3A_518 = vector.shape_cast %parallel_loop3A_511 : vector<16xf32> to vector<1x1x16xf32>
          tpu.vector_store %arg11[%parallel_loop3A_513, %parallel_loop3A_514, %parallel_loop3A_515], %parallel_loop3A_518 {strides = array<i32>} : memref<1x16x224xf32, #tpu.memory_space<vmem>>, vector<1x1x16xf32>,
          %parallel_loop3A_519 = arith.constant 80 : i32
          %parallel_loop3A_520 = arith.addi %parallel_loop3A_458, %parallel_loop3A_519 : i32
          %parallel_loop3A_521 = arith.index_cast %parallel_loop3A_520 : i32 to index
          %parallel_loop3A_522 = tpu.vector_load %arg9[%parallel_loop3A_521] {strides = array<i32>} : memref<3584xf32, #tpu.memory_space<vmem>>, vector<16xf32>,
          %parallel_loop3A_523 = vector.shape_cast %parallel_loop3A_522 : vector<16xf32> to vector<16xf32>
          %parallel_loop3A_524 = arith.constant 0 : i32
          %parallel_loop3A_525 = arith.index_cast %parallel_loop3A_524 : i32 to index
          %parallel_loop3A_526 = arith.index_cast %parallel_loop3A_456 : i32 to index
          %parallel_loop3A_527 = arith.constant 80 : index
          %parallel_loop3A_528 = tpu.vector_load %arg11[%parallel_loop3A_525, %parallel_loop3A_526, %parallel_loop3A_527] {strides = array<i32>} : memref<1x16x224xf32, #tpu.memory_space<vmem>>, vector<1x1x16xf32>,
          %parallel_loop3A_529 = vector.shape_cast %parallel_loop3A_528 : vector<1x1x16xf32> to vector<16xf32>
          %parallel_loop3A_530 = vector.shape_cast %parallel_loop3A_523 : vector<16xf32> to vector<1x1x16xf32>
          tpu.vector_store %arg11[%parallel_loop3A_525, %parallel_loop3A_526, %parallel_loop3A_527], %parallel_loop3A_530 {strides = array<i32>} : memref<1x16x224xf32, #tpu.memory_space<vmem>>, vector<1x1x16xf32>,
          %parallel_loop3A_531 = arith.constant 96 : i32
          %parallel_loop3A_532 = arith.addi %parallel_loop3A_458, %parallel_loop3A_531 : i32
          %parallel_loop3A_533 = arith.index_cast %parallel_loop3A_532 : i32 to index
          %parallel_loop3A_534 = tpu.vector_load %arg9[%parallel_loop3A_533] {strides = array<i32>} : memref<3584xf32, #tpu.memory_space<vmem>>, vector<16xf32>,
          %parallel_loop3A_535 = vector.shape_cast %parallel_loop3A_534 : vector<16xf32> to vector<16xf32>
          %parallel_loop3A_536 = arith.constant 0 : i32
          %parallel_loop3A_537 = arith.index_cast %parallel_loop3A_536 : i32 to index
          %parallel_loop3A_538 = arith.index_cast %parallel_loop3A_456 : i32 to index
          %parallel_loop3A_539 = arith.constant 96 : index
          %parallel_loop3A_540 = tpu.vector_load %arg11[%parallel_loop3A_537, %parallel_loop3A_538, %parallel_loop3A_539] {strides = array<i32>} : memref<1x16x224xf32, #tpu.memory_space<vmem>>, vector<1x1x16xf32>,
          %parallel_loop3A_541 = vector.shape_cast %parallel_loop3A_540 : vector<1x1x16xf32> to vector<16xf32>
          %parallel_loop3A_542 = vector.shape_cast %parallel_loop3A_535 : vector<16xf32> to vector<1x1x16xf32>
          tpu.vector_store %arg11[%parallel_loop3A_537, %parallel_loop3A_538, %parallel_loop3A_539], %parallel_loop3A_542 {strides = array<i32>} : memref<1x16x224xf32, #tpu.memory_space<vmem>>, vector<1x1x16xf32>,
          %parallel_loop3A_543 = arith.constant 112 : i32
          %parallel_loop3A_544 = arith.addi %parallel_loop3A_458, %parallel_loop3A_543 : i32
          %parallel_loop3A_545 = arith.index_cast %parallel_loop3A_544 : i32 to index
          %parallel_loop3A_546 = tpu.vector_load %arg9[%parallel_loop3A_545] {strides = array<i32>} : memref<3584xf32, #tpu.memory_space<vmem>>, vector<16xf32>,
          %parallel_loop3A_547 = vector.shape_cast %parallel_loop3A_546 : vector<16xf32> to vector<16xf32>
          %parallel_loop3A_548 = arith.constant 0 : i32
          %parallel_loop3A_549 = arith.index_cast %parallel_loop3A_548 : i32 to index
          %parallel_loop3A_550 = arith.index_cast %parallel_loop3A_456 : i32 to index
          %parallel_loop3A_551 = arith.constant 112 : index
          %parallel_loop3A_552 = tpu.vector_load %arg11[%parallel_loop3A_549, %parallel_loop3A_550, %parallel_loop3A_551] {strides = array<i32>} : memref<1x16x224xf32, #tpu.memory_space<vmem>>, vector<1x1x16xf32>,
          %parallel_loop3A_553 = vector.shape_cast %parallel_loop3A_552 : vector<1x1x16xf32> to vector<16xf32>
          %parallel_loop3A_554 = vector.shape_cast %parallel_loop3A_547 : vector<16xf32> to vector<1x1x16xf32>
          tpu.vector_store %arg11[%parallel_loop3A_549, %parallel_loop3A_550, %parallel_loop3A_551], %parallel_loop3A_554 {strides = array<i32>} : memref<1x16x224xf32, #tpu.memory_space<vmem>>, vector<1x1x16xf32>,
          %parallel_loop3A_555 = arith.constant 128 : i32
          %parallel_loop3A_556 = arith.addi %parallel_loop3A_458, %parallel_loop3A_555 : i32
          %parallel_loop3A_557 = arith.index_cast %parallel_loop3A_556 : i32 to index
          %parallel_loop3A_558 = tpu.vector_load %arg9[%parallel_loop3A_557] {strides = array<i32>} : memref<3584xf32, #tpu.memory_space<vmem>>, vector<16xf32>,
          %parallel_loop3A_559 = vector.shape_cast %parallel_loop3A_558 : vector<16xf32> to vector<16xf32>
          %parallel_loop3A_560 = arith.constant 0 : i32
          %parallel_loop3A_561 = arith.index_cast %parallel_loop3A_560 : i32 to index
          %parallel_loop3A_562 = arith.index_cast %parallel_loop3A_456 : i32 to index
          %parallel_loop3A_563 = arith.constant 128 : index
          %parallel_loop3A_564 = tpu.vector_load %arg11[%parallel_loop3A_561, %parallel_loop3A_562, %parallel_loop3A_563] {strides = array<i32>} : memref<1x16x224xf32, #tpu.memory_space<vmem>>, vector<1x1x16xf32>,
          %parallel_loop3A_565 = vector.shape_cast %parallel_loop3A_564 : vector<1x1x16xf32> to vector<16xf32>
          %parallel_loop3A_566 = vector.shape_cast %parallel_loop3A_559 : vector<16xf32> to vector<1x1x16xf32>
          tpu.vector_store %arg11[%parallel_loop3A_561, %parallel_loop3A_562, %parallel_loop3A_563], %parallel_loop3A_566 {strides = array<i32>} : memref<1x16x224xf32, #tpu.memory_space<vmem>>, vector<1x1x16xf32>,
          %parallel_loop3A_567 = arith.constant 144 : i32
          %parallel_loop3A_568 = arith.addi %parallel_loop3A_458, %parallel_loop3A_567 : i32
          %parallel_loop3A_569 = arith.index_cast %parallel_loop3A_568 : i32 to index
          %parallel_loop3A_570 = tpu.vector_load %arg9[%parallel_loop3A_569] {strides = array<i32>} : memref<3584xf32, #tpu.memory_space<vmem>>, vector<16xf32>,
          %parallel_loop3A_571 = vector.shape_cast %parallel_loop3A_570 : vector<16xf32> to vector<16xf32>
          %parallel_loop3A_572 = arith.constant 0 : i32
          %parallel_loop3A_573 = arith.index_cast %parallel_loop3A_572 : i32 to index
          %parallel_loop3A_574 = arith.index_cast %parallel_loop3A_456 : i32 to index
          %parallel_loop3A_575 = arith.constant 144 : index
          %parallel_loop3A_576 = tpu.vector_load %arg11[%parallel_loop3A_573, %parallel_loop3A_574, %parallel_loop3A_575] {strides = array<i32>} : memref<1x16x224xf32, #tpu.memory_space<vmem>>, vector<1x1x16xf32>,
          %parallel_loop3A_577 = vector.shape_cast %parallel_loop3A_576 : vector<1x1x16xf32> to vector<16xf32>
          %parallel_loop3A_578 = vector.shape_cast %parallel_loop3A_571 : vector<16xf32> to vector<1x1x16xf32>
          tpu.vector_store %arg11[%parallel_loop3A_573, %parallel_loop3A_574, %parallel_loop3A_575], %parallel_loop3A_578 {strides = array<i32>} : memref<1x16x224xf32, #tpu.memory_space<vmem>>, vector<1x1x16xf32>,
          %parallel_loop3A_579 = arith.constant 160 : i32
          %parallel_loop3A_580 = arith.addi %parallel_loop3A_458, %parallel_loop3A_579 : i32
          %parallel_loop3A_581 = arith.index_cast %parallel_loop3A_580 : i32 to index
          %parallel_loop3A_582 = tpu.vector_load %arg9[%parallel_loop3A_581] {strides = array<i32>} : memref<3584xf32, #tpu.memory_space<vmem>>, vector<16xf32>,
          %parallel_loop3A_583 = vector.shape_cast %parallel_loop3A_582 : vector<16xf32> to vector<16xf32>
          %parallel_loop3A_584 = arith.constant 0 : i32
          %parallel_loop3A_585 = arith.index_cast %parallel_loop3A_584 : i32 to index
          %parallel_loop3A_586 = arith.index_cast %parallel_loop3A_456 : i32 to index
          %parallel_loop3A_587 = arith.constant 160 : index
          %parallel_loop3A_588 = tpu.vector_load %arg11[%parallel_loop3A_585, %parallel_loop3A_586, %parallel_loop3A_587] {strides = array<i32>} : memref<1x16x224xf32, #tpu.memory_space<vmem>>, vector<1x1x16xf32>,
          %parallel_loop3A_589 = vector.shape_cast %parallel_loop3A_588 : vector<1x1x16xf32> to vector<16xf32>
          %parallel_loop3A_590 = vector.shape_cast %parallel_loop3A_583 : vector<16xf32> to vector<1x1x16xf32>
          tpu.vector_store %arg11[%parallel_loop3A_585, %parallel_loop3A_586, %parallel_loop3A_587], %parallel_loop3A_590 {strides = array<i32>} : memref<1x16x224xf32, #tpu.memory_space<vmem>>, vector<1x1x16xf32>,
          %parallel_loop3A_591 = arith.constant 176 : i32
          %parallel_loop3A_592 = arith.addi %parallel_loop3A_458, %parallel_loop3A_591 : i32
          %parallel_loop3A_593 = arith.index_cast %parallel_loop3A_592 : i32 to index
          %parallel_loop3A_594 = tpu.vector_load %arg9[%parallel_loop3A_593] {strides = array<i32>} : memref<3584xf32, #tpu.memory_space<vmem>>, vector<16xf32>,
          %parallel_loop3A_595 = vector.shape_cast %parallel_loop3A_594 : vector<16xf32> to vector<16xf32>
          %parallel_loop3A_596 = arith.constant 0 : i32
          %parallel_loop3A_597 = arith.index_cast %parallel_loop3A_596 : i32 to index
          %parallel_loop3A_598 = arith.index_cast %parallel_loop3A_456 : i32 to index
          %parallel_loop3A_599 = arith.constant 176 : index
          %parallel_loop3A_600 = tpu.vector_load %arg11[%parallel_loop3A_597, %parallel_loop3A_598, %parallel_loop3A_599] {strides = array<i32>} : memref<1x16x224xf32, #tpu.memory_space<vmem>>, vector<1x1x16xf32>,
          %parallel_loop3A_601 = vector.shape_cast %parallel_loop3A_600 : vector<1x1x16xf32> to vector<16xf32>
          %parallel_loop3A_602 = vector.shape_cast %parallel_loop3A_595 : vector<16xf32> to vector<1x1x16xf32>
          tpu.vector_store %arg11[%parallel_loop3A_597, %parallel_loop3A_598, %parallel_loop3A_599], %parallel_loop3A_602 {strides = array<i32>} : memref<1x16x224xf32, #tpu.memory_space<vmem>>, vector<1x1x16xf32>,
          %parallel_loop3A_603 = arith.constant 192 : i32
          %parallel_loop3A_604 = arith.addi %parallel_loop3A_458, %parallel_loop3A_603 : i32
          %parallel_loop3A_605 = arith.index_cast %parallel_loop3A_604 : i32 to index
          %parallel_loop3A_606 = tpu.vector_load %arg9[%parallel_loop3A_605] {strides = array<i32>} : memref<3584xf32, #tpu.memory_space<vmem>>, vector<16xf32>,
          %parallel_loop3A_607 = vector.shape_cast %parallel_loop3A_606 : vector<16xf32> to vector<16xf32>
          %parallel_loop3A_608 = arith.constant 0 : i32
          %parallel_loop3A_609 = arith.index_cast %parallel_loop3A_608 : i32 to index
          %parallel_loop3A_610 = arith.index_cast %parallel_loop3A_456 : i32 to index
          %parallel_loop3A_611 = arith.constant 192 : index
          %parallel_loop3A_612 = tpu.vector_load %arg11[%parallel_loop3A_609, %parallel_loop3A_610, %parallel_loop3A_611] {strides = array<i32>} : memref<1x16x224xf32, #tpu.memory_space<vmem>>, vector<1x1x16xf32>,
          %parallel_loop3A_613 = vector.shape_cast %parallel_loop3A_612 : vector<1x1x16xf32> to vector<16xf32>
          %parallel_loop3A_614 = vector.shape_cast %parallel_loop3A_607 : vector<16xf32> to vector<1x1x16xf32>
          tpu.vector_store %arg11[%parallel_loop3A_609, %parallel_loop3A_610, %parallel_loop3A_611], %parallel_loop3A_614 {strides = array<i32>} : memref<1x16x224xf32, #tpu.memory_space<vmem>>, vector<1x1x16xf32>,
          %parallel_loop3A_615 = arith.constant 208 : i32
          %parallel_loop3A_616 = arith.addi %parallel_loop3A_458, %parallel_loop3A_615 : i32
          %parallel_loop3A_617 = arith.index_cast %parallel_loop3A_616 : i32 to index
          %parallel_loop3A_618 = tpu.vector_load %arg9[%parallel_loop3A_617] {strides = array<i32>} : memref<3584xf32, #tpu.memory_space<vmem>>, vector<16xf32>,
          %parallel_loop3A_619 = vector.shape_cast %parallel_loop3A_618 : vector<16xf32> to vector<16xf32>
          %parallel_loop3A_620 = arith.constant 0 : i32
          %parallel_loop3A_621 = arith.index_cast %parallel_loop3A_620 : i32 to index
          %parallel_loop3A_622 = arith.index_cast %parallel_loop3A_456 : i32 to index
          %parallel_loop3A_623 = arith.constant 208 : index
          %parallel_loop3A_624 = tpu.vector_load %arg11[%parallel_loop3A_621, %parallel_loop3A_622, %parallel_loop3A_623] {strides = array<i32>} : memref<1x16x224xf32, #tpu.memory_space<vmem>>, vector<1x1x16xf32>,
          %parallel_loop3A_625 = vector.shape_cast %parallel_loop3A_624 : vector<1x1x16xf32> to vector<16xf32>
          %parallel_loop3A_626 = vector.shape_cast %parallel_loop3A_619 : vector<16xf32> to vector<1x1x16xf32>
          tpu.vector_store %arg11[%parallel_loop3A_621, %parallel_loop3A_622, %parallel_loop3A_623], %parallel_loop3A_626 {strides = array<i32>} : memref<1x16x224xf32, #tpu.memory_space<vmem>>, vector<1x1x16xf32>,
        } {sc.loop_unroll_factor = 2 : i64, sc.parallel_access}
        %add3A_418 = arith.addi %mul3A_8, %mul3A_394 : i32
        %dma_start3A_419 = arith.constant 0 : i32
        %dma_start3A_420 = tpu.memref_slice %arg4[%select_n3A_88, %add3A_418, %mul3A_106, %dma_start3A_419] : memref<4x224x192x224xf32, #tpu.memory_space<hbm>> -> memref<1x1x16x224xf32, #tpu.memory_space<hbm>>
        %dma_start3A_421 = tpu.memref_squeeze %dma_start3A_420 : memref<1x1x16x224xf32, #tpu.memory_space<hbm>> -> memref<1x16x224xf32, #tpu.memory_space<hbm>>
        %dma_start3A_422 = arith.constant 0 : i32
        %dma_start3A_423 = tpu.memref_slice %arg4[%select_n3A_88, %add3A_418, %mul3A_106, %dma_start3A_422] : memref<4x224x192x224xf32, #tpu.memory_space<hbm>> -> memref<1x1x16x224xf32, #tpu.memory_space<hbm>>
        %dma_start3A_424 = tpu.memref_squeeze %dma_start3A_423 : memref<1x1x16x224xf32, #tpu.memory_space<hbm>> -> memref<1x16x224xf32, #tpu.memory_space<hbm>>
        tpu.enqueue_dma source(%arg11 : memref<1x16x224xf32, #tpu.memory_space<vmem>>) target(%dma_start3A_424 : memref<1x16x224xf32, #tpu.memory_space<hbm>>) target_semaphore(%arg20 : memref<!tpu.dma_semaphore, #tpu.memory_space<semaphore_mem>>)
        %lt3A_425 = arith.constant 6 : i32
        %lt3A_426 = arith.cmpi slt, %scan3A_392, %lt3A_425 : i32
        %convert_element_type3A_427 = arith.extui %lt3A_426 : i1 to i32
        %cond3A_428 = arith.constant 0 : i32
        %cond3A_429 = arith.cmpi ne, %convert_element_type3A_427, %cond3A_428 : i32
        scf.if %cond3A_429 {
          %add3A_456 = arith.constant 2 : i32
          %add3A_457 = arith.addi %mul3A_394, %add3A_456 : i32
          %mul3A_458 = arith.constant 50176 : i32
          %mul3A_459 = arith.muli %arg1, %mul3A_458 : i32
          %mul3A_460 = arith.constant 3584 : i32
          %mul3A_461 = arith.muli %add3A_457, %mul3A_460 : i32
          %add3A_462 = arith.addi %mul3A_459, %mul3A_461 : i32
          %dma_start3A_463 = tpu.memref_slice %arg14[%add3A_462] : memref<802816xf32, #tpu.memory_space<vmem_shared>> -> memref<3584xf32, #tpu.memory_space<vmem_shared>>
          %dma_start3A_464 = tpu.memref_slice %arg14[%add3A_462] : memref<802816xf32, #tpu.memory_space<vmem_shared>> -> memref<3584xf32, #tpu.memory_space<vmem_shared>>
          tpu.enqueue_dma source(%dma_start3A_464 : memref<3584xf32, #tpu.memory_space<vmem_shared>>) target(%arg9 : memref<3584xf32, #tpu.memory_space<vmem>>) target_semaphore(%arg18 : memref<!tpu.dma_semaphore, #tpu.memory_space<semaphore_mem>>)
        } else {
        }
        %add3A_430 = arith.constant 1 : i32
        %add3A_431 = arith.addi %mul3A_394, %add3A_430 : i32
        %mul3A_432 = arith.constant 50176 : i32
        %mul3A_433 = arith.muli %arg1, %mul3A_432 : i32
        %mul3A_434 = arith.constant 3584 : i32
        %mul3A_435 = arith.muli %add3A_431, %mul3A_434 : i32
        %add3A_436 = arith.addi %mul3A_433, %mul3A_435 : i32
        %dma_wait3A_437 = tpu.memref_slice %arg14[%add3A_436] : memref<802816xf32, #tpu.memory_space<vmem_shared>> -> memref<3584xf32, #tpu.memory_space<vmem_shared>>
        %dma_wait3A_438 = tpu.memref_slice %arg14[%add3A_436] : memref<802816xf32, #tpu.memory_space<vmem_shared>> -> memref<3584xf32, #tpu.memory_space<vmem_shared>>
        tpu.wait_dma2 semaphore(%arg19 : memref<!tpu.dma_semaphore, #tpu.memory_space<semaphore_mem>>) src(%dma_wait3A_438 : memref<3584xf32, #tpu.memory_space<vmem_shared>>) dst(%arg10 : memref<3584xf32, #tpu.memory_space<vmem>>)
        %gt3A_439 = arith.constant 0 : i32
        %gt3A_440 = arith.cmpi sgt, %scan3A_392, %gt3A_439 : i32
        %convert_element_type3A_441 = arith.extui %gt3A_440 : i1 to i32
        %cond3A_442 = arith.constant 0 : i32
        %cond3A_443 = arith.cmpi ne, %convert_element_type3A_441, %cond3A_442 : i32
        scf.if %cond3A_443 {
          %sub3A_456 = arith.constant 1 : i32
          %sub3A_457 = arith.subi %mul3A_394, %sub3A_456 : i32
          %add3A_458 = arith.addi %mul3A_8, %sub3A_457 : i32
          %dma_wait3A_459 = arith.constant 0 : i32
          %dma_wait3A_460 = tpu.memref_slice %arg4[%select_n3A_88, %add3A_458, %mul3A_106, %dma_wait3A_459] : memref<4x224x192x224xf32, #tpu.memory_space<hbm>> -> memref<1x1x16x224xf32, #tpu.memory_space<hbm>>
          %dma_wait3A_461 = tpu.memref_squeeze %dma_wait3A_460 : memref<1x1x16x224xf32, #tpu.memory_space<hbm>> -> memref<1x16x224xf32, #tpu.memory_space<hbm>>
          %dma_wait3A_462 = arith.constant 0 : i32
          %dma_wait3A_463 = tpu.memref_slice %arg4[%select_n3A_88, %add3A_458, %mul3A_106, %dma_wait3A_462] : memref<4x224x192x224xf32, #tpu.memory_space<hbm>> -> memref<1x1x16x224xf32, #tpu.memory_space<hbm>>
          %dma_wait3A_464 = tpu.memref_squeeze %dma_wait3A_463 : memref<1x1x16x224xf32, #tpu.memory_space<hbm>> -> memref<1x16x224xf32, #tpu.memory_space<hbm>>
          tpu.wait_dma2 semaphore(%arg21 : memref<!tpu.dma_semaphore, #tpu.memory_space<semaphore_mem>>) src(%arg12 : memref<1x16x224xf32, #tpu.memory_space<vmem>>) dst(%dma_wait3A_464 : memref<1x16x224xf32, #tpu.memory_space<hbm>>)
        } else {
        }
        %parallel_loop3A_444 = arith.constant 0 : i32
        %parallel_loop3A_445 = arith.constant 16 : i32
        %parallel_loop3A_446 = arith.constant 1 : i32
        scf.for %parallel_loop3A_456 = %parallel_loop3A_444 to %parallel_loop3A_445 step %parallel_loop3A_446  : i32 {
          %parallel_loop3A_457 = arith.constant 224 : i32
          %parallel_loop3A_458 = arith.muli %parallel_loop3A_456, %parallel_loop3A_457 : i32
          %parallel_loop3A_459 = arith.constant 0 : i32
          %parallel_loop3A_460 = arith.addi %parallel_loop3A_458, %parallel_loop3A_459 : i32
          %parallel_loop3A_461 = arith.index_cast %parallel_loop3A_460 : i32 to index
          %parallel_loop3A_462 = tpu.vector_load %arg10[%parallel_loop3A_461] {strides = array<i32>} : memref<3584xf32, #tpu.memory_space<vmem>>, vector<16xf32>,
          %parallel_loop3A_463 = vector.shape_cast %parallel_loop3A_462 : vector<16xf32> to vector<16xf32>
          %parallel_loop3A_464 = arith.constant 0 : i32
          %parallel_loop3A_465 = arith.index_cast %parallel_loop3A_464 : i32 to index
          %parallel_loop3A_466 = arith.index_cast %parallel_loop3A_456 : i32 to index
          %parallel_loop3A_467 = arith.constant 0 : index
          %parallel_loop3A_468 = tpu.vector_load %arg12[%parallel_loop3A_465, %parallel_loop3A_466, %parallel_loop3A_467] {strides = array<i32>} : memref<1x16x224xf32, #tpu.memory_space<vmem>>, vector<1x1x16xf32>,
          %parallel_loop3A_469 = vector.shape_cast %parallel_loop3A_468 : vector<1x1x16xf32> to vector<16xf32>
          %parallel_loop3A_470 = vector.shape_cast %parallel_loop3A_463 : vector<16xf32> to vector<1x1x16xf32>
          tpu.vector_store %arg12[%parallel_loop3A_465, %parallel_loop3A_466, %parallel_loop3A_467], %parallel_loop3A_470 {strides = array<i32>} : memref<1x16x224xf32, #tpu.memory_space<vmem>>, vector<1x1x16xf32>,
          %parallel_loop3A_471 = arith.constant 16 : i32
          %parallel_loop3A_472 = arith.addi %parallel_loop3A_458, %parallel_loop3A_471 : i32
          %parallel_loop3A_473 = arith.index_cast %parallel_loop3A_472 : i32 to index
          %parallel_loop3A_474 = tpu.vector_load %arg10[%parallel_loop3A_473] {strides = array<i32>} : memref<3584xf32, #tpu.memory_space<vmem>>, vector<16xf32>,
          %parallel_loop3A_475 = vector.shape_cast %parallel_loop3A_474 : vector<16xf32> to vector<16xf32>
          %parallel_loop3A_476 = arith.constant 0 : i32
          %parallel_loop3A_477 = arith.index_cast %parallel_loop3A_476 : i32 to index
          %parallel_loop3A_478 = arith.index_cast %parallel_loop3A_456 : i32 to index
          %parallel_loop3A_479 = arith.constant 16 : index
          %parallel_loop3A_480 = tpu.vector_load %arg12[%parallel_loop3A_477, %parallel_loop3A_478, %parallel_loop3A_479] {strides = array<i32>} : memref<1x16x224xf32, #tpu.memory_space<vmem>>, vector<1x1x16xf32>,
          %parallel_loop3A_481 = vector.shape_cast %parallel_loop3A_480 : vector<1x1x16xf32> to vector<16xf32>
          %parallel_loop3A_482 = vector.shape_cast %parallel_loop3A_475 : vector<16xf32> to vector<1x1x16xf32>
          tpu.vector_store %arg12[%parallel_loop3A_477, %parallel_loop3A_478, %parallel_loop3A_479], %parallel_loop3A_482 {strides = array<i32>} : memref<1x16x224xf32, #tpu.memory_space<vmem>>, vector<1x1x16xf32>,
          %parallel_loop3A_483 = arith.constant 32 : i32
          %parallel_loop3A_484 = arith.addi %parallel_loop3A_458, %parallel_loop3A_483 : i32
          %parallel_loop3A_485 = arith.index_cast %parallel_loop3A_484 : i32 to index
          %parallel_loop3A_486 = tpu.vector_load %arg10[%parallel_loop3A_485] {strides = array<i32>} : memref<3584xf32, #tpu.memory_space<vmem>>, vector<16xf32>,
          %parallel_loop3A_487 = vector.shape_cast %parallel_loop3A_486 : vector<16xf32> to vector<16xf32>
          %parallel_loop3A_488 = arith.constant 0 : i32
          %parallel_loop3A_489 = arith.index_cast %parallel_loop3A_488 : i32 to index
          %parallel_loop3A_490 = arith.index_cast %parallel_loop3A_456 : i32 to index
          %parallel_loop3A_491 = arith.constant 32 : index
          %parallel_loop3A_492 = tpu.vector_load %arg12[%parallel_loop3A_489, %parallel_loop3A_490, %parallel_loop3A_491] {strides = array<i32>} : memref<1x16x224xf32, #tpu.memory_space<vmem>>, vector<1x1x16xf32>,
          %parallel_loop3A_493 = vector.shape_cast %parallel_loop3A_492 : vector<1x1x16xf32> to vector<16xf32>
          %parallel_loop3A_494 = vector.shape_cast %parallel_loop3A_487 : vector<16xf32> to vector<1x1x16xf32>
          tpu.vector_store %arg12[%parallel_loop3A_489, %parallel_loop3A_490, %parallel_loop3A_491], %parallel_loop3A_494 {strides = array<i32>} : memref<1x16x224xf32, #tpu.memory_space<vmem>>, vector<1x1x16xf32>,
          %parallel_loop3A_495 = arith.constant 48 : i32
          %parallel_loop3A_496 = arith.addi %parallel_loop3A_458, %parallel_loop3A_495 : i32
          %parallel_loop3A_497 = arith.index_cast %parallel_loop3A_496 : i32 to index
          %parallel_loop3A_498 = tpu.vector_load %arg10[%parallel_loop3A_497] {strides = array<i32>} : memref<3584xf32, #tpu.memory_space<vmem>>, vector<16xf32>,
          %parallel_loop3A_499 = vector.shape_cast %parallel_loop3A_498 : vector<16xf32> to vector<16xf32>
          %parallel_loop3A_500 = arith.constant 0 : i32
          %parallel_loop3A_501 = arith.index_cast %parallel_loop3A_500 : i32 to index
          %parallel_loop3A_502 = arith.index_cast %parallel_loop3A_456 : i32 to index
          %parallel_loop3A_503 = arith.constant 48 : index
          %parallel_loop3A_504 = tpu.vector_load %arg12[%parallel_loop3A_501, %parallel_loop3A_502, %parallel_loop3A_503] {strides = array<i32>} : memref<1x16x224xf32, #tpu.memory_space<vmem>>, vector<1x1x16xf32>,
          %parallel_loop3A_505 = vector.shape_cast %parallel_loop3A_504 : vector<1x1x16xf32> to vector<16xf32>
          %parallel_loop3A_506 = vector.shape_cast %parallel_loop3A_499 : vector<16xf32> to vector<1x1x16xf32>
          tpu.vector_store %arg12[%parallel_loop3A_501, %parallel_loop3A_502, %parallel_loop3A_503], %parallel_loop3A_506 {strides = array<i32>} : memref<1x16x224xf32, #tpu.memory_space<vmem>>, vector<1x1x16xf32>,
          %parallel_loop3A_507 = arith.constant 64 : i32
          %parallel_loop3A_508 = arith.addi %parallel_loop3A_458, %parallel_loop3A_507 : i32
          %parallel_loop3A_509 = arith.index_cast %parallel_loop3A_508 : i32 to index
          %parallel_loop3A_510 = tpu.vector_load %arg10[%parallel_loop3A_509] {strides = array<i32>} : memref<3584xf32, #tpu.memory_space<vmem>>, vector<16xf32>,
          %parallel_loop3A_511 = vector.shape_cast %parallel_loop3A_510 : vector<16xf32> to vector<16xf32>
          %parallel_loop3A_512 = arith.constant 0 : i32
          %parallel_loop3A_513 = arith.index_cast %parallel_loop3A_512 : i32 to index
          %parallel_loop3A_514 = arith.index_cast %parallel_loop3A_456 : i32 to index
          %parallel_loop3A_515 = arith.constant 64 : index
          %parallel_loop3A_516 = tpu.vector_load %arg12[%parallel_loop3A_513, %parallel_loop3A_514, %parallel_loop3A_515] {strides = array<i32>} : memref<1x16x224xf32, #tpu.memory_space<vmem>>, vector<1x1x16xf32>,
          %parallel_loop3A_517 = vector.shape_cast %parallel_loop3A_516 : vector<1x1x16xf32> to vector<16xf32>
          %parallel_loop3A_518 = vector.shape_cast %parallel_loop3A_511 : vector<16xf32> to vector<1x1x16xf32>
          tpu.vector_store %arg12[%parallel_loop3A_513, %parallel_loop3A_514, %parallel_loop3A_515], %parallel_loop3A_518 {strides = array<i32>} : memref<1x16x224xf32, #tpu.memory_space<vmem>>, vector<1x1x16xf32>,
          %parallel_loop3A_519 = arith.constant 80 : i32
          %parallel_loop3A_520 = arith.addi %parallel_loop3A_458, %parallel_loop3A_519 : i32
          %parallel_loop3A_521 = arith.index_cast %parallel_loop3A_520 : i32 to index
          %parallel_loop3A_522 = tpu.vector_load %arg10[%parallel_loop3A_521] {strides = array<i32>} : memref<3584xf32, #tpu.memory_space<vmem>>, vector<16xf32>,
          %parallel_loop3A_523 = vector.shape_cast %parallel_loop3A_522 : vector<16xf32> to vector<16xf32>
          %parallel_loop3A_524 = arith.constant 0 : i32
          %parallel_loop3A_525 = arith.index_cast %parallel_loop3A_524 : i32 to index
          %parallel_loop3A_526 = arith.index_cast %parallel_loop3A_456 : i32 to index
          %parallel_loop3A_527 = arith.constant 80 : index
          %parallel_loop3A_528 = tpu.vector_load %arg12[%parallel_loop3A_525, %parallel_loop3A_526, %parallel_loop3A_527] {strides = array<i32>} : memref<1x16x224xf32, #tpu.memory_space<vmem>>, vector<1x1x16xf32>,
          %parallel_loop3A_529 = vector.shape_cast %parallel_loop3A_528 : vector<1x1x16xf32> to vector<16xf32>
          %parallel_loop3A_530 = vector.shape_cast %parallel_loop3A_523 : vector<16xf32> to vector<1x1x16xf32>
          tpu.vector_store %arg12[%parallel_loop3A_525, %parallel_loop3A_526, %parallel_loop3A_527], %parallel_loop3A_530 {strides = array<i32>} : memref<1x16x224xf32, #tpu.memory_space<vmem>>, vector<1x1x16xf32>,
          %parallel_loop3A_531 = arith.constant 96 : i32
          %parallel_loop3A_532 = arith.addi %parallel_loop3A_458, %parallel_loop3A_531 : i32
          %parallel_loop3A_533 = arith.index_cast %parallel_loop3A_532 : i32 to index
          %parallel_loop3A_534 = tpu.vector_load %arg10[%parallel_loop3A_533] {strides = array<i32>} : memref<3584xf32, #tpu.memory_space<vmem>>, vector<16xf32>,
          %parallel_loop3A_535 = vector.shape_cast %parallel_loop3A_534 : vector<16xf32> to vector<16xf32>
          %parallel_loop3A_536 = arith.constant 0 : i32
          %parallel_loop3A_537 = arith.index_cast %parallel_loop3A_536 : i32 to index
          %parallel_loop3A_538 = arith.index_cast %parallel_loop3A_456 : i32 to index
          %parallel_loop3A_539 = arith.constant 96 : index
          %parallel_loop3A_540 = tpu.vector_load %arg12[%parallel_loop3A_537, %parallel_loop3A_538, %parallel_loop3A_539] {strides = array<i32>} : memref<1x16x224xf32, #tpu.memory_space<vmem>>, vector<1x1x16xf32>,
          %parallel_loop3A_541 = vector.shape_cast %parallel_loop3A_540 : vector<1x1x16xf32> to vector<16xf32>
          %parallel_loop3A_542 = vector.shape_cast %parallel_loop3A_535 : vector<16xf32> to vector<1x1x16xf32>
          tpu.vector_store %arg12[%parallel_loop3A_537, %parallel_loop3A_538, %parallel_loop3A_539], %parallel_loop3A_542 {strides = array<i32>} : memref<1x16x224xf32, #tpu.memory_space<vmem>>, vector<1x1x16xf32>,
          %parallel_loop3A_543 = arith.constant 112 : i32
          %parallel_loop3A_544 = arith.addi %parallel_loop3A_458, %parallel_loop3A_543 : i32
          %parallel_loop3A_545 = arith.index_cast %parallel_loop3A_544 : i32 to index
          %parallel_loop3A_546 = tpu.vector_load %arg10[%parallel_loop3A_545] {strides = array<i32>} : memref<3584xf32, #tpu.memory_space<vmem>>, vector<16xf32>,
          %parallel_loop3A_547 = vector.shape_cast %parallel_loop3A_546 : vector<16xf32> to vector<16xf32>
          %parallel_loop3A_548 = arith.constant 0 : i32
          %parallel_loop3A_549 = arith.index_cast %parallel_loop3A_548 : i32 to index
          %parallel_loop3A_550 = arith.index_cast %parallel_loop3A_456 : i32 to index
          %parallel_loop3A_551 = arith.constant 112 : index
          %parallel_loop3A_552 = tpu.vector_load %arg12[%parallel_loop3A_549, %parallel_loop3A_550, %parallel_loop3A_551] {strides = array<i32>} : memref<1x16x224xf32, #tpu.memory_space<vmem>>, vector<1x1x16xf32>,
          %parallel_loop3A_553 = vector.shape_cast %parallel_loop3A_552 : vector<1x1x16xf32> to vector<16xf32>
          %parallel_loop3A_554 = vector.shape_cast %parallel_loop3A_547 : vector<16xf32> to vector<1x1x16xf32>
          tpu.vector_store %arg12[%parallel_loop3A_549, %parallel_loop3A_550, %parallel_loop3A_551], %parallel_loop3A_554 {strides = array<i32>} : memref<1x16x224xf32, #tpu.memory_space<vmem>>, vector<1x1x16xf32>,
          %parallel_loop3A_555 = arith.constant 128 : i32
          %parallel_loop3A_556 = arith.addi %parallel_loop3A_458, %parallel_loop3A_555 : i32
          %parallel_loop3A_557 = arith.index_cast %parallel_loop3A_556 : i32 to index
          %parallel_loop3A_558 = tpu.vector_load %arg10[%parallel_loop3A_557] {strides = array<i32>} : memref<3584xf32, #tpu.memory_space<vmem>>, vector<16xf32>,
          %parallel_loop3A_559 = vector.shape_cast %parallel_loop3A_558 : vector<16xf32> to vector<16xf32>
          %parallel_loop3A_560 = arith.constant 0 : i32
          %parallel_loop3A_561 = arith.index_cast %parallel_loop3A_560 : i32 to index
          %parallel_loop3A_562 = arith.index_cast %parallel_loop3A_456 : i32 to index
          %parallel_loop3A_563 = arith.constant 128 : index
          %parallel_loop3A_564 = tpu.vector_load %arg12[%parallel_loop3A_561, %parallel_loop3A_562, %parallel_loop3A_563] {strides = array<i32>} : memref<1x16x224xf32, #tpu.memory_space<vmem>>, vector<1x1x16xf32>,
          %parallel_loop3A_565 = vector.shape_cast %parallel_loop3A_564 : vector<1x1x16xf32> to vector<16xf32>
          %parallel_loop3A_566 = vector.shape_cast %parallel_loop3A_559 : vector<16xf32> to vector<1x1x16xf32>
          tpu.vector_store %arg12[%parallel_loop3A_561, %parallel_loop3A_562, %parallel_loop3A_563], %parallel_loop3A_566 {strides = array<i32>} : memref<1x16x224xf32, #tpu.memory_space<vmem>>, vector<1x1x16xf32>,
          %parallel_loop3A_567 = arith.constant 144 : i32
          %parallel_loop3A_568 = arith.addi %parallel_loop3A_458, %parallel_loop3A_567 : i32
          %parallel_loop3A_569 = arith.index_cast %parallel_loop3A_568 : i32 to index
          %parallel_loop3A_570 = tpu.vector_load %arg10[%parallel_loop3A_569] {strides = array<i32>} : memref<3584xf32, #tpu.memory_space<vmem>>, vector<16xf32>,
          %parallel_loop3A_571 = vector.shape_cast %parallel_loop3A_570 : vector<16xf32> to vector<16xf32>
          %parallel_loop3A_572 = arith.constant 0 : i32
          %parallel_loop3A_573 = arith.index_cast %parallel_loop3A_572 : i32 to index
          %parallel_loop3A_574 = arith.index_cast %parallel_loop3A_456 : i32 to index
          %parallel_loop3A_575 = arith.constant 144 : index
          %parallel_loop3A_576 = tpu.vector_load %arg12[%parallel_loop3A_573, %parallel_loop3A_574, %parallel_loop3A_575] {strides = array<i32>} : memref<1x16x224xf32, #tpu.memory_space<vmem>>, vector<1x1x16xf32>,
          %parallel_loop3A_577 = vector.shape_cast %parallel_loop3A_576 : vector<1x1x16xf32> to vector<16xf32>
          %parallel_loop3A_578 = vector.shape_cast %parallel_loop3A_571 : vector<16xf32> to vector<1x1x16xf32>
          tpu.vector_store %arg12[%parallel_loop3A_573, %parallel_loop3A_574, %parallel_loop3A_575], %parallel_loop3A_578 {strides = array<i32>} : memref<1x16x224xf32, #tpu.memory_space<vmem>>, vector<1x1x16xf32>,
          %parallel_loop3A_579 = arith.constant 160 : i32
          %parallel_loop3A_580 = arith.addi %parallel_loop3A_458, %parallel_loop3A_579 : i32
          %parallel_loop3A_581 = arith.index_cast %parallel_loop3A_580 : i32 to index
          %parallel_loop3A_582 = tpu.vector_load %arg10[%parallel_loop3A_581] {strides = array<i32>} : memref<3584xf32, #tpu.memory_space<vmem>>, vector<16xf32>,
          %parallel_loop3A_583 = vector.shape_cast %parallel_loop3A_582 : vector<16xf32> to vector<16xf32>
          %parallel_loop3A_584 = arith.constant 0 : i32
          %parallel_loop3A_585 = arith.index_cast %parallel_loop3A_584 : i32 to index
          %parallel_loop3A_586 = arith.index_cast %parallel_loop3A_456 : i32 to index
          %parallel_loop3A_587 = arith.constant 160 : index
          %parallel_loop3A_588 = tpu.vector_load %arg12[%parallel_loop3A_585, %parallel_loop3A_586, %parallel_loop3A_587] {strides = array<i32>} : memref<1x16x224xf32, #tpu.memory_space<vmem>>, vector<1x1x16xf32>,
          %parallel_loop3A_589 = vector.shape_cast %parallel_loop3A_588 : vector<1x1x16xf32> to vector<16xf32>
          %parallel_loop3A_590 = vector.shape_cast %parallel_loop3A_583 : vector<16xf32> to vector<1x1x16xf32>
          tpu.vector_store %arg12[%parallel_loop3A_585, %parallel_loop3A_586, %parallel_loop3A_587], %parallel_loop3A_590 {strides = array<i32>} : memref<1x16x224xf32, #tpu.memory_space<vmem>>, vector<1x1x16xf32>,
          %parallel_loop3A_591 = arith.constant 176 : i32
          %parallel_loop3A_592 = arith.addi %parallel_loop3A_458, %parallel_loop3A_591 : i32
          %parallel_loop3A_593 = arith.index_cast %parallel_loop3A_592 : i32 to index
          %parallel_loop3A_594 = tpu.vector_load %arg10[%parallel_loop3A_593] {strides = array<i32>} : memref<3584xf32, #tpu.memory_space<vmem>>, vector<16xf32>,
          %parallel_loop3A_595 = vector.shape_cast %parallel_loop3A_594 : vector<16xf32> to vector<16xf32>
          %parallel_loop3A_596 = arith.constant 0 : i32
          %parallel_loop3A_597 = arith.index_cast %parallel_loop3A_596 : i32 to index
          %parallel_loop3A_598 = arith.index_cast %parallel_loop3A_456 : i32 to index
          %parallel_loop3A_599 = arith.constant 176 : index
          %parallel_loop3A_600 = tpu.vector_load %arg12[%parallel_loop3A_597, %parallel_loop3A_598, %parallel_loop3A_599] {strides = array<i32>} : memref<1x16x224xf32, #tpu.memory_space<vmem>>, vector<1x1x16xf32>,
          %parallel_loop3A_601 = vector.shape_cast %parallel_loop3A_600 : vector<1x1x16xf32> to vector<16xf32>
          %parallel_loop3A_602 = vector.shape_cast %parallel_loop3A_595 : vector<16xf32> to vector<1x1x16xf32>
          tpu.vector_store %arg12[%parallel_loop3A_597, %parallel_loop3A_598, %parallel_loop3A_599], %parallel_loop3A_602 {strides = array<i32>} : memref<1x16x224xf32, #tpu.memory_space<vmem>>, vector<1x1x16xf32>,
          %parallel_loop3A_603 = arith.constant 192 : i32
          %parallel_loop3A_604 = arith.addi %parallel_loop3A_458, %parallel_loop3A_603 : i32
          %parallel_loop3A_605 = arith.index_cast %parallel_loop3A_604 : i32 to index
          %parallel_loop3A_606 = tpu.vector_load %arg10[%parallel_loop3A_605] {strides = array<i32>} : memref<3584xf32, #tpu.memory_space<vmem>>, vector<16xf32>,
          %parallel_loop3A_607 = vector.shape_cast %parallel_loop3A_606 : vector<16xf32> to vector<16xf32>
          %parallel_loop3A_608 = arith.constant 0 : i32
          %parallel_loop3A_609 = arith.index_cast %parallel_loop3A_608 : i32 to index
          %parallel_loop3A_610 = arith.index_cast %parallel_loop3A_456 : i32 to index
          %parallel_loop3A_611 = arith.constant 192 : index
          %parallel_loop3A_612 = tpu.vector_load %arg12[%parallel_loop3A_609, %parallel_loop3A_610, %parallel_loop3A_611] {strides = array<i32>} : memref<1x16x224xf32, #tpu.memory_space<vmem>>, vector<1x1x16xf32>,
          %parallel_loop3A_613 = vector.shape_cast %parallel_loop3A_612 : vector<1x1x16xf32> to vector<16xf32>
          %parallel_loop3A_614 = vector.shape_cast %parallel_loop3A_607 : vector<16xf32> to vector<1x1x16xf32>
          tpu.vector_store %arg12[%parallel_loop3A_609, %parallel_loop3A_610, %parallel_loop3A_611], %parallel_loop3A_614 {strides = array<i32>} : memref<1x16x224xf32, #tpu.memory_space<vmem>>, vector<1x1x16xf32>,
          %parallel_loop3A_615 = arith.constant 208 : i32
          %parallel_loop3A_616 = arith.addi %parallel_loop3A_458, %parallel_loop3A_615 : i32
          %parallel_loop3A_617 = arith.index_cast %parallel_loop3A_616 : i32 to index
          %parallel_loop3A_618 = tpu.vector_load %arg10[%parallel_loop3A_617] {strides = array<i32>} : memref<3584xf32, #tpu.memory_space<vmem>>, vector<16xf32>,
          %parallel_loop3A_619 = vector.shape_cast %parallel_loop3A_618 : vector<16xf32> to vector<16xf32>
          %parallel_loop3A_620 = arith.constant 0 : i32
          %parallel_loop3A_621 = arith.index_cast %parallel_loop3A_620 : i32 to index
          %parallel_loop3A_622 = arith.index_cast %parallel_loop3A_456 : i32 to index
          %parallel_loop3A_623 = arith.constant 208 : index
          %parallel_loop3A_624 = tpu.vector_load %arg12[%parallel_loop3A_621, %parallel_loop3A_622, %parallel_loop3A_623] {strides = array<i32>} : memref<1x16x224xf32, #tpu.memory_space<vmem>>, vector<1x1x16xf32>,
          %parallel_loop3A_625 = vector.shape_cast %parallel_loop3A_624 : vector<1x1x16xf32> to vector<16xf32>
          %parallel_loop3A_626 = vector.shape_cast %parallel_loop3A_619 : vector<16xf32> to vector<1x1x16xf32>
          tpu.vector_store %arg12[%parallel_loop3A_621, %parallel_loop3A_622, %parallel_loop3A_623], %parallel_loop3A_626 {strides = array<i32>} : memref<1x16x224xf32, #tpu.memory_space<vmem>>, vector<1x1x16xf32>,
        } {sc.loop_unroll_factor = 2 : i64, sc.parallel_access}
        %add3A_447 = arith.constant 1 : i32
        %add3A_448 = arith.addi %mul3A_394, %add3A_447 : i32
        %add3A_449 = arith.addi %mul3A_8, %add3A_448 : i32
        %dma_start3A_450 = arith.constant 0 : i32
        %dma_start3A_451 = tpu.memref_slice %arg4[%select_n3A_88, %add3A_449, %mul3A_106, %dma_start3A_450] : memref<4x224x192x224xf32, #tpu.memory_space<hbm>> -> memref<1x1x16x224xf32, #tpu.memory_space<hbm>>
        %dma_start3A_452 = tpu.memref_squeeze %dma_start3A_451 : memref<1x1x16x224xf32, #tpu.memory_space<hbm>> -> memref<1x16x224xf32, #tpu.memory_space<hbm>>
        %dma_start3A_453 = arith.constant 0 : i32
        %dma_start3A_454 = tpu.memref_slice %arg4[%select_n3A_88, %add3A_449, %mul3A_106, %dma_start3A_453] : memref<4x224x192x224xf32, #tpu.memory_space<hbm>> -> memref<1x1x16x224xf32, #tpu.memory_space<hbm>>
        %dma_start3A_455 = tpu.memref_squeeze %dma_start3A_454 : memref<1x1x16x224xf32, #tpu.memory_space<hbm>> -> memref<1x16x224xf32, #tpu.memory_space<hbm>>
        tpu.enqueue_dma source(%arg12 : memref<1x16x224xf32, #tpu.memory_space<vmem>>) target(%dma_start3A_455 : memref<1x16x224xf32, #tpu.memory_space<hbm>>) target_semaphore(%arg21 : memref<!tpu.dma_semaphore, #tpu.memory_space<semaphore_mem>>)
      }
      %scan3A_375 = arith.constant 7 : i32
      %add3A_376 = arith.constant 12 : i32
      %add3A_377 = arith.addi %mul3A_8, %add3A_376 : i32
      %dma_wait3A_378 = arith.constant 0 : i32
      %dma_wait3A_379 = tpu.memref_slice %arg4[%select_n3A_88, %add3A_377, %mul3A_106, %dma_wait3A_378] : memref<4x224x192x224xf32, #tpu.memory_space<hbm>> -> memref<1x1x16x224xf32, #tpu.memory_space<hbm>>
      %dma_wait3A_380 = tpu.memref_squeeze %dma_wait3A_379 : memref<1x1x16x224xf32, #tpu.memory_space<hbm>> -> memref<1x16x224xf32, #tpu.memory_space<hbm>>
      %dma_wait3A_381 = arith.constant 0 : i32
      %dma_wait3A_382 = tpu.memref_slice %arg4[%select_n3A_88, %add3A_377, %mul3A_106, %dma_wait3A_381] : memref<4x224x192x224xf32, #tpu.memory_space<hbm>> -> memref<1x1x16x224xf32, #tpu.memory_space<hbm>>
      %dma_wait3A_383 = tpu.memref_squeeze %dma_wait3A_382 : memref<1x1x16x224xf32, #tpu.memory_space<hbm>> -> memref<1x16x224xf32, #tpu.memory_space<hbm>>
      tpu.wait_dma2 semaphore(%arg20 : memref<!tpu.dma_semaphore, #tpu.memory_space<semaphore_mem>>) src(%arg11 : memref<1x16x224xf32, #tpu.memory_space<vmem>>) dst(%dma_wait3A_383 : memref<1x16x224xf32, #tpu.memory_space<hbm>>)
      %add3A_384 = arith.constant 13 : i32
      %add3A_385 = arith.addi %mul3A_8, %add3A_384 : i32
      %dma_wait3A_386 = arith.constant 0 : i32
      %dma_wait3A_387 = tpu.memref_slice %arg4[%select_n3A_88, %add3A_385, %mul3A_106, %dma_wait3A_386] : memref<4x224x192x224xf32, #tpu.memory_space<hbm>> -> memref<1x1x16x224xf32, #tpu.memory_space<hbm>>
      %dma_wait3A_388 = tpu.memref_squeeze %dma_wait3A_387 : memref<1x1x16x224xf32, #tpu.memory_space<hbm>> -> memref<1x16x224xf32, #tpu.memory_space<hbm>>
      %dma_wait3A_389 = arith.constant 0 : i32
      %dma_wait3A_390 = tpu.memref_slice %arg4[%select_n3A_88, %add3A_385, %mul3A_106, %dma_wait3A_389] : memref<4x224x192x224xf32, #tpu.memory_space<hbm>> -> memref<1x1x16x224xf32, #tpu.memory_space<hbm>>
      %dma_wait3A_391 = tpu.memref_squeeze %dma_wait3A_390 : memref<1x1x16x224xf32, #tpu.memory_space<hbm>> -> memref<1x16x224xf32, #tpu.memory_space<hbm>>
      tpu.wait_dma2 semaphore(%arg21 : memref<!tpu.dma_semaphore, #tpu.memory_space<semaphore_mem>>) src(%arg12 : memref<1x16x224xf32, #tpu.memory_space<vmem>>) dst(%dma_wait3A_391 : memref<1x16x224xf32, #tpu.memory_space<hbm>>)
    }
    %scan3A_60 = arith.constant 24 : i32
    return
  }
}

</mosaic_0001>

<sc_bundles>
// kernel: kernel.3.cloned.1.call-start
scs
__scs_entry_jumppad:
0x0: {  	(pc) =	sbr.rel $0x88, $3  }
0x1: {  	(tag) =	ssettag $0x0;
	lr =	simm.s32 $0x1  }
0x2: {  	[smem:$0x3F9F] =	sst lr;
	_ =	strace $0xD0000000  }
0x3: {  	_ = 	snop  }
0x4: {  	_ = 	snop  }
0x5: {  	_ = 	snop  }
0x6: {  	_ = 	snop  }
0x7: {  	_ = 	snop  }
__scs_overlays_trampoline_lowered:
0x8: {  	[smem:$0x3FAE] =	sst s0  }
0x9: {  	[smem:$0x3FAF] =	sst s1  }
0xa: {  	[smem:$0x3FB0] =	sst s2  }
0xb: {  	[smem:$0x3FB1] =	sst s3  }
0xc: {  	[smem:$0x3FB2] =	sst s4  }
0xd: {  	[smem:$0x3FB3] =	sst s5  }
0xe: {  	[smem:$0x3FB4] =	sst s6  }
0xf: {  	[smem:$0x3FB5] =	sst s7  }
0x10: {  	[smem:$0x3FB6] =	sst s8  }
0x11: {  	[smem:$0x3FB7] =	sst s9;
	s0 =	simm.s32 @!p0 $0x0  }
0x12: {  	s1 =	sld [smem:$0x3F9D];
	s0 =	simm.s32 @p0 $0x1  }
0x13: {  	[smem:$0x3FB8] =	sst s0;
	s0 =	simm.s32 @!p1 $0x0  }
0x14: {  	s2 =	sld [smem:$0x3F9C];
	s0 =	simm.s32 @p1 $0x1  }
0x15: {  	[smem:$0x3FB9] =	sst s0;
	s0 =	simm.s32 @!p2 $0x0  }
0x16: {  	s3 =	sld [smem:$0x3FDB];
	s0 =	simm.s32 @p2 $0x1  }
0x17: {  	s4 =	simm.s32 $0x1BF5;
	[smem:$0x3FBB] =	sst s0  }
0x18: {  	s0 =	sld [smem:$0x3F9E];
	_ =	swait.ge [sflag:s4], $0x0  }
0x19: {  	s7 =	sld [smem:$0x3F9F]  }
0x1a: {  	s8 =	sadd.s32 $0xFFFFE003, lr  }
0x1b: {  	s9 =	sadd.s32 $0xFFFFFEF7, lr;
	s5 =	simm.s32 $0xFFFFFFFF;
	p2 =	slt.u32 s8, $0xFFFFF086  }
0x1c: {  	p1 =	slt.u32 s9, $0xF7A;
	s5 =	simm.s32 @!p2 $0x0  }
0x1d: {  	s5 =	simm.s32 @p1 $0x1;
	p0 =	seq.s32 s7, s2  }
0x1e: {  	s7 =	smul.u32 @!p0 $0xF7A, s2;
	p2 =	seq.s32 @!p0 s5, $0x0  }
0x1f: {  	s9 =	smul.u32 $0xF7A, s1;
	s8 =	simm.s32 @!p0 $0x1BF5;
	p2 =	por !p2, p0  }
0x20: {  	[sflag:s8] =	ssyncset.s32 @!p0 $0xFFFFF086;
	s6 =	sadd.s32 @!p0 s3, s7;
	s7 =	simm.s32 @!p0 $0x108  }
0x21: {  	s3 =	sadd.s32 s3, s9;
	s6 =	sadd.s32 @!p0 $0x88, s6;
	s7 =	simm.s32 @p2 $0x1082  }
0x22: {  	[simem:s7], [sflag:s8] =	dma.local @!p0 [hbm:s6], $0xF7A  }
0x23: {  	s9 =	sor.u32 $0xD0000000, s2;
	s6 =	simm.s32 $0x108;
	_ =	swait.ge @!p0 [sflag:s8], $0x0  }
0x24: {  	s3 =	sadd.s32 $0x88, s3;
	s6 =	simm.s32 @!p1 $0x1082;
	[sflag:s4] =	ssyncset.s32 $0xFFFFF086  }
0x25: {  	[simem:s6], [sflag:s4] =	dma.local [hbm:s3], $0xF7A  }
0x26: {  	[smem:$0x3F9F] =	sst s1;
	(tag) =	ssettag s2;
	_ =	strace s9  }
0x27: {  	s1 =	sld [smem:$0x3FAF]  }
0x28: {  	s2 =	sld [smem:$0x3FB0]  }
0x29: {  	s4 =	sld [smem:$0x3FB2]  }
0x2a: {  	p0 =	seq.s32 s5, $0x0;
	s5 =	sld [smem:$0x3FB3]  }
0x2b: {  	s6 =	sld [smem:$0x3FB4]  }
0x2c: {  	s7 =	sld [smem:$0x3FB5]  }
0x2d: {  	s3 =	simm.s32 $0x108;
	s8 =	sld [smem:$0x3FB6]  }
0x2e: {  	s3 =	simm.s32 @!p0 $0x1082;
	s9 =	sld [smem:$0x3FB7]  }
0x2f: {  	lr =	sadd.s32 s0, s3;
	s0 =	sld [smem:$0x3FAE]  }
0x30: {  	s3 =	sld [smem:$0x3FB1]  }
0x31: {  	[smem:$0x3FBA] =	sst s10  }
0x32: {  	s10 =	sld [smem:$0x3FB8];
	_ =	sdelay $0x3  }
0x33: {  	p0 =	seq.s32 s10, $0x1;
	s10 =	sld [smem:$0x3FBA];
	_ =	sdelay $0x3  }
0x34: {  	[smem:$0x3FBA] =	sst s10  }
0x35: {  	s10 =	sld [smem:$0x3FB9];
	_ =	sdelay $0x3  }
0x36: {  	p1 =	seq.s32 s10, $0x1;
	s10 =	sld [smem:$0x3FBA];
	_ =	sdelay $0x3  }
0x37: {  	[smem:$0x3FBA] =	sst s10  }
0x38: {  	s10 =	sld [smem:$0x3FBB]  }
0x39: {  	_ = 	snop;
	(pc) =	sbr.ind lr, $3  }
0x3a: {  	_ = 	snop  }
0x3b: {  	_ = 	snop  }
0x3c: {  	p2 =	seq.s32 s10, $0x1;
	s10 =	sld [smem:$0x3FBA]  }
0x3d: {  	_ =	shalt  }
0x3e: {  	_ =	shalt  }
0x3f: {  	_ =	shalt  }
0x40: {  	_ =	shalt  }
0x41: {  	_ =	shalt  }
0x42: {  	_ =	shalt  }
0x43: {  	_ =	shalt  }
0x44: {  	_ =	shalt  }
0x45: {  	_ =	shalt  }
0x46: {  	_ =	shalt  }
0x47: {  	_ =	shalt  }
0x48: {  	_ =	shalt  }
0x49: {  	_ =	shalt  }
0x4a: {  	_ =	shalt  }
0x4b: {  	_ =	shalt  }
0x4c: {  	_ =	shalt  }
0x4d: {  	_ =	shalt  }
0x4e: {  	_ =	shalt  }
0x4f: {  	_ =	shalt  }
0x50: {  	_ =	shalt  }
0x51: {  	_ =	shalt  }
0x52: {  	_ =	shalt  }
0x53: {  	_ =	shalt  }
0x54: {  	_ =	shalt  }
0x55: {  	_ =	shalt  }
0x56: {  	_ =	shalt  }
0x57: {  	_ =	shalt  }
0x58: {  	_ =	shalt  }
0x59: {  	_ =	shalt  }
0x5a: {  	_ =	shalt  }
0x5b: {  	_ =	shalt  }
0x5c: {  	_ =	shalt  }
0x5d: {  	_ =	shalt  }
0x5e: {  	_ =	shalt  }
0x5f: {  	_ =	shalt  }
0x60: {  	_ =	shalt  }
0x61: {  	_ =	shalt  }
0x62: {  	_ =	shalt  }
0x63: {  	_ =	shalt  }
0x64: {  	_ =	shalt  }
0x65: {  	_ =	shalt  }
0x66: {  	_ =	shalt  }
0x67: {  	_ =	shalt  }
0x68: {  	_ =	shalt  }
0x69: {  	_ =	shalt  }
0x6a: {  	_ =	shalt  }
0x6b: {  	_ =	shalt  }
0x6c: {  	_ =	shalt  }
0x6d: {  	_ =	shalt  }
0x6e: {  	_ =	shalt  }
0x6f: {  	_ =	shalt  }
0x70: {  	_ =	shalt  }
0x71: {  	_ =	shalt  }
0x72: {  	_ =	shalt  }
0x73: {  	_ =	shalt  }
0x74: {  	_ =	shalt  }
0x75: {  	_ =	shalt  }
0x76: {  	_ =	shalt  }
0x77: {  	_ =	shalt  }
0x78: {  	_ =	shalt  }
0x79: {  	_ =	shalt  }
0x7a: {  	_ =	shalt  }
0x7b: {  	_ =	shalt  }
0x7c: {  	_ =	shalt  }
0x7d: {  	_ =	shalt  }
0x7e: {  	_ =	shalt  }
0x7f: {  	_ =	shalt  }
0x80: {  	_ =	shalt  }
0x81: {  	_ =	shalt  }
0x82: {  	_ =	shalt  }
0x83: {  	_ =	shalt  }
0x84: {  	_ =	shalt  }
0x85: {  	_ =	shalt  }
0x86: {  	_ =	shalt  }
0x87: {  	_ =	shalt  }
.Lfunc_end0:
.L_simem_size_0:
called_computation_lowered:
.L_overlay_start_0:
0x88: {  	s2 =	sld [smem:$0x3FD9]  }
0x89: {  	s3 =	sld [smem:$0x3FFE];
	_ =	sdelay $0x1  }
0x8a: {  	s1 =	srdreg.scid  }
0x8b: {  	s0 =	sand.u32 $0x1, s1  }
0x8c: {  	s18 =	sshll.u32 s0, $0xA;
	s2 =	sadd.s32 s3, s2  }
0x8d: {  	s2 =	sadd.s32 s2, s18  }
0x8e: {  	[smem:$0x3FC6] =	sst s2  }
0x8f: {  	_ = 	snop  }
0x90: {  	s2 =	sld [smem:$0x3FC9]  }
0x91: {  	s19 =	sld [smem:$0x3FC8]  }
0x92: {  	s4 =	sld [smem:$0x3FD0];
	(tm) =	ssettm $0x1  }
0x93: {  	s5 =	sld [smem:$0x3FFB];
	_ =	sdelay $0x3  }
0x94: {  	_ =	strace s5  }
0x95: {  	s5 =	sld [smem:$0x3FFC];
	_ =	sdelay $0x3  }
0x96: {  	_ =	strace s5  }
0x97: {  	s5 =	sld [smem:$0x3FFD];
	_ =	sdelay $0x3  }
0x98: {  	_ =	strace s5  }
0x99: {  	_ =	strace $0x8FFFFFFF  }
0x9a: {  	s20 =	sld [smem:$0x3FDB];
	_ =	sdelay $0x1  }
0x9b: {  	s6 =	simm.s32 $_scs_section_size  }
0x9c: {  	s7 =	simm.s32 $_size__tile_overlayer_lowered;
	s8 =	simm.s32 $_tile_overlayer_lowered  }
0x9d: {  	s23 =	simm.s32 $0x1BFF;
	s22 =	sshll.u32 s8, $0x1;
	s5 =	sadd.s32 s6, s20  }
0x9e: {  	s9 =	simm.s32 $0x0;
	s21 =	sshll.u32 s7, $0x1;
	s7 =	sadd.s32 s22, s5  }
0x9f: {  	[timem:s9], [sflag:s23] =	dma.local [hbm:s7], s21  }
0xa0: {  	_ =	swait.ge [sflag:s23], s21  }
0xa1: {  	s6 =	ssub.s32 $0x0, s21;
	[sflag:s23] =	ssyncset.done $0x0  }
0xa2: {  	[sflag:s23] =	ssyncadd.s32 s6;
	_ =	sdelay $0x1  }
0xa3: {  	s24 =	simm.s32 $0x1B8B  }
0xa4: {  	_ =	swait.ge [sflag:s24], $0x1  }
0xa5: {  	[sflag:s24] =	ssyncset.done $0x0  }
0xa6: {  	s25 =	simm.s32 $0x1B8E;
	[sflag:s24] =	ssyncadd.s32 $0xFFFFFFFF  }
0xa7: {  	s26 =	simm.s32 $execute0_lowered;
	[smem:$0x3FD2] =	sst s25  }
0xa8: {  	s6 =	sshll.u32 s26, $0x1;
	_ =	strace $0x80000046;
	[dreg:$0x1] =	wrdreg $0xFFFFFFFF  }
0xa9: {  	s28 =	simm.s32 $_size_execute0_lowered;
	s5 =	sadd.s32 s5, s6;
	[dreg:$0x0] =	wrdreg $0x0  }
0xaa: {  	s6 =	sshll.u32 s28, $0x1;
	[dreg:$0x2] =	wrdreg s5  }
0xab: {  	[dreg:$0x3] =	wrdreg s6  }
0xac: {  	[dreg:$0x4] =	wrdreg $0xC0  }
0xad: {  	_ =	task [dreg:s9], $0x5FFFF  }
0xae: {  	[dreg:$0x1] =	wrdreg $0xFFFFFFFF  }
0xaf: {  	[dreg:$0x0] =	wrdreg $0x60  }
0xb0: {  	[dreg:$0x2] =	wrdreg s2  }
0xb1: {  	[dreg:$0x3] =	wrdreg s19  }
0xb2: {  	[dreg:$0x4] =	wrdreg s4  }
0xb3: {  	[dreg:$0x5] =	wrdreg $0x120800  }
0xb4: {  	[dreg:$0x6] =	wrdreg $0x9  }
0xb5: {  	_ =	task.clear_ibuf [dreg:s9], $0x7FFFF;
	_ =	strace $0x90000046  }
0xb6: {  	s29 =	simm.s32 $0x9;
	_ =	strace $0x80000048  }
0xb7: {  	_ =	swait.ge [sflag:s29], $0x1  }
0xb8: {  	[sflag:s29] =	ssyncadd.s32 $0xFFFFFFFF  }
0xb9: {  	_ =	strace $0x90000048  }
0xba: {  	_ =	sfence  }
0xbb: {  	s30 =	sld [smem:$0x0];
	_ =	sdelay $0x2  }
0xbc: {  	s31 =	sshll.u32 s1, $0xD;
	s1 =	sshrl.u32 s1, $0x2  }
0xbd: {  	s3 =	sand.u32 $0x4000, s31;
	s1 =	sadd.s32 s1, s30  }
0xbe: {  	s0 =	sor.u32 s3, s0;
	s1 =	sshll.u32 s1, $0x11  }
0xbf: {  	s0 =	sor.u32 s1, s0  }
0xc0: {  	s0 =	sadd.s32 $0x8F2B, s0  }
0xc1: {  	[sflag:s0] =	ssyncadd.remote.s32 $0x1  }
0xc2: {  	_ =	sfence.sel $0xFFFF  }
0xc3: {  	[dreg:$0x0] =	wrdreg $0xFFFFFFFF;
	(pc) =	sbr.abs _section_cstart, $3  }
0xc4: {  	[dreg:$0x1] =	wrdreg $0xFFFFFFFF  }
0xc5: {  	_ =	task.clear_ibuf [dreg:s9], $0x2FFFF;
	_ =	strace $0x9FFFFFFF  }
0xc6: {  	(tm) =	ssettm $0x7FFFFFFF  }
0xc7: {  	_ =	shalt  }
tec
execute0_lowered:
.L_overlay_start_1:
0x0: {  	(tag) =	ssettag $0x1  }
0x1: {  	s6 =	rddreg [dreg:$0x0]  }
0x2: {  	s7 =	rddreg [dreg:$0x1]  }
0x3: {  	s5 =	rddreg [dreg:$0x3];
	s8 =	stileid.u32  }
0x4: {  	s0 =	srdreg.scid;
	s9 =	smul.u32 $0x2A000, s8  }
0x5: {  	s1 =	simm.s32 $0x0;
	s0 =	sand.u32 $0x1, s0;
	s4 =	smul.u32 $0x31000, s8  }
0x6: {  	[smem:$0x7FF] =	sst s1;
	s2 =	smul.u32 $0x540000, s0  }
0x7: {  	s10 =	ssub.s32 $0x2, s0;
	s0 =	smul.u32 $0x18, s0;
	s12 =	sshrl.u32 s4, $0x2  }
0x8: {  	_ =	strace $0x80000047;
	[dreg:$0x5] =	wrdreg s9;
	s12 =	sadd.s32 s12, s5  }
0x9: {  	[dreg:$0x6] =	wrdreg s0;
	s14 =	sadd.s32 $0xC40, s12  }
0xa: {  	s15 =	sadd.s32 $0x1880, s12;
	[dreg:$0x9] =	wrdreg s14  }
0xb: {  	s16 =	sadd.s32 $0x24C0, s12;
	[dreg:$0xa] =	wrdreg s15  }
0xc: {  	s17 =	sadd.s32 $0x3100, s12;
	[dreg:$0xb] =	wrdreg s16  }
0xd: {  	s18 =	sadd.s32 $0x3D40, s12;
	[dreg:$0xc] =	wrdreg s17  }
0xe: {  	s19 =	sadd.s32 $0x4980, s12;
	[dreg:$0xd] =	wrdreg s18  }
0xf: {  	s20 =	sadd.s32 $0x55C0, s12;
	[dreg:$0xe] =	wrdreg s19  }
0x10: {  	s21 =	sadd.s32 $0x6200, s12;
	[dreg:$0xf] =	wrdreg s20  }
0x11: {  	s22 =	sadd.s32 $0x6E40, s12;
	[dreg:$0x10] =	wrdreg s21  }
0x12: {  	s23 =	sadd.s32 $0x7A80, s12;
	[dreg:$0x11] =	wrdreg s22  }
0x13: {  	s3 =	sshrl.u32 s10, $0x1;
	s24 =	sadd.s32 $0x86C0, s12;
	[dreg:$0x12] =	wrdreg s23  }
0x14: {  	s1 =	ssub.s32 s10, s3;
	s25 =	sadd.s32 $0x9300, s12;
	[dreg:$0x13] =	wrdreg s24  }
0x15: {  	s26 =	smax.u32 s1, $0x1;
	[dreg:$0x14] =	wrdreg s25  }
0x16: {  	s28 =	sadd.s32 $0x9F40, s12;
	[dreg:$0x15] =	wrdreg s26  }
0x17: {  	s2 =	sadd.s32 s9, s2;
	s29 =	sadd.s32 $0xAB80, s12;
	[dreg:$0x16] =	wrdreg s28  }
0x18: {  	s11 =	sshrl.u32 s2, $0x3;
	s30 =	sadd.s32 $0xB7C0, s12;
	[dreg:$0x17] =	wrdreg s29  }
0x19: {  	s31 =	simm.s32 $0x80;
	s13 =	sadd.s32 s6, s11;
	[dreg:$0x18] =	wrdreg s30  }
0x1a: {  	s8 =	smul.u32 $0xE, s8;
	s0 =	sadd.s32 s7, s11;
	[dreg:$0x7] =	wrdreg s13  }
0x1b: {  	v0 =	vimm.f32 $0.0e+00;
	s10 =	simm.s32 $0x1;
	s1 =	simm.s32 $0x0;
	[dreg:$0x8] =	wrdreg s0  }
.LBB2_1:
0x1c: {  	[dreg:$0x19] =	wrdreg s1;
	s0 =	simm.s32 $0x40;
	s1 =	simm.s32 $0x0  }
.LBB2_2:
0x1d: {  	p0 =	sne.s32 s0, $0x30C0;
	[tilespmem:s1+$0x11400] =	vst v0;
	s1 =	smov.u32 s0;
	s0 =	sadd.s32 $0x40, s0  }
.Ltmp0:
0x1e: {  	(pc) =	sbr.rel @p0 .LBB2_2-.Ltmp0, $2  }
0x1f: {  	_ =	sdelay $0x2  }
0x20: {  	s1 =	sshra.s32 s1, $0x2  }
0x21: {  	s4 =	simm.s32 $0x0;
	s0 =	rddreg [dreg:$0x7];
	s28 =	simm.s32 $0x800  }
0x22: {  	[tilespmem:s1+$0x11400] =	vst v0;
	s2 =	simm.s32 $0x6000;
	s3 =	simm.s32 $0x0;
	s29 =	rddreg [dreg:$0x8]  }
0x23: {  	[tilespmem:s4], [sflag:$0x3] =	stream.strided.gather [hbm4b:s0+s28], $0x3800, s2, s28, $0x38;
	[tilespmem:$0x1E480] =	vst v63  }
0x24: {  	s30 =	simm.s32 $0x3800;
	[dreg:$0x1a] =	wrdreg s3  }
0x25: {  	[tilespmem:s30], [sflag:$0x3] =	stream.strided.gather [hbm4b:s29+s28], $0x3800, s2, s28, $0x38;
	[tilespmem:$0x1E480] =	vst v63  }
.LBB2_4:
0x26: {  	s1 =	simm.s32 $0x11400  }
0x27: {  	[spmem:s12] =	stream.linear.scatter [tilespmem:s1], [sflag:$0x2], $0xC40, $0x38;
	[tilespmem:$0x1E480] =	vst v63  }
0x28: {  	s0 =	rddreg [dreg:$0x9]  }
0x29: {  	[spmem:s0] =	stream.linear.scatter [tilespmem:s1], [sflag:$0x2], $0xC40, $0x38;
	[tilespmem:$0x1E480] =	vst v63  }
0x2a: {  	s15 =	rddreg [dreg:$0xa]  }
0x2b: {  	[spmem:s15] =	stream.linear.scatter [tilespmem:s1], [sflag:$0x2], $0xC40, $0x38;
	[tilespmem:$0x1E480] =	vst v63  }
0x2c: {  	s16 =	rddreg [dreg:$0xb]  }
0x2d: {  	[spmem:s16] =	stream.linear.scatter [tilespmem:s1], [sflag:$0x2], $0xC40, $0x38;
	[tilespmem:$0x1E480] =	vst v63  }
0x2e: {  	s17 =	rddreg [dreg:$0xc]  }
0x2f: {  	[spmem:s17] =	stream.linear.scatter [tilespmem:s1], [sflag:$0x2], $0xC40, $0x38;
	[tilespmem:$0x1E480] =	vst v63  }
0x30: {  	s18 =	rddreg [dreg:$0xd]  }
0x31: {  	[spmem:s18] =	stream.linear.scatter [tilespmem:s1], [sflag:$0x2], $0xC40, $0x38;
	[tilespmem:$0x1E480] =	vst v63  }
0x32: {  	s19 =	rddreg [dreg:$0xe]  }
0x33: {  	[spmem:s19] =	stream.linear.scatter [tilespmem:s1], [sflag:$0x2], $0xC40, $0x38;
	[tilespmem:$0x1E480] =	vst v63  }
0x34: {  	s20 =	rddreg [dreg:$0xf]  }
0x35: {  	[spmem:s20] =	stream.linear.scatter [tilespmem:s1], [sflag:$0x2], $0xC40, $0x38;
	[tilespmem:$0x1E480] =	vst v63  }
0x36: {  	s21 =	rddreg [dreg:$0x10]  }
0x37: {  	[spmem:s21] =	stream.linear.scatter [tilespmem:s1], [sflag:$0x2], $0xC40, $0x38;
	[tilespmem:$0x1E480] =	vst v63  }
0x38: {  	s22 =	rddreg [dreg:$0x11]  }
0x39: {  	[spmem:s22] =	stream.linear.scatter [tilespmem:s1], [sflag:$0x2], $0xC40, $0x38;
	[tilespmem:$0x1E480] =	vst v63  }
0x3a: {  	s23 =	rddreg [dreg:$0x12]  }
0x3b: {  	[spmem:s23] =	stream.linear.scatter [tilespmem:s1], [sflag:$0x2], $0xC40, $0x38;
	[tilespmem:$0x1E480] =	vst v63  }
0x3c: {  	s24 =	rddreg [dreg:$0x13]  }
0x3d: {  	[spmem:s24] =	stream.linear.scatter [tilespmem:s1], [sflag:$0x2], $0xC40, $0x38;
	[tilespmem:$0x1E480] =	vst v63  }
0x3e: {  	s25 =	rddreg [dreg:$0x14]  }
0x3f: {  	[spmem:s25] =	stream.linear.scatter [tilespmem:s1], [sflag:$0x2], $0xC40, $0x38;
	[tilespmem:$0x1E480] =	vst v63  }
0x40: {  	s26 =	rddreg [dreg:$0x16]  }
0x41: {  	[spmem:s26] =	stream.linear.scatter [tilespmem:s1], [sflag:$0x2], $0xC40, $0x38;
	[tilespmem:$0x1E480] =	vst v63  }
0x42: {  	s28 =	rddreg [dreg:$0x17]  }
0x43: {  	[spmem:s28] =	stream.linear.scatter [tilespmem:s1], [sflag:$0x2], $0xC40, $0x38;
	[tilespmem:$0x1E480] =	vst v63  }
0x44: {  	s29 =	rddreg [dreg:$0x18];
	s30 =	simm.s32 $0x3  }
0x45: {  	[spmem:s29] =	stream.linear.scatter [tilespmem:s1], [sflag:$0x2], $0xC40, $0x38;
	[tilespmem:$0x1E480] =	vst v63  }
0x46: {  	_ =	swait.ge [sflag:s30], $0x3800  }
0x47: {  	[sflag:s30] =	ssyncset.done $0x0  }
0x48: {  	[sflag:s30] =	ssyncadd.s32 $0xFFFFC800  }
0x49: {  	_ =	swait.ge [sflag:s30], $0x3800  }
0x4a: {  	[sflag:s30] =	ssyncset.done $0x0  }
0x4b: {  	s16 =	simm.s32 $0x0;
	[sflag:s30] =	ssyncadd.s32 $0xFFFFC800  }
.LBB2_5:
0x4c: {  	s18 =	sshll.u32 s16, $0x7  }
0x4d: {  	v1 =	vld [tilespmem:s18+$0x3800];
	_ =	sdelay $0x4  }
0x4e: {  	v1 =	vshrl.u32 v1, $0x6  }
0x4f: {  	v1 =	vcvt.s32.f32 v1;
	_ =	sdelay $0x1  }
0x50: {  	v1 =	vmul.f32 $3.333333430e-01, v1;
	_ =	sdelay $0x1  }
0x51: {  	v1 =	vtrunc.f32 v1  }
0x52: {  	v1 =	vcvt.f32.s32 v1;
	_ =	sdelay $0x1  }
0x53: {  	v2 =	vshrl.u32 v1, $0x5  }
0x54: {  	v2 =	vcvt.s32.f32 v2;
	_ =	sdelay $0x1  }
0x55: {  	v2 =	vmul.f32 $1.428571490e-01, v2;
	_ =	sdelay $0x1  }
0x56: {  	v3 =	vld [tilespmem:s18+$0x0];
	v2 =	vtrunc.f32 v2  }
0x57: {  	s0 =	sand.u32 $0x8, s16;
	v2 =	vcvt.f32.s32 v2  }
0x58: {  	s21 =	smul.u32 $0xE0, s0  }
0x59: {  	s17 =	smul.u32 $0x70, s16;
	v2 =	vmul.u32 $0xD20, v2  }
0x5a: {  	v1 =	vadd.s32 s21, v1  }
0x5b: {  	[tilespmem:s17+$0x7000] =	vst v3;
	v1 =	vadd.s32 v2, v1  }
0x5c: {  	[tilespmem:s17+$0xA400] =	vst v1  }
0x5d: {  	v1 =	vld [tilespmem:s18+$0x3810];
	_ =	sdelay $0x4  }
0x5e: {  	v1 =	vshrl.u32 v1, $0x6  }
0x5f: {  	v1 =	vcvt.s32.f32 v1;
	_ =	sdelay $0x1  }
0x60: {  	v1 =	vmul.f32 $3.333333430e-01, v1;
	_ =	sdelay $0x1  }
0x61: {  	v1 =	vtrunc.f32 v1  }
0x62: {  	v1 =	vcvt.f32.s32 v1;
	_ =	sdelay $0x1  }
0x63: {  	v2 =	vshrl.u32 v1, $0x5  }
0x64: {  	v2 =	vcvt.s32.f32 v2;
	_ =	sdelay $0x1  }
0x65: {  	v2 =	vmul.f32 $1.428571490e-01, v2;
	_ =	sdelay $0x1  }
0x66: {  	v3 =	vld [tilespmem:s18+$0x10];
	v2 =	vtrunc.f32 v2  }
0x67: {  	v2 =	vcvt.f32.s32 v2;
	_ =	sdelay $0x1  }
0x68: {  	v2 =	vmul.u32 $0xD20, v2  }
0x69: {  	v1 =	vadd.s32 s21, v1  }
0x6a: {  	[tilespmem:s17+$0x7010] =	vst v3;
	v1 =	vadd.s32 v2, v1  }
0x6b: {  	[tilespmem:s17+$0xA410] =	vst v1  }
0x6c: {  	s29 =	sor.u32 $0x1, s16;
	v1 =	vld [tilespmem:s18+$0x3820]  }
0x6d: {  	s19 =	sshll.u32 s29, $0x7  }
0x6e: {  	v2 =	vld [tilespmem:s19+$0x3800];
	_ =	sdelay $0x2  }
0x6f: {  	v1 =	vshrl.u32 v1, $0x6  }
0x70: {  	v1 =	vcvt.s32.f32 v1  }
0x71: {  	v2 =	vshrl.u32 v2, $0x6  }
0x72: {  	v2 =	vcvt.s32.f32 v2;
	v1 =	vmul.f32 $3.333333430e-01, v1;
	_ =	sdelay $0x1  }
0x73: {  	v2 =	vmul.f32 $3.333333430e-01, v2;
	v1 =	vtrunc.f32 v1  }
0x74: {  	v1 =	vcvt.f32.s32 v1  }
0x75: {  	v2 =	vtrunc.f32 v2  }
0x76: {  	v2 =	vcvt.f32.s32 v2;
	v3 =	vshrl.u32 v1, $0x5  }
0x77: {  	v3 =	vcvt.s32.f32 v3  }
0x78: {  	v4 =	vshrl.u32 v2, $0x5  }
0x79: {  	v4 =	vcvt.s32.f32 v4;
	v3 =	vmul.f32 $1.428571490e-01, v3;
	_ =	sdelay $0x1  }
0x7a: {  	v5 =	vld [tilespmem:s18+$0x20];
	v4 =	vmul.f32 $1.428571490e-01, v4;
	v3 =	vtrunc.f32 v3  }
0x7b: {  	v3 =	vcvt.f32.s32 v3  }
0x7c: {  	v6 =	vld [tilespmem:s19+$0x0];
	v4 =	vtrunc.f32 v4  }
0x7d: {  	s1 =	sand.u32 $0x9, s29;
	v4 =	vcvt.f32.s32 v4;
	v3 =	vmul.u32 $0xD20, v3  }
0x7e: {  	s24 =	smul.u32 $0xE0, s1;
	v1 =	vadd.s32 s21, v1  }
0x7f: {  	s20 =	smul.u32 $0x70, s29;
	[tilespmem:s17+$0x7020] =	vst v5;
	v1 =	vadd.s32 v3, v1;
	v3 =	vmul.u32 $0xD20, v4  }
0x80: {  	[tilespmem:s17+$0xA420] =	vst v1;
	v1 =	vadd.s32 s24, v2  }
0x81: {  	[tilespmem:s20+$0x7000] =	vst v6;
	v1 =	vadd.s32 v3, v1;
	v2 =	vld [tilespmem:s18+$0x3830]  }
0x82: {  	[tilespmem:s20+$0xA400] =	vst v1  }
0x83: {  	v1 =	vld [tilespmem:s19+$0x3810];
	_ =	sdelay $0x2  }
0x84: {  	v2 =	vshrl.u32 v2, $0x6  }
0x85: {  	v2 =	vcvt.s32.f32 v2  }
0x86: {  	v1 =	vshrl.u32 v1, $0x6  }
0x87: {  	v2 =	vmul.f32 $3.333333430e-01, v2;
	v1 =	vcvt.s32.f32 v1;
	_ =	sdelay $0x1  }
0x88: {  	v2 =	vtrunc.f32 v2;
	v1 =	vmul.f32 $3.333333430e-01, v1  }
0x89: {  	v2 =	vcvt.f32.s32 v2  }
0x8a: {  	s30 =	sor.u32 $0x2, s16;
	v1 =	vtrunc.f32 v1  }
0x8b: {  	s22 =	sshll.u32 s30, $0x7;
	v3 =	vshrl.u32 v2, $0x5;
	v1 =	vcvt.f32.s32 v1  }
0x8c: {  	v42 =	vld [tilespmem:s22+$0x3800];
	v3 =	vcvt.s32.f32 v3  }
0x8d: {  	v43 =	vshrl.u32 v1, $0x5  }
0x8e: {  	v3 =	vmul.f32 $1.428571490e-01, v3;
	v5 =	vcvt.s32.f32 v43;
	_ =	sdelay $0x1  }
0x8f: {  	v44 =	vld [tilespmem:s18+$0x30];
	v3 =	vtrunc.f32 v3;
	v5 =	vmul.f32 $1.428571490e-01, v5  }
0x90: {  	v4 =	vshrl.u32 v42, $0x6;
	v3 =	vcvt.f32.s32 v3  }
0x91: {  	v4 =	vcvt.s32.f32 v4;
	v5 =	vtrunc.f32 v5  }
0x92: {  	v7 =	vld [tilespmem:s19+$0x10];
	v3 =	vmul.u32 $0xD20, v3;
	v5 =	vcvt.f32.s32 v5  }
0x93: {  	v4 =	vmul.f32 $3.333333430e-01, v4;
	v2 =	vadd.s32 s21, v2  }
0x94: {  	[tilespmem:s17+$0x7030] =	vst v44;
	v2 =	vadd.s32 v3, v2;
	v3 =	vmul.u32 $0xD20, v5  }
0x95: {  	v1 =	vadd.s32 s24, v1;
	[tilespmem:s17+$0xA430] =	vst v2;
	v2 =	vtrunc.f32 v4  }
0x96: {  	v1 =	vadd.s32 v3, v1;
	v2 =	vcvt.f32.s32 v2;
	v3 =	vld [tilespmem:s18+$0x3840]  }
0x97: {  	[tilespmem:s20+$0x7010] =	vst v7  }
0x98: {  	[tilespmem:s20+$0xA410] =	vst v1;
	v1 =	vshrl.u32 v2, $0x5  }
0x99: {  	v45 =	vld [tilespmem:s19+$0x3820];
	v1 =	vcvt.s32.f32 v1;
	_ =	sdelay $0x1  }
0x9a: {  	v1 =	vmul.f32 $1.428571490e-01, v1;
	v3 =	vshrl.u32 v3, $0x6  }
0x9b: {  	v3 =	vcvt.s32.f32 v3  }
0x9c: {  	v46 =	vld [tilespmem:s22+$0x0];
	v1 =	vtrunc.f32 v1  }
0x9d: {  	s2 =	sand.u32 $0xA, s30;
	v4 =	vshrl.u32 v45, $0x6;
	v1 =	vcvt.f32.s32 v1;
	v3 =	vmul.f32 $3.333333430e-01, v3  }
0x9e: {  	s26 =	smul.u32 $0xE0, s2;
	v4 =	vcvt.s32.f32 v4  }
0x9f: {  	s23 =	smul.u32 $0x70, s30;
	v1 =	vmul.u32 $0xD20, v1;
	v3 =	vtrunc.f32 v3  }
0xa0: {  	v2 =	vadd.s32 s26, v2;
	v4 =	vmul.f32 $3.333333430e-01, v4;
	v3 =	vcvt.f32.s32 v3  }
0xa1: {  	[tilespmem:s23+$0x7000] =	vst v46;
	v1 =	vadd.s32 v1, v2  }
0xa2: {  	v2 =	vtrunc.f32 v4;
	[tilespmem:s23+$0xA400] =	vst v1;
	v1 =	vshrl.u32 v3, $0x5  }
0xa3: {  	v2 =	vcvt.f32.s32 v2;
	v1 =	vcvt.s32.f32 v1;
	v47 =	vld [tilespmem:s22+$0x3810];
	_ =	sdelay $0x1  }
0xa4: {  	v48 =	vshrl.u32 v2, $0x5;
	v1 =	vmul.f32 $1.428571490e-01, v1  }
0xa5: {  	v5 =	vcvt.s32.f32 v48  }
0xa6: {  	v1 =	vtrunc.f32 v1  }
0xa7: {  	v5 =	vmul.f32 $1.428571490e-01, v5;
	v1 =	vcvt.f32.s32 v1;
	v4 =	vshrl.u32 v47, $0x6  }
0xa8: {  	v4 =	vcvt.s32.f32 v4  }
0xa9: {  	v7 =	vld [tilespmem:s19+$0x20];
	v5 =	vtrunc.f32 v5;
	v1 =	vmul.u32 $0xD20, v1  }
0xaa: {  	v3 =	vadd.s32 s21, v3;
	v5 =	vcvt.f32.s32 v5;
	v4 =	vmul.f32 $3.333333430e-01, v4  }
0xab: {  	v1 =	vadd.s32 v1, v3  }
0xac: {  	v6 =	vld [tilespmem:s18+$0x40];
	v3 =	vmul.u32 $0xD20, v5;
	[tilespmem:s17+$0xA440] =	vst v1;
	v1 =	vadd.s32 s24, v2;
	v2 =	vtrunc.f32 v4  }
0xad: {  	v2 =	vcvt.f32.s32 v2  }
0xae: {  	[tilespmem:s20+$0x7020] =	vst v7;
	v1 =	vadd.s32 v3, v1  }
0xaf: {  	s3 =	sor.u32 $0x3, s16;
	[tilespmem:s20+$0xA420] =	vst v1;
	v3 =	vshrl.u32 v2, $0x5  }
0xb0: {  	s28 =	sshll.u32 s3, $0x7;
	v49 =	vld [tilespmem:s19+$0x3830];
	v3 =	vcvt.s32.f32 v3  }
0xb1: {  	v50 =	vld [tilespmem:s28+$0x3800];
	[tilespmem:s17+$0x7040] =	vst v6  }
0xb2: {  	v1 =	vld [tilespmem:s18+$0x3850];
	v3 =	vmul.f32 $1.428571490e-01, v3;
	_ =	sdelay $0x1  }
0xb3: {  	v3 =	vtrunc.f32 v3  }
0xb4: {  	v51 =	vld [tilespmem:s22+$0x10];
	v4 =	vshrl.u32 v49, $0x6;
	v3 =	vcvt.f32.s32 v3  }
0xb5: {  	v5 =	vshrl.u32 v50, $0x6;
	v4 =	vcvt.s32.f32 v4  }
0xb6: {  	v5 =	vcvt.s32.f32 v5;
	v1 =	vshrl.u32 v1, $0x6;
	v3 =	vmul.u32 $0xD20, v3  }
0xb7: {  	v2 =	vadd.s32 s26, v2;
	v1 =	vcvt.s32.f32 v1;
	v4 =	vmul.f32 $3.333333430e-01, v4  }
0xb8: {  	s4 =	sor.u32 $0x70, s23;
	v2 =	vadd.s32 v3, v2;
	v3 =	vmul.f32 $3.333333430e-01, v5  }
0xb9: {  	[tilespmem:s4+$0x7000] =	vst v51;
	v1 =	vmul.f32 $3.333333430e-01, v1;
	v4 =	vtrunc.f32 v4  }
0xba: {  	[tilespmem:s4+$0xA400] =	vst v2;
	v2 =	vcvt.f32.s32 v4;
	v3 =	vtrunc.f32 v3  }
0xbb: {  	v52 =	vld [tilespmem:s22+$0x3820];
	v3 =	vcvt.f32.s32 v3  }
0xbc: {  	v1 =	vtrunc.f32 v1;
	v53 =	vshrl.u32 v2, $0x5  }
0xbd: {  	v1 =	vcvt.f32.s32 v1;
	v5 =	vcvt.s32.f32 v53;
	v55 =	vshrl.u32 v3, $0x5  }
0xbe: {  	v7 =	vcvt.s32.f32 v55  }
0xbf: {  	v54 =	vshrl.u32 v1, $0x5;
	v5 =	vmul.f32 $1.428571490e-01, v5  }
0xc0: {  	v6 =	vcvt.s32.f32 v54;
	v4 =	vshrl.u32 v52, $0x6;
	v7 =	vmul.f32 $1.428571490e-01, v7  }
0xc1: {  	v8 =	vld [tilespmem:s28+$0x0];
	v5 =	vtrunc.f32 v5;
	v4 =	vcvt.s32.f32 v4  }
0xc2: {  	s6 =	sand.u32 $0xB, s3;
	v5 =	vcvt.f32.s32 v5;
	v7 =	vtrunc.f32 v7  }
0xc3: {  	s14 =	smul.u32 $0xE0, s6;
	v4 =	vmul.f32 $3.333333430e-01, v4;
	v7 =	vcvt.f32.s32 v7  }
0xc4: {  	s29 =	smul.u32 $0x70, s3;
	v2 =	vadd.s32 s24, v2;
	v6 =	vmul.f32 $1.428571490e-01, v6;
	v5 =	vmul.u32 $0xD20, v5  }
0xc5: {  	s6 =	sor.u32 $0x5, s16;
	v9 =	vld [tilespmem:s19+$0x30];
	v3 =	vadd.s32 s14, v3;
	v4 =	vtrunc.f32 v4;
	v7 =	vmul.u32 $0xD20, v7  }
0xc6: {  	s3 =	sshll.u32 s6, $0x7;
	[tilespmem:s29+$0x7000] =	vst v8;
	v6 =	vtrunc.f32 v6;
	v2 =	vadd.s32 v5, v2;
	v4 =	vcvt.f32.s32 v4  }
0xc7: {  	v13 =	vld [tilespmem:s3+$0x3800];
	v56 =	vcvt.f32.s32 v6;
	[tilespmem:s20+$0xA430] =	vst v2;
	v2 =	vadd.s32 v7, v3  }
0xc8: {  	v3 =	vld [tilespmem:s18+$0x50];
	v57 =	vshrl.u32 v4, $0x5;
	[tilespmem:s29+$0xA400] =	vst v2  }
0xc9: {  	v2 =	vmul.u32 $0xD20, v56;
	v58 =	vcvt.s32.f32 v57;
	v59 =	vld [tilespmem:s28+$0x3810]  }
0xca: {  	s7 =	sor.u32 $0x4, s16;
	[tilespmem:s20+$0x7030] =	vst v9;
	v1 =	vadd.s32 s21, v1  }
0xcb: {  	s0 =	sshll.u32 s7, $0x7;
	v1 =	vadd.s32 v2, v1;
	v2 =	vld [tilespmem:s19+$0x3840];
	v5 =	vmul.f32 $1.428571490e-01, v58  }
0xcc: {  	v8 =	vshrl.u32 v13, $0x6;
	[tilespmem:s17+$0xA450] =	vst v1;
	v1 =	vld [tilespmem:s0+$0x3800]  }
0xcd: {  	v8 =	vcvt.s32.f32 v8;
	[tilespmem:s17+$0x7050] =	vst v3;
	v3 =	vtrunc.f32 v5  }
0xce: {  	v60 =	vld [tilespmem:s18+$0x3860];
	v3 =	vcvt.f32.s32 v3;
	v6 =	vshrl.u32 v59, $0x6  }
0xcf: {  	v8 =	vmul.f32 $3.333333430e-01, v8;
	s4 =	sor.u32 $0x6, s16;
	v61 =	vld [tilespmem:s22+$0x20];
	v6 =	vcvt.s32.f32 v6  }
0xd0: {  	s11 =	sshll.u32 s4, $0x7;
	v4 =	vadd.s32 s26, v4;
	v2 =	vshrl.u32 v2, $0x6;
	v3 =	vmul.u32 $0xD20, v3  }
0xd1: {  	v10 =	vld [tilespmem:s11+$0x3800];
	v2 =	vcvt.s32.f32 v2;
	v1 =	vshrl.u32 v1, $0x6;
	v62 =	vmul.f32 $3.333333430e-01, v6  }
0xd2: {  	v17 =	vtrunc.f32 v8;
	v3 =	vadd.s32 v3, v4;
	v1 =	vcvt.s32.f32 v1  }
0xd3: {  	v2 =	vmul.f32 $3.333333430e-01, v2;
	[tilespmem:s23+$0xA420] =	vst v3;
	v3 =	vshrl.u32 v60, $0x6;
	v4 =	vtrunc.f32 v62  }
0xd4: {  	[tilespmem:s23+$0x7020] =	vst v61;
	v1 =	vmul.f32 $3.333333430e-01, v1;
	v3 =	vcvt.s32.f32 v3  }
0xd5: {  	v63 =	vld [tilespmem:s22+$0x3830];
	v4 =	vcvt.f32.s32 v4;
	v2 =	vtrunc.f32 v2  }
0xd6: {  	s2 =	sand.u32 $0xC, s7;
	v18 =	vshrl.u32 v10, $0x6;
	v11 =	vtrunc.f32 v1;
	v1 =	vcvt.f32.s32 v2  }
0xd7: {  	s2 =	smul.u32 $0xE0, s2;
	v19 =	vcvt.s32.f32 v18;
	v2 =	vshrl.u32 v4, $0x5;
	v6 =	vcvt.f32.s32 v11  }
0xd8: {  	v12 =	vcvt.s32.f32 v2;
	v2 =	vmul.f32 $3.333333430e-01, v3;
	v3 =	vshrl.u32 v1, $0x5  }
0xd9: {  	v14 =	vshrl.u32 v6, $0x5;
	v16 =	vadd.s32 s2, v6;
	v6 =	vcvt.f32.s32 v17  }
0xda: {  	v5 =	vshrl.u32 v63, $0x6;
	v7 =	vmul.f32 $1.428571490e-01, v12;
	v9 =	vcvt.s32.f32 v14  }
0xdb: {  	v3 =	vcvt.s32.f32 v3;
	v5 =	vcvt.s32.f32 v5  }
0xdc: {  	v23 =	vshrl.u32 v6, $0x5;
	v7 =	vtrunc.f32 v7;
	v9 =	vmul.f32 $1.428571490e-01, v9  }
0xdd: {  	s25 =	sor.u32 $0x7, s16;
	v13 =	vld [tilespmem:s0+$0x0];
	v5 =	vmul.f32 $3.333333430e-01, v5;
	v10 =	vcvt.s32.f32 v23  }
0xde: {  	s15 =	sshll.u32 s25, $0x7;
	v7 =	vcvt.f32.s32 v7;
	v9 =	vtrunc.f32 v9  }
0xdf: {  	v4 =	vadd.s32 s14, v4;
	v12 =	vld [tilespmem:s15+$0x3800];
	v3 =	vmul.f32 $1.428571490e-01, v3;
	v9 =	vcvt.f32.s32 v9  }
0xe0: {  	s1 =	smul.u32 $0x70, s7;
	v11 =	vld [tilespmem:s28+$0x10];
	v5 =	vtrunc.f32 v5;
	v10 =	vmul.f32 $1.428571490e-01, v10;
	v7 =	vmul.u32 $0xD20, v7  }
0xe1: {  	v3 =	vtrunc.f32 v3;
	v5 =	vcvt.f32.s32 v5;
	v15 =	vmul.u32 $0xD20, v9  }
0xe2: {  	[tilespmem:s1+$0x7000] =	vst v13;
	v10 =	vtrunc.f32 v10;
	v4 =	vadd.s32 v7, v4;
	v7 =	vmul.f32 $3.333333430e-01, v19  }
0xe3: {  	v20 =	vshrl.u32 v5, $0x5;
	v10 =	vcvt.f32.s32 v10;
	[tilespmem:s29+$0xA410] =	vst v4;
	v4 =	vadd.s32 v15, v16  }
0xe4: {  	v26 =	vld [tilespmem:s3+$0x0];
	v22 =	vshrl.u32 v12, $0x6;
	v8 =	vcvt.s32.f32 v20;
	v7 =	vtrunc.f32 v7;
	[tilespmem:s1+$0xA400] =	vst v4  }
0xe5: {  	s9 =	sand.u32 $0xD, s6;
	[tilespmem:s29+$0x7010] =	vst v11;
	v4 =	vcvt.s32.f32 v22;
	v7 =	vcvt.f32.s32 v7;
	v24 =	vld [tilespmem:s0+$0x3810]  }
0xe6: {  	s30 =	smul.u32 $0xE0, s9;
	v3 =	vcvt.f32.s32 v3;
	v21 =	vld [tilespmem:s28+$0x3820];
	v10 =	vmul.u32 $0xD20, v10  }
0xe7: {  	s13 =	smul.u32 $0x70, s6;
	v8 =	vmul.f32 $1.428571490e-01, v8;
	v4 =	vmul.f32 $3.333333430e-01, v4;
	v25 =	vshrl.u32 v7, $0x5  }
0xe8: {  	v6 =	vadd.s32 s30, v6;
	v3 =	vmul.u32 $0xD20, v3;
	v12 =	vcvt.s32.f32 v25  }
0xe9: {  	[tilespmem:s13+$0x7000] =	vst v26;
	v6 =	vadd.s32 v10, v6;
	v8 =	vtrunc.f32 v8;
	v4 =	vtrunc.f32 v4  }
0xea: {  	[tilespmem:s13+$0xA400] =	vst v6;
	v4 =	vcvt.f32.s32 v4;
	v12 =	vmul.f32 $1.428571490e-01, v12;
	v11 =	vshrl.u32 v24, $0x6  }
0xeb: {  	v13 =	vld [tilespmem:s3+$0x3810];
	v36 =	vcvt.f32.s32 v8;
	v9 =	vshrl.u32 v21, $0x6;
	v11 =	vcvt.s32.f32 v11  }
0xec: {  	s9 =	sand.u32 $0xE, s4;
	v31 =	vld [tilespmem:s11+$0x0];
	v9 =	vcvt.s32.f32 v9;
	v14 =	vshrl.u32 v4, $0x5;
	v27 =	vtrunc.f32 v12  }
0xed: {  	s6 =	smul.u32 $0xE0, s9;
	v38 =	vld [tilespmem:s19+$0x40];
	v1 =	vadd.s32 s24, v1;
	v14 =	vcvt.s32.f32 v14;
	v11 =	vmul.f32 $3.333333430e-01, v11  }
0xee: {  	v1 =	vadd.s32 v3, v1;
	v9 =	vmul.f32 $3.333333430e-01, v9;
	v29 =	vcvt.f32.s32 v27  }
0xef: {  	s4 =	smul.u32 $0x70, s4;
	v7 =	vadd.s32 s6, v7;
	v28 =	vmul.f32 $1.428571490e-01, v14;
	v11 =	vtrunc.f32 v11  }
0xf0: {  	v37 =	vshrl.u32 v13, $0x6;
	v9 =	vtrunc.f32 v9;
	v30 =	vcvt.f32.s32 v11  }
0xf1: {  	s7 =	sand.u32 $0xF, s25;
	[tilespmem:s4+$0x7000] =	vst v31;
	v15 =	vld [tilespmem:s15+$0x0];
	v8 =	vcvt.s32.f32 v37;
	v6 =	vmul.u32 $0xD20, v29;
	v12 =	vtrunc.f32 v28  }
0xf2: {  	s9 =	smul.u32 $0xE0, s7;
	[tilespmem:s20+$0x7040] =	vst v38;
	v9 =	vcvt.f32.s32 v9;
	v12 =	vcvt.f32.s32 v12;
	v32 =	vshrl.u32 v30, $0x5  }
0xf3: {  	[tilespmem:s20+$0xA440] =	vst v1;
	v3 =	vld [tilespmem:s0+$0x10];
	v8 =	vmul.f32 $3.333333430e-01, v8;
	v6 =	vadd.s32 v6, v7;
	v14 =	vcvt.s32.f32 v32  }
0xf4: {  	s25 =	smul.u32 $0x70, s25;
	v43 =	vld [tilespmem:s19+$0x3850];
	v4 =	vadd.s32 s9, v4;
	[tilespmem:s4+$0xA400] =	vst v6;
	v33 =	vmul.u32 $0xD20, v12  }
0xf5: {  	v34 =	vshrl.u32 v9, $0x5;
	v8 =	vtrunc.f32 v8;
	v11 =	vld [tilespmem:s11+$0x3810];
	v35 =	vmul.f32 $1.428571490e-01, v14  }
0xf6: {  	[tilespmem:s25+$0x7000] =	vst v15;
	v6 =	vcvt.s32.f32 v34;
	v41 =	vcvt.f32.s32 v8;
	v4 =	vadd.s32 v33, v4  }
0xf7: {  	s7 =	sor.u32 $0x50, s1;
	v2 =	vtrunc.f32 v2;
	[tilespmem:s25+$0xA400] =	vst v4;
	v12 =	vtrunc.f32 v35  }
0xf8: {  	[tilespmem:s7+$0x7000] =	vst v3;
	v6 =	vmul.f32 $1.428571490e-01, v6;
	v3 =	vshrl.u32 v41, $0x5;
	v39 =	vld [tilespmem:s15+$0x3810];
	v12 =	vcvt.f32.s32 v12  }
0xf9: {  	v5 =	vadd.s32 s26, v5;
	v10 =	vshrl.u32 v43, $0x6;
	v3 =	vcvt.s32.f32 v3  }
0xfa: {  	v44 =	vld [tilespmem:s22+$0x30];
	v6 =	vtrunc.f32 v6;
	v40 =	vshrl.u32 v11, $0x6;
	v12 =	vmul.u32 $0xD20, v12  }
0xfb: {  	v49 =	vld [tilespmem:s28+$0x20];
	v1 =	vadd.s32 s2, v30;
	v3 =	vmul.f32 $1.428571490e-01, v3;
	v42 =	vcvt.s32.f32 v40  }
0xfc: {  	v7 =	vmul.u32 $0xD20, v36;
	v6 =	vcvt.f32.s32 v6;
	v1 =	vadd.s32 v12, v1  }
0xfd: {  	v3 =	vtrunc.f32 v3;
	v8 =	vmul.f32 $3.333333430e-01, v42;
	[tilespmem:s7+$0xA400] =	vst v1;
	v1 =	vshrl.u32 v39, $0x6  }
0xfe: {  	v53 =	vld [tilespmem:s3+$0x10];
	v9 =	vadd.s32 s14, v9;
	v3 =	vcvt.f32.s32 v3;
	v45 =	vcvt.s32.f32 v1  }
0xff: {  	[tilespmem:s23+$0x7030] =	vst v44;
	v6 =	vmul.u32 $0xD20, v6;
	v47 =	vtrunc.f32 v8;
	s7 =	sor.u32 $0x70, s29;
	v1 =	vcvt.f32.s32 v2;
	v46 =	vld [tilespmem:s0+$0x3820]  }
0x100: {  	v2 =	vadd.s32 v7, v5;
	v7 =	vcvt.f32.s32 v47;
	[tilespmem:s7+$0x7000] =	vst v49;
	v48 =	vmul.f32 $3.333333430e-01, v45  }
0x101: {  	v10 =	vcvt.s32.f32 v10;
	v3 =	vmul.u32 $0xD20, v3;
	[tilespmem:s23+$0xA430] =	vst v2;
	v2 =	vadd.s32 v6, v9  }
0x102: {  	v4 =	vadd.s32 s30, v41;
	v51 =	vshrl.u32 v7, $0x5;
	[tilespmem:s7+$0xA400] =	vst v2;
	v50 =	vtrunc.f32 v48  }
0x103: {  	[tilespmem:s13+$0x7010] =	vst v53;
	v3 =	vadd.s32 v3, v4;
	v8 =	vcvt.s32.f32 v51;
	v12 =	vld [tilespmem:s28+$0x3830];
	v6 =	vcvt.f32.s32 v50  }
0x104: {  	v10 =	vmul.f32 $3.333333430e-01, v10;
	[tilespmem:s13+$0xA410] =	vst v3;
	v52 =	vld [tilespmem:s22+$0x3840];
	v5 =	vshrl.u32 v46, $0x6  }
0x105: {  	v60 =	vld [tilespmem:s3+$0x3820];
	v8 =	vmul.f32 $1.428571490e-01, v8;
	v2 =	vcvt.s32.f32 v5;
	v54 =	vshrl.u32 v6, $0x5  }
0x106: {  	v10 =	vtrunc.f32 v10;
	v7 =	vadd.s32 s6, v7;
	v11 =	vcvt.s32.f32 v54  }
0x107: {  	v26 =	vshrl.u32 v1, $0x5;
	v55 =	vtrunc.f32 v8;
	v2 =	vmul.f32 $3.333333430e-01, v2  }
0x108: {  	v58 =	vld [tilespmem:s11+$0x10];
	v3 =	vcvt.f32.s32 v55;
	v61 =	vshrl.u32 v12, $0x6;
	v56 =	vmul.f32 $1.428571490e-01, v11  }
0x109: {  	v57 =	vshrl.u32 v52, $0x6;
	v14 =	vcvt.s32.f32 v61;
	v2 =	vtrunc.f32 v2  }
0x10a: {  	v18 =	vshrl.u32 v60, $0x6;
	v59 =	vcvt.f32.s32 v2;
	v8 =	vtrunc.f32 v56  }
0x10b: {  	v4 =	vcvt.s32.f32 v57;
	v2 =	vmul.u32 $0xD20, v3;
	v3 =	vcvt.f32.s32 v8  }
0x10c: {  	v62 =	vld [tilespmem:s15+$0x10];
	s7 =	sor.u32 $0x30, s4;
	v20 =	vcvt.s32.f32 v18;
	v16 =	vmul.f32 $3.333333430e-01, v14;
	v63 =	vshrl.u32 v59, $0x5  }
0x10d: {  	[tilespmem:s7+$0x7000] =	vst v58;
	v2 =	vadd.s32 v2, v7;
	v15 =	vcvt.s32.f32 v63;
	v3 =	vmul.u32 $0xD20, v3  }
0x10e: {  	v6 =	vadd.s32 s9, v6;
	v4 =	vmul.f32 $3.333333430e-01, v4;
	v11 =	vcvt.s32.f32 v26;
	[tilespmem:s7+$0xA400] =	vst v2  }
0x10f: {  	v5 =	vtrunc.f32 v16;
	v19 =	vld [tilespmem:s11+$0x3820];
	v17 =	vmul.f32 $1.428571490e-01, v15;
	v3 =	vadd.s32 v3, v6  }
0x110: {  	v5 =	vcvt.f32.s32 v5;
	[tilespmem:s25+$0xA410] =	vst v3;
	v3 =	vtrunc.f32 v4  }
0x111: {  	[tilespmem:s25+$0x7010] =	vst v62;
	v6 =	vtrunc.f32 v17;
	v4 =	vmul.f32 $3.333333430e-01, v20  }
0x112: {  	v46 =	vmul.f32 $1.428571490e-01, v11;
	v21 =	vld [tilespmem:s15+$0x3820];
	v6 =	vcvt.f32.s32 v6  }
0x113: {  	v2 =	vcvt.f32.s32 v10;
	v23 =	vshrl.u32 v5, $0x5;
	v4 =	vtrunc.f32 v4  }
0x114: {  	v22 =	vld [tilespmem:s0+$0x20];
	v8 =	vshrl.u32 v19, $0x6;
	v6 =	vmul.u32 $0xD20, v6;
	v4 =	vcvt.f32.s32 v4  }
0x115: {  	v9 =	vadd.s32 s2, v59;
	v25 =	vcvt.s32.f32 v23;
	v8 =	vcvt.s32.f32 v8  }
0x116: {  	s7 =	sor.u32 $0x60, s1;
	v3 =	vcvt.f32.s32 v3;
	v6 =	vadd.s32 v6, v9;
	v24 =	vshrl.u32 v4, $0x5  }
0x117: {  	v8 =	vmul.f32 $3.333333430e-01, v8;
	v7 =	vshrl.u32 v21, $0x6;
	[tilespmem:s7+$0xA400] =	vst v6;
	v6 =	vcvt.s32.f32 v24  }
0x118: {  	v9 =	vmul.f32 $1.428571490e-01, v25;
	v7 =	vcvt.s32.f32 v7  }
0x119: {  	[tilespmem:s7+$0x7000] =	vst v22;
	v8 =	vtrunc.f32 v8;
	v6 =	vmul.f32 $1.428571490e-01, v6  }
0x11a: {  	v29 =	vshrl.u32 v3, $0x5;
	v10 =	vld [tilespmem:s0+$0x3830];
	v8 =	vcvt.f32.s32 v8;
	v7 =	vmul.f32 $3.333333430e-01, v7  }
0x11b: {  	v32 =	vcvt.s32.f32 v29;
	v9 =	vtrunc.f32 v9  }
0x11c: {  	v30 =	vld [tilespmem:s3+$0x20];
	v6 =	vtrunc.f32 v6;
	v28 =	vshrl.u32 v8, $0x5;
	v7 =	vtrunc.f32 v7  }
0x11d: {  	v27 =	vshrl.u32 v2, $0x5;
	v6 =	vcvt.f32.s32 v6;
	v13 =	vcvt.s32.f32 v28  }
0x11e: {  	v4 =	vadd.s32 s30, v4;
	v9 =	vcvt.f32.s32 v9;
	v7 =	vcvt.f32.s32 v7  }
0x11f: {  	v31 =	vld [tilespmem:s28+$0x30];
	v10 =	vshrl.u32 v10, $0x6;
	v6 =	vmul.u32 $0xD20, v6;
	v13 =	vmul.f32 $1.428571490e-01, v13  }
0x120: {  	v9 =	vmul.u32 $0xD20, v9;
	v10 =	vcvt.s32.f32 v10;
	v16 =	vshrl.u32 v7, $0x5  }
0x121: {  	[tilespmem:s13+$0x7020] =	vst v30;
	v33 =	vld [tilespmem:s11+$0x20];
	v16 =	vcvt.s32.f32 v16;
	v4 =	vadd.s32 v6, v4;
	v13 =	vtrunc.f32 v13  }
0x122: {  	v5 =	vadd.s32 s14, v5;
	v10 =	vmul.f32 $3.333333430e-01, v10;
	[tilespmem:s13+$0xA420] =	vst v4;
	v13 =	vcvt.f32.s32 v13  }
0x123: {  	v12 =	vcvt.s32.f32 v27;
	v5 =	vadd.s32 v9, v5;
	v16 =	vmul.f32 $1.428571490e-01, v16;
	v35 =	vld [tilespmem:s3+$0x3830]  }
0x124: {  	[tilespmem:s29+$0x7030] =	vst v31;
	v4 =	vmul.f32 $1.428571490e-01, v32;
	v36 =	vtrunc.f32 v10;
	v13 =	vmul.u32 $0xD20, v13  }
0x125: {  	v37 =	vld [tilespmem:s15+$0x20];
	v8 =	vadd.s32 s6, v8;
	[tilespmem:s29+$0xA430] =	vst v5;
	v5 =	vcvt.f32.s32 v36;
	v34 =	vtrunc.f32 v16  }
0x126: {  	[tilespmem:s4+$0x7020] =	vst v33;
	v45 =	vld [tilespmem:s28+$0x3840];
	v4 =	vtrunc.f32 v4;
	v15 =	vcvt.f32.s32 v34;
	v38 =	vadd.s32 v13, v8  }
0x127: {  	v48 =	vld [tilespmem:s22+$0x40];
	v40 =	vadd.s32 s9, v7;
	v4 =	vcvt.f32.s32 v4;
	v41 =	vshrl.u32 v5, $0x5;
	[tilespmem:s4+$0xA420] =	vst v38  }
0x128: {  	v7 =	vcvt.s32.f32 v41;
	v39 =	vmul.u32 $0xD20, v15;
	v42 =	vshrl.u32 v35, $0x6;
	v43 =	vld [tilespmem:s11+$0x3830]  }
0x129: {  	v44 =	vmul.f32 $1.428571490e-01, v12;
	v3 =	vadd.s32 s26, v3;
	s7 =	sor.u32 $0x30, s25;
	v8 =	vcvt.s32.f32 v42  }
0x12a: {  	[tilespmem:s7+$0x7000] =	vst v37;
	v4 =	vmul.u32 $0xD20, v4;
	v7 =	vmul.f32 $1.428571490e-01, v7;
	v6 =	vadd.s32 v39, v40  }
0x12b: {  	v10 =	vtrunc.f32 v46;
	v52 =	vshrl.u32 v45, $0x6;
	[tilespmem:s7+$0xA400] =	vst v6;
	v8 =	vmul.f32 $3.333333430e-01, v8  }
0x12c: {  	v9 =	vcvt.s32.f32 v52;
	v3 =	vadd.s32 v4, v3;
	v49 =	vtrunc.f32 v7;
	v47 =	vld [tilespmem:s15+$0x3830]  }
0x12d: {  	[tilespmem:s23+$0x7040] =	vst v48;
	v4 =	vcvt.f32.s32 v49;
	v50 =	vtrunc.f32 v8;
	v51 =	vshrl.u32 v43, $0x6  }
0x12e: {  	v53 =	vld [tilespmem:s0+$0x30];
	[tilespmem:s23+$0xA440] =	vst v3;
	v7 =	vcvt.f32.s32 v50;
	v8 =	vcvt.s32.f32 v51  }
0x12f: {  	v54 =	vadd.s32 s2, v5;
	v58 =	vmul.f32 $3.333333430e-01, v9;
	v13 =	vld [tilespmem:s22+$0x3850];
	v3 =	vmul.u32 $0xD20, v4  }
0x130: {  	v6 =	vtrunc.f32 v44;
	v56 =	vshrl.u32 v7, $0x5;
	v8 =	vmul.f32 $3.333333430e-01, v8  }
0x131: {  	s7 =	sor.u32 $0x70, s1;
	v3 =	vadd.s32 v3, v54;
	v55 =	vshrl.u32 v47, $0x6;
	v57 =	vcvt.s32.f32 v56  }
0x132: {  	[tilespmem:s7+$0xA400] =	vst v3;
	v5 =	vcvt.s32.f32 v55;
	v3 =	vtrunc.f32 v8  }
0x133: {  	v8 =	vtrunc.f32 v58;
	v4 =	vmul.f32 $1.428571490e-01, v57  }
0x134: {  	[tilespmem:s7+$0x7000] =	vst v53;
	v61 =	vshrl.u32 v13, $0x6;
	v3 =	vcvt.f32.s32 v3;
	v5 =	vmul.f32 $3.333333430e-01, v5  }
0x135: {  	v12 =	vcvt.s32.f32 v61;
	v59 =	vld [tilespmem:s0+$0x3840];
	v8 =	vcvt.f32.s32 v8  }
0x136: {  	v62 =	vld [tilespmem:s3+$0x30];
	v4 =	vtrunc.f32 v4;
	v60 =	vshrl.u32 v3, $0x5;
	v5 =	vtrunc.f32 v5  }
0x137: {  	v4 =	vcvt.f32.s32 v4;
	v11 =	vcvt.s32.f32 v60  }
0x138: {  	v7 =	vadd.s32 s30, v7;
	v18 =	vmul.f32 $3.333333430e-01, v12;
	v5 =	vcvt.f32.s32 v5  }
0x139: {  	v19 =	vshrl.u32 v8, $0x5;
	v4 =	vmul.u32 $0xD20, v4;
	v11 =	vmul.f32 $1.428571490e-01, v11  }
0x13a: {  	v12 =	vcvt.s32.f32 v19;
	v9 =	vshrl.u32 v59, $0x6;
	v63 =	vshrl.u32 v5, $0x5  }
0x13b: {  	[tilespmem:s13+$0x7030] =	vst v62;
	v20 =	vld [tilespmem:s11+$0x30];
	v14 =	vcvt.s32.f32 v63;
	v4 =	vadd.s32 v4, v7;
	v15 =	vtrunc.f32 v11  }
0x13c: {  	v9 =	vcvt.s32.f32 v9;
	[tilespmem:s13+$0xA430] =	vst v4;
	v17 =	vcvt.f32.s32 v15  }
0x13d: {  	v2 =	vadd.s32 s24, v2;
	v6 =	vcvt.f32.s32 v6;
	v16 =	vmul.f32 $1.428571490e-01, v14;
	v21 =	vld [tilespmem:s3+$0x3840]  }
0x13e: {  	s7 =	sadd.s32 $0x20, s4;
	v24 =	vmul.f32 $1.428571490e-01, v12;
	v9 =	vmul.f32 $3.333333430e-01, v9;
	v4 =	vmul.u32 $0xD20, v17  }
0x13f: {  	v22 =	vld [tilespmem:s15+$0x30];
	s7 =	sor.u32 $0x50, s7;
	v3 =	vadd.s32 s6, v3;
	v7 =	vtrunc.f32 v18;
	v11 =	vtrunc.f32 v16  }
0x140: {  	[tilespmem:s7+$0x7000] =	vst v20;
	v9 =	vtrunc.f32 v9;
	v11 =	vcvt.f32.s32 v11;
	v3 =	vadd.s32 v4, v3  }
0x141: {  	v34 =	vld [tilespmem:s28+$0x40];
	v25 =	vmul.u32 $0xD20, v6;
	v27 =	vtrunc.f32 v24;
	v9 =	vcvt.f32.s32 v9;
	[tilespmem:s7+$0xA400] =	vst v3  }
0x142: {  	v4 =	vcvt.f32.s32 v27;
	v23 =	vmul.u32 $0xD20, v11;
	v29 =	vshrl.u32 v21, $0x6;
	v30 =	vld [tilespmem:s11+$0x3840]  }
0x143: {  	v26 =	vcvt.f32.s32 v7;
	v3 =	vadd.s32 s9, v5;
	v31 =	vcvt.s32.f32 v29  }
0x144: {  	[tilespmem:s25+$0x7030] =	vst v22;
	v28 =	vshrl.u32 v9, $0x5;
	v4 =	vmul.u32 $0xD20, v4;
	v3 =	vadd.s32 v23, v3  }
0x145: {  	v8 =	vadd.s32 s14, v8;
	[tilespmem:s25+$0xA430] =	vst v3;
	v3 =	vcvt.s32.f32 v28;
	v7 =	vmul.f32 $3.333333430e-01, v31  }
0x146: {  	[tilespmem:s29+$0x7040] =	vst v34;
	v2 =	vadd.s32 v25, v2;
	v56 =	vcvt.f32.s32 v10;
	v4 =	vadd.s32 v4, v8;
	v32 =	vld [tilespmem:s15+$0x3840]  }
0x147: {  	[tilespmem:s29+$0xA440] =	vst v4;
	v3 =	vmul.f32 $1.428571490e-01, v3;
	v7 =	vtrunc.f32 v7;
	v12 =	vshrl.u32 v30, $0x6  }
0x148: {  	v33 =	vshrl.u32 v26, $0x5;
	v13 =	vld [tilespmem:s28+$0x3850];
	v7 =	vcvt.f32.s32 v7;
	v36 =	vcvt.s32.f32 v12  }
0x149: {  	v35 =	vld [tilespmem:s19+$0x50];
	[tilespmem:s20+$0xA450] =	vst v2;
	v2 =	vadd.s32 s2, v9;
	v11 =	vcvt.s32.f32 v33;
	v3 =	vtrunc.f32 v3  }
0x14a: {  	v38 =	vld [tilespmem:s0+$0x40];
	v3 =	vcvt.f32.s32 v3;
	v39 =	vshrl.u32 v7, $0x5;
	v8 =	vmul.f32 $3.333333430e-01, v36  }
0x14b: {  	v11 =	vmul.f32 $1.428571490e-01, v11;
	v37 =	vshrl.u32 v32, $0x6;
	v12 =	vcvt.s32.f32 v39  }
0x14c: {  	v4 =	vcvt.s32.f32 v37;
	v3 =	vmul.u32 $0xD20, v3;
	v8 =	vtrunc.f32 v8  }
0x14d: {  	v11 =	vtrunc.f32 v11;
	v43 =	vshrl.u32 v13, $0x6;
	v8 =	vcvt.f32.s32 v8  }
0x14e: {  	v4 =	vmul.f32 $3.333333430e-01, v4;
	v2 =	vadd.s32 v3, v2;
	v3 =	vmul.f32 $1.428571490e-01, v12  }
0x14f: {  	[tilespmem:s1+$0x7040] =	vst v38;
	v40 =	vcvt.f32.s32 v11;
	v11 =	vcvt.s32.f32 v43  }
0x150: {  	v45 =	vld [tilespmem:s3+$0x40];
	[tilespmem:s1+$0xA440] =	vst v2;
	v42 =	vshrl.u32 v8, $0x5;
	v2 =	vtrunc.f32 v4;
	v3 =	vtrunc.f32 v3  }
0x151: {  	[tilespmem:s20+$0x7050] =	vst v35;
	v44 =	vld [tilespmem:s0+$0x3850];
	v5 =	vcvt.s32.f32 v42;
	v2 =	vcvt.f32.s32 v2  }
0x152: {  	v41 =	vld [tilespmem:s19+$0x3860];
	v6 =	vadd.s32 s26, v26;
	v9 =	vmul.u32 $0xD20, v40;
	v3 =	vcvt.f32.s32 v3  }
0x153: {  	v11 =	vmul.f32 $3.333333430e-01, v11;
	v5 =	vmul.f32 $1.428571490e-01, v5;
	v46 =	vshrl.u32 v2, $0x5  }
0x154: {  	v47 =	vld [tilespmem:s22+$0x50];
	v7 =	vadd.s32 s30, v7;
	v3 =	vmul.u32 $0xD20, v3;
	v14 =	vcvt.s32.f32 v46  }
0x155: {  	s7 =	sor.u32 $0x70, s13;
	v6 =	vadd.s32 v9, v6;
	v49 =	vtrunc.f32 v11;
	v5 =	vtrunc.f32 v5  }
0x156: {  	[tilespmem:s7+$0x7000] =	vst v45;
	v51 =	vld [tilespmem:s11+$0x40];
	v3 =	vadd.s32 v3, v7;
	v50 =	vshrl.u32 v44, $0x6;
	v48 =	vmul.f32 $1.428571490e-01, v14  }
0x157: {  	v54 =	vld [tilespmem:s15+$0x40];
	v4 =	vshrl.u32 v41, $0x6;
	[tilespmem:s7+$0xA400] =	vst v3;
	v3 =	vcvt.f32.s32 v5;
	s7 =	sor.u32 $0x30, s23;
	v9 =	vcvt.s32.f32 v50  }
0x158: {  	v4 =	vcvt.s32.f32 v4;
	v52 =	vld [tilespmem:s3+$0x3850];
	[tilespmem:s7+$0xA440] =	vst v6;
	v7 =	vtrunc.f32 v48  }
0x159: {  	[tilespmem:s7+$0x7040] =	vst v47;
	v3 =	vmul.u32 $0xD20, v3;
	v9 =	vmul.f32 $3.333333430e-01, v9;
	v7 =	vcvt.f32.s32 v7  }
0x15a: {  	v53 =	vadd.s32 s6, v8;
	v4 =	vmul.f32 $3.333333430e-01, v4;
	v5 =	vcvt.f32.s32 v49;
	s7 =	sor.u32 $0x60, s4;
	v57 =	vld [tilespmem:s22+$0x3860]  }
0x15b: {  	[tilespmem:s7+$0x7000] =	vst v51;
	v3 =	vadd.s32 v3, v53;
	v9 =	vtrunc.f32 v9;
	v55 =	vmul.u32 $0xD20, v7  }
0x15c: {  	v2 =	vadd.s32 s9, v2;
	[tilespmem:s7+$0xA400] =	vst v3;
	v3 =	vshrl.u32 v5, $0x5;
	s7 =	sor.u32 $0x50, s25;
	v58 =	vcvt.f32.s32 v9  }
0x15d: {  	v3 =	vcvt.s32.f32 v3;
	v59 =	vshrl.u32 v52, $0x6;
	v11 =	vld [tilespmem:s11+$0x3850];
	[tilespmem:s7+$0x7000] =	vst v54;
	v2 =	vadd.s32 v55, v2  }
0x15e: {  	v60 =	vcvt.s32.f32 v59;
	v61 =	vshrl.u32 v58, $0x5;
	[tilespmem:s7+$0xA400] =	vst v2;
	v2 =	vtrunc.f32 v4  }
0x15f: {  	v10 =	vshrl.u32 v57, $0x6;
	v3 =	vmul.f32 $1.428571490e-01, v3;
	v8 =	vcvt.s32.f32 v61;
	v62 =	vld [tilespmem:s15+$0x3850]  }
0x160: {  	v10 =	vcvt.s32.f32 v10;
	v4 =	vmul.f32 $3.333333430e-01, v60  }
0x161: {  	v2 =	vcvt.f32.s32 v2;
	v3 =	vtrunc.f32 v3  }
0x162: {  	v8 =	vmul.f32 $1.428571490e-01, v8;
	v4 =	vtrunc.f32 v4;
	v11 =	vshrl.u32 v11, $0x6  }
0x163: {  	v36 =	vmul.u32 $0xD20, v56;
	v4 =	vcvt.f32.s32 v4;
	v11 =	vcvt.s32.f32 v11  }
0x164: {  	v3 =	vcvt.f32.s32 v3;
	v8 =	vtrunc.f32 v8;
	v9 =	vshrl.u32 v62, $0x6  }
0x165: {  	v17 =	vshrl.u32 v4, $0x5;
	v11 =	vmul.f32 $3.333333430e-01, v11;
	v9 =	vcvt.s32.f32 v9  }
0x166: {  	v16 =	vld [tilespmem:s28+$0x50];
	v3 =	vmul.u32 $0xD20, v3;
	v8 =	vcvt.f32.s32 v8;
	v14 =	vcvt.s32.f32 v17  }
0x167: {  	v20 =	vld [tilespmem:s0+$0x50];
	v5 =	vadd.s32 s14, v5;
	v11 =	vtrunc.f32 v11;
	v9 =	vmul.f32 $3.333333430e-01, v9  }
0x168: {  	v3 =	vadd.s32 v3, v5;
	v18 =	vmul.f32 $1.428571490e-01, v14;
	v11 =	vcvt.f32.s32 v11  }
0x169: {  	v10 =	vmul.f32 $3.333333430e-01, v10;
	[tilespmem:s29+$0xA450] =	vst v3;
	v3 =	vmul.u32 $0xD20, v8;
	v19 =	vtrunc.f32 v9  }
0x16a: {  	v5 =	vtrunc.f32 v18;
	v21 =	vshrl.u32 v11, $0x5;
	v8 =	vcvt.f32.s32 v19  }
0x16b: {  	[tilespmem:s29+$0x7050] =	vst v16;
	v6 =	vadd.s32 s2, v58;
	v5 =	vcvt.f32.s32 v5;
	v13 =	vcvt.s32.f32 v21  }
0x16c: {  	[tilespmem:s1+$0x7050] =	vst v20;
	v10 =	vtrunc.f32 v10;
	v22 =	vld [tilespmem:s28+$0x3860];
	v3 =	vadd.s32 v3, v6;
	v24 =	vshrl.u32 v8, $0x5  }
0x16d: {  	v23 =	vld [tilespmem:s3+$0x50];
	[tilespmem:s1+$0xA450] =	vst v3;
	v5 =	vmul.u32 $0xD20, v5;
	v13 =	vmul.f32 $1.428571490e-01, v13;
	v15 =	vcvt.s32.f32 v24  }
0x16e: {  	v63 =	vshrl.u32 v2, $0x5;
	v10 =	vcvt.f32.s32 v10;
	v3 =	vadd.s32 s30, v4;
	v28 =	vld [tilespmem:s0+$0x3860]  }
0x16f: {  	v31 =	vld [tilespmem:s11+$0x50];
	v3 =	vadd.s32 v5, v3;
	v25 =	vtrunc.f32 v13;
	v26 =	vmul.f32 $1.428571490e-01, v15  }
0x170: {  	v2 =	vadd.s32 s24, v2;
	v12 =	vcvt.s32.f32 v63;
	[tilespmem:s13+$0xA450] =	vst v3;
	v3 =	vcvt.f32.s32 v25  }
0x171: {  	v33 =	vld [tilespmem:s15+$0x50];
	v29 =	vshrl.u32 v10, $0x5;
	v30 =	vshrl.u32 v22, $0x6;
	v5 =	vtrunc.f32 v26  }
0x172: {  	v13 =	vcvt.s32.f32 v30;
	v3 =	vmul.u32 $0xD20, v3;
	v5 =	vcvt.f32.s32 v5  }
0x173: {  	[tilespmem:s13+$0x7050] =	vst v23;
	s24 =	sor.u32 $0x70, s4;
	v4 =	vcvt.s32.f32 v29;
	v11 =	vadd.s32 s6, v11;
	v35 =	vshrl.u32 v28, $0x6  }
0x174: {  	[tilespmem:s24+$0x7000] =	vst v31;
	v13 =	vmul.f32 $3.333333430e-01, v13;
	v3 =	vadd.s32 v3, v11;
	v5 =	vmul.u32 $0xD20, v5  }
0x175: {  	v27 =	vmul.f32 $1.428571490e-01, v12;
	v32 =	vld [tilespmem:s3+$0x3860];
	v37 =	vcvt.s32.f32 v35;
	[tilespmem:s24+$0xA400] =	vst v3;
	v3 =	vadd.s32 s9, v8  }
0x176: {  	[tilespmem:s25+$0x7050] =	vst v33;
	v4 =	vmul.f32 $1.428571490e-01, v4;
	v34 =	vtrunc.f32 v13;
	v38 =	vld [tilespmem:s11+$0x3860];
	v3 =	vadd.s32 v5, v3  }
0x177: {  	v1 =	vadd.s32 s21, v1;
	v7 =	vmul.f32 $3.333333430e-01, v37;
	v6 =	vcvt.f32.s32 v34;
	[tilespmem:s25+$0xA450] =	vst v3  }
0x178: {  	v1 =	vadd.s32 v36, v1;
	v9 =	vtrunc.f32 v27;
	v4 =	vtrunc.f32 v4;
	v41 =	vld [tilespmem:s15+$0x3860]  }
0x179: {  	v4 =	vcvt.f32.s32 v4;
	v42 =	vtrunc.f32 v7;
	v40 =	vshrl.u32 v6, $0x5  }
0x17a: {  	v39 =	vshrl.u32 v32, $0x6;
	v11 =	vcvt.s32.f32 v40;
	v5 =	vcvt.f32.s32 v42  }
0x17b: {  	v3 =	vcvt.f32.s32 v9;
	v9 =	vcvt.s32.f32 v39;
	v8 =	vshrl.u32 v38, $0x6  }
0x17c: {  	v44 =	vmul.f32 $1.428571490e-01, v11;
	v47 =	vshrl.u32 v5, $0x5;
	v8 =	vcvt.s32.f32 v8  }
0x17d: {  	v46 =	vld [tilespmem:s18+$0x60];
	v43 =	vmul.f32 $3.333333430e-01, v9;
	v13 =	vcvt.s32.f32 v47;
	v45 =	vshrl.u32 v41, $0x6  }
0x17e: {  	v48 =	vld [tilespmem:s19+$0x60];
	v10 =	vadd.s32 s26, v10;
	v8 =	vmul.f32 $3.333333430e-01, v8;
	v11 =	vcvt.s32.f32 v45  }
0x17f: {  	v4 =	vmul.u32 $0xD20, v4;
	v9 =	vtrunc.f32 v44;
	v7 =	vtrunc.f32 v43  }
0x180: {  	v50 =	vld [tilespmem:s22+$0x60];
	v3 =	vmul.u32 $0xD20, v3;
	v8 =	vtrunc.f32 v8;
	v11 =	vmul.f32 $3.333333430e-01, v11  }
0x181: {  	[tilespmem:s17+$0xA460] =	vst v1;
	v1 =	vadd.s32 v4, v10;
	v9 =	vcvt.f32.s32 v9;
	v8 =	vcvt.f32.s32 v8  }
0x182: {  	[tilespmem:s17+$0x7060] =	vst v46;
	v54 =	vld [tilespmem:s28+$0x60];
	v2 =	vadd.s32 v3, v2;
	v7 =	vcvt.f32.s32 v7;
	v52 =	vtrunc.f32 v11  }
0x183: {  	[tilespmem:s20+$0x7060] =	vst v48;
	v51 =	vmul.f32 $1.428571490e-01, v13;
	v53 =	vshrl.u32 v8, $0x5;
	v10 =	vcvt.f32.s32 v52  }
0x184: {  	v57 =	vld [tilespmem:s0+$0x60];
	[tilespmem:s20+$0xA460] =	vst v2;
	v2 =	vmul.u32 $0xD20, v9;
	v49 =	vshrl.u32 v7, $0x5;
	v55 =	vcvt.s32.f32 v53  }
0x185: {  	[tilespmem:s23+$0x7060] =	vst v50;
	v59 =	vld [tilespmem:s3+$0x60];
	v4 =	vtrunc.f32 v51;
	v3 =	vcvt.s32.f32 v49;
	v56 =	vshrl.u32 v10, $0x5  }
0x186: {  	[tilespmem:s23+$0xA460] =	vst v1;
	v6 =	vadd.s32 s14, v6;
	v61 =	vld [tilespmem:s11+$0x60];
	v1 =	vmul.f32 $1.428571490e-01, v55;
	v58 =	vcvt.s32.f32 v56  }
0x187: {  	[tilespmem:s29+$0x7060] =	vst v54;
	v63 =	vld [tilespmem:s15+$0x60];
	v4 =	vcvt.f32.s32 v4;
	v2 =	vadd.s32 v2, v6;
	v3 =	vmul.f32 $1.428571490e-01, v3  }
0x188: {  	[tilespmem:s29+$0xA460] =	vst v2;
	v1 =	vtrunc.f32 v1;
	v2 =	vmul.f32 $1.428571490e-01, v58  }
0x189: {  	[tilespmem:s1+$0x7060] =	vst v57;
	v3 =	vtrunc.f32 v3;
	v1 =	vcvt.f32.s32 v1  }
0x18a: {  	[tilespmem:s13+$0x7060] =	vst v59;
	v4 =	vmul.u32 $0xD20, v4;
	v3 =	vcvt.f32.s32 v3;
	v2 =	vtrunc.f32 v2  }
0x18b: {  	p0 =	slt.u32 s16, $0x68;
	v5 =	vadd.s32 s2, v5;
	[tilespmem:s4+$0x7060] =	vst v61;
	s29 =	sor.u32 $0x70, s25;
	v1 =	vmul.u32 $0xD20, v1;
	v2 =	vcvt.f32.s32 v2  }
.Ltmp1:
0x18c: {  	[tilespmem:s29+$0x7000] =	vst v63;
	v4 =	vadd.s32 v4, v5;
	v62 =	vadd.s32 s6, v8;
	v3 =	vmul.u32 $0xD20, v3;
	(pc) =	sbr.rel @p0 .LBB2_5-.Ltmp1, $4  }
0x18d: {  	v60 =	vadd.s32 s30, v7;
	[tilespmem:s1+$0xA460] =	vst v4;
	v1 =	vadd.s32 v1, v62;
	v2 =	vmul.u32 $0xD20, v2  }
0x18e: {  	v3 =	vadd.s32 v3, v60;
	[tilespmem:s4+$0xA460] =	vst v1;
	v1 =	vadd.s32 s9, v10  }
0x18f: {  	s30 =	sadd.s32 $0x8, s16;
	[tilespmem:s13+$0xA460] =	vst v3;
	v1 =	vadd.s32 v2, v1  }
0x190: {  	s16 =	smov.u32 s30;
	[tilespmem:s29+$0xA400] =	vst v1  }
0x191: {  	s0 =	simm.s32 $0x2  }
0x192: {  	_ =	swait.ge [sflag:s0], $0xC40  }
0x193: {  	[sflag:s0] =	ssyncset.done $0x0  }
0x194: {  	[sflag:s0] =	ssyncadd.s32 $0xFFFFF3C0  }
0x195: {  	_ =	swait.ge [sflag:s0], $0xC40  }
0x196: {  	[sflag:s0] =	ssyncset.done $0x0  }
0x197: {  	[sflag:s0] =	ssyncadd.s32 $0xFFFFF3C0  }
0x198: {  	_ =	swait.ge [sflag:s0], $0xC40  }
0x199: {  	[sflag:s0] =	ssyncset.done $0x0  }
0x19a: {  	[sflag:s0] =	ssyncadd.s32 $0xFFFFF3C0  }
0x19b: {  	_ =	swait.ge [sflag:s0], $0xC40  }
0x19c: {  	[sflag:s0] =	ssyncset.done $0x0  }
0x19d: {  	[sflag:s0] =	ssyncadd.s32 $0xFFFFF3C0  }
0x19e: {  	_ =	swait.ge [sflag:s0], $0xC40  }
0x19f: {  	[sflag:s0] =	ssyncset.done $0x0  }
0x1a0: {  	[sflag:s0] =	ssyncadd.s32 $0xFFFFF3C0  }
0x1a1: {  	_ =	swait.ge [sflag:s0], $0xC40  }
0x1a2: {  	[sflag:s0] =	ssyncset.done $0x0  }
0x1a3: {  	[sflag:s0] =	ssyncadd.s32 $0xFFFFF3C0  }
0x1a4: {  	_ =	swait.ge [sflag:s0], $0xC40  }
0x1a5: {  	[sflag:s0] =	ssyncset.done $0x0  }
0x1a6: {  	[sflag:s0] =	ssyncadd.s32 $0xFFFFF3C0  }
0x1a7: {  	_ =	swait.ge [sflag:s0], $0xC40  }
0x1a8: {  	[sflag:s0] =	ssyncset.done $0x0  }
0x1a9: {  	[sflag:s0] =	ssyncadd.s32 $0xFFFFF3C0  }
0x1aa: {  	_ =	swait.ge [sflag:s0], $0xC40  }
0x1ab: {  	[sflag:s0] =	ssyncset.done $0x0  }
0x1ac: {  	[sflag:s0] =	ssyncadd.s32 $0xFFFFF3C0  }
0x1ad: {  	_ =	swait.ge [sflag:s0], $0xC40  }
0x1ae: {  	[sflag:s0] =	ssyncset.done $0x0  }
0x1af: {  	[sflag:s0] =	ssyncadd.s32 $0xFFFFF3C0  }
0x1b0: {  	_ =	swait.ge [sflag:s0], $0xC40  }
0x1b1: {  	[sflag:s0] =	ssyncset.done $0x0  }
0x1b2: {  	[sflag:s0] =	ssyncadd.s32 $0xFFFFF3C0  }
0x1b3: {  	_ =	swait.ge [sflag:s0], $0xC40  }
0x1b4: {  	[sflag:s0] =	ssyncset.done $0x0  }
0x1b5: {  	[sflag:s0] =	ssyncadd.s32 $0xFFFFF3C0  }
0x1b6: {  	_ =	swait.ge [sflag:s0], $0xC40  }
0x1b7: {  	[sflag:s0] =	ssyncset.done $0x0  }
0x1b8: {  	[sflag:s0] =	ssyncadd.s32 $0xFFFFF3C0  }
0x1b9: {  	_ =	swait.ge [sflag:s0], $0xC40  }
0x1ba: {  	[sflag:s0] =	ssyncset.done $0x0  }
0x1bb: {  	[sflag:s0] =	ssyncadd.s32 $0xFFFFF3C0  }
0x1bc: {  	_ =	swait.ge [sflag:s0], $0xC40  }
0x1bd: {  	[sflag:s0] =	ssyncset.done $0x0  }
0x1be: {  	[sflag:s0] =	ssyncadd.s32 $0xFFFFF3C0  }
0x1bf: {  	_ =	swait.ge [sflag:s0], $0xC40  }
0x1c0: {  	s25 =	simm.s32 $0x7000;
	[sflag:s0] =	ssyncset.done $0x0  }
0x1c1: {  	s1 =	simm.s32 $0xA400;
	s26 =	simm.s32 $0x7080;
	[sflag:s0] =	ssyncadd.s32 $0xFFFFF3C0  }
0x1c2: {  	s28 =	simm.s32 $0xA480;
	s29 =	simm.s32 $0x7100;
	[bflag:$0x0] =	sbarrier.arrive $0xFFFF  }
0x1c3: {  	[spmem:s5] =	stream.indirect.scatter.add.f32 [tilespmem:s25], [sflag:$0x1], $0x1, s1, s31, $0xb8;
	[tilespmem:$0x1E480] =	vst v63  }
0x1c4: {  	s30 =	simm.s32 $0xA500;
	s3 =	simm.s32 $0x7180;
	s4 =	simm.s32 $0xA580  }
0x1c5: {  	[spmem:s5] =	stream.indirect.scatter.add.f32 [tilespmem:s26], [sflag:$0x1], $0x1, s28, s31, $0xb8;
	[tilespmem:$0x1E480] =	vst v63  }
0x1c6: {  	s2 =	simm.s32 $0x800;
	s0 =	simm.s32 $0x0;
	s1 =	simm.s32 $0x0  }
0x1c7: {  	[spmem:s5] =	stream.indirect.scatter.add.f32 [tilespmem:s29], [sflag:$0x1], $0x1, s30, s31, $0xb8;
	[tilespmem:$0x1E480] =	vst v63  }
.LBB2_7:
0x1c8: {  	[spmem:s5] =	stream.indirect.scatter.add.f32 [tilespmem:s3], [sflag:$0x1], $0x1, s4, s31, $0xb8;
	[tilespmem:$0x1E480] =	vst v63  }
0x1c9: {  	s4 =	sshra.s32 s2, $0x2;
	s1 =	sadd.s32 $0x4, s1  }
0x1ca: {  	s3 =	sadd.s32 $0x7000, s4;
	s6 =	sadd.s32 $0xA400, s4;
	p0 =	slt.u32 s1, $0x5C  }
0x1cb: {  	[spmem:s5] =	stream.indirect.scatter.add.f32 [tilespmem:s3], [sflag:$0x1], $0x1, s6, s31, $0xb8;
	[tilespmem:$0x1E480] =	vst v63  }
.Ltmp2:
0x1cc: {  	s3 =	sadd.s32 $0x7080, s4;
	s6 =	sadd.s32 $0xA480, s4;
	(pc) =	sbr.rel @p0 .LBB2_7-.Ltmp2, $4  }
0x1cd: {  	[spmem:s5] =	stream.indirect.scatter.add.f32 [tilespmem:s3], [sflag:$0x1], $0x1, s6, s31, $0xb8;
	[tilespmem:$0x1E480] =	vst v63  }
0x1ce: {  	s3 =	sadd.s32 $0x7100, s4;
	s6 =	sadd.s32 $0xA500, s4  }
0x1cf: {  	[spmem:s5] =	stream.indirect.scatter.add.f32 [tilespmem:s3], [sflag:$0x1], $0x1, s6, s31, $0xb8;
	[tilespmem:$0x1E480] =	vst v63  }
0x1d0: {  	s2 =	sadd.s32 $0x800, s2;
	s3 =	sadd.s32 $0x7180, s4;
	s4 =	sadd.s32 $0xA580, s4  }
0x1d1: {  	[spmem:s5] =	stream.indirect.scatter.add.f32 [tilespmem:s3], [sflag:$0x1], $0x1, s4, s31, $0xb8;
	[tilespmem:$0x1E480] =	vst v63  }
0x1d2: {  	s26 =	simm.s32 $0xD800  }
.LBB2_9:
0x1d3: {  	p0 =	sne.s32 s0, $0x200  }
.Ltmp3:
0x1d4: {  	_ = 	snop;
	(pc) =	sbr.rel @p0 .LBB2_9-.Ltmp3, $4  }
0x1d5: {  	_ = 	snop  }
0x1d6: {  	s1 =	sshra.s32 s0, $0x2  }
0x1d7: {  	s0 =	sadd.s32 $0x200, s0;
	s2 =	sadd.s32 $0xA000, s1;
	s1 =	sadd.s32 $0xD400, s1  }
0x1d8: {  	[spmem:s5] =	stream.indirect.scatter.add.f32 [tilespmem:s2], [sflag:$0x1], $0x1, s1, s31, $0xb8;
	[tilespmem:$0x1E480] =	vst v63  }
0x1d9: {  	s0 =	rddreg [dreg:$0x6]  }
0x1da: {  	s2 =	rddreg [dreg:$0x1a]  }
0x1db: {  	s1 =	sadd.s32 s0, s2;
	p0 =	seq.s32 s2, $0x17  }
0x1dc: {  	s0 =	sadd.s32 @!p0 $0x1, s1  }
0x1dd: {  	s2 =	smulhi.u32 @!p0 $0xAAAAAAAB, s0;
	_ =	sdelay $0x1  }
0x1de: {  	s2 =	sshrl.u32 @!p0 s2, $0x3  }
0x1df: {  	s3 =	smul.u32 @!p0 $0xC, s2  }
0x1e0: {  	s2 =	smul.u32 @!p0 $0x2A0000, s2  }
0x1e1: {  	s0 =	ssub.s32 @!p0 s0, s3;
	s3 =	rddreg [dreg:$0x5]  }
0x1e2: {  	s2 =	sadd.s32 @!p0 s3, s2;
	s0 =	sshll.u32 @!p0 s0, $0xB  }
0x1e3: {  	s0 =	sadd.s32 @!p0 s0, s2  }
0x1e4: {  	s4 =	simm.s32 @!p0 $0x6000;
	s2 =	rddreg [dreg:$0x0];
	s0 =	sshrl.u32 @!p0 s0, $0x3  }
0x1e5: {  	s6 =	simm.s32 @!p0 $0x0;
	s3 =	simm.s32 @!p0 $0x800;
	s2 =	sadd.s32 @!p0 s2, s0  }
0x1e6: {  	[tilespmem:s6], [sflag:$0x3] =	stream.strided.gather @!p0 [hbm4b:s2+s3], $0x3800, s4, s3, $0x38;
	[tilespmem:$0x1E480] =	vst v63  }
0x1e7: {  	s2 =	rddreg [dreg:$0x1]  }
0x1e8: {  	s0 =	sadd.s32 @!p0 s2, s0;
	s2 =	simm.s32 @!p0 $0x3800  }
0x1e9: {  	[tilespmem:s2], [sflag:$0x3] =	stream.strided.gather @!p0 [hbm4b:s0+s3], $0x3800, s4, s3, $0x38;
	[tilespmem:$0x1E480] =	vst v63  }
0x1ea: {  	_ =	swait.ge [sflag:s10], $0x80  }
0x1eb: {  	[sflag:s10] =	ssyncset.done $0x0  }
0x1ec: {  	[sflag:s10] =	ssyncadd.s32 $0xFFFFFF80  }
0x1ed: {  	_ =	swait.ge [sflag:s10], $0x80  }
0x1ee: {  	s24 =	smulhi.u32 $0xAAAAAAAB, s1;
	[sflag:s10] =	ssyncset.done $0x0  }
0x1ef: {  	[sflag:s10] =	ssyncadd.s32 $0xFFFFFF80  }
0x1f0: {  	s28 =	simm.s32 $0x4;
	s0 =	sshrl.u32 s24, $0x3;
	_ =	swait.ge [sflag:s10], $0x80  }
0x1f1: {  	s29 =	simm.s32 $0xE600;
	s25 =	smul.u32 $0xC, s0;
	[sflag:s10] =	ssyncset.done $0x0  }
0x1f2: {  	s30 =	simm.s32 $0xF400;
	s2 =	simm.s32 $0x0;
	[sflag:s10] =	ssyncadd.s32 $0xFFFFFF80  }
0x1f3: {  	s1 =	ssub.s32 s1, s25;
	s25 =	simm.s32 $0x0;
	_ =	swait.ge [sflag:s10], $0x80  }
0x1f4: {  	s1 =	sshll.u32 s1, $0xC;
	[sflag:s10] =	ssyncset.done $0x0;
	s24 =	rddreg [dreg:$0x2]  }
.LBB2_11:
0x1f5: {  	s2 =	sadd.s32 $0x4, s2;
	[sflag:s10] =	ssyncadd.s32 $0xFFFFFF80  }
0x1f6: {  	_ =	swait.ge [sflag:s10], $0x80;
	p0 =	slt.u32 s2, $0x5C  }
0x1f7: {  	[sflag:s10] =	ssyncset.done $0x0  }
0x1f8: {  	[sflag:s10] =	ssyncadd.s32 $0xFFFFFF80  }
0x1f9: {  	_ =	swait.ge [sflag:s10], $0x80  }
0x1fa: {  	[sflag:s10] =	ssyncset.done $0x0  }
0x1fb: {  	[sflag:s10] =	ssyncadd.s32 $0xFFFFFF80  }
.Ltmp4:
0x1fc: {  	_ =	swait.ge [sflag:s10], $0x80;
	(pc) =	sbr.rel @p0 .LBB2_11-.Ltmp4, $4  }
0x1fd: {  	[sflag:s10] =	ssyncset.done $0x0  }
0x1fe: {  	[sflag:s10] =	ssyncadd.s32 $0xFFFFFF80  }
0x1ff: {  	_ =	swait.ge [sflag:s10], $0x80  }
0x200: {  	[sflag:s10] =	ssyncset.done $0x0  }
0x201: {  	[sflag:s10] =	ssyncadd.s32 $0xFFFFFF80;
	s2 =	simm.s32 $0x2  }
.LBB2_13:
0x202: {  	p0 =	sne.s32 s2, $0x1  }
.Ltmp5:
0x203: {  	_ = 	snop;
	(pc) =	sbr.rel @p0 .LBB2_13-.Ltmp5, $4  }
0x204: {  	_ = 	snop  }
0x205: {  	_ =	swait.ge [sflag:s10], $0x80  }
0x206: {  	[sflag:s10] =	ssyncset.done $0x0  }
0x207: {  	s2 =	sadd.s32 $0xFFFFFFFF, s2;
	[sflag:s10] =	ssyncadd.s32 $0xFFFFFF80  }
0x208: {  	[bflag:$0x0] =	sbarrier.arrive $0xFFFF;
	s0 =	smul.u32 $0xA80000, s0  }
0x209: {  	[tilespmem:s26], [sflag:$0x4] =	stream.linear.gather [spmem:s12], $0xE00, $0x38;
	[tilespmem:$0x1E480] =	vst v63  }
0x20a: {  	s14 =	simm.s32 $0x0;
	s16 =	simm.s32 $0x0;
	s0 =	sor.u32 s0, s1  }
.LBB2_15:
0x20b: {  	s3 =	sshllo.u32 s16, $0x1  }
0x20c: {  	s1 =	smul.u32 $0x3800, s3  }
0x20d: {  	_ =	swait.ge [sflag:s28], $0xE00  }
0x20e: {  	[sflag:s28] =	ssyncset.done $0x0;
	s1 =	sshra.s32 s1, $0x2  }
0x20f: {  	p0 =	seq.s32 s16, $0x0;
	[sflag:s28] =	ssyncadd.s32 $0xFFFFF200;
	s1 =	sadd.s32 s1, s12  }
0x210: {  	[tilespmem:s29], [sflag:$0x5] =	stream.linear.gather [spmem:s1], $0xE00, $0x38;
	[tilespmem:$0x1E480] =	vst v63  }
0x211: {  	s1 =	simm.s32 @!p0 $0x6  }
0x212: {  	_ =	swait.ge @!p0 [sflag:s1], $0x1000  }
0x213: {  	[sflag:s1] =	ssyncset.done @!p0 $0x0  }
0x214: {  	s18 =	simm.s32 $0xD8E0;
	[sflag:s1] =	ssyncadd.s32 @!p0 $0xFFFFF000  }
0x215: {  	v1 =	vld [tilespmem:s18+$0x0]  }
0x216: {  	v2 =	vld [tilespmem:s18+$0xFFFFFF20]  }
0x217: {  	s17 =	simm.s32 $0x80;
	s2 =	sand.u32 $0x800, s14  }
0x218: {  	s4 =	simm.s32 $0x0;
	s2 =	sor.u32 $0xF400, s2;
	s1 =	sand.u32 $0x380, s17  }
0x219: {  	s4 =	sand.u32 $0x300, s4;
	s20 =	sor.u32 s1, s2  }
0x21a: {  	s1 =	sor.u32 s4, s2;
	[tilespmem:s20+$0x0] =	vst v1  }
0x21b: {  	[tilespmem:s1+$0x0] =	vst v2;
	v1 =	vld [tilespmem:s18+$0x10]  }
0x21c: {  	v2 =	vld [tilespmem:s18+$0xFFFFFF30];
	_ =	sdelay $0x3  }
0x21d: {  	[tilespmem:s20+$0x10] =	vst v1  }
0x21e: {  	[tilespmem:s1+$0x10] =	vst v2;
	v1 =	vld [tilespmem:s18+$0x20]  }
0x21f: {  	v2 =	vld [tilespmem:s18+$0xFFFFFF40];
	_ =	sdelay $0x3  }
0x220: {  	[tilespmem:s20+$0x20] =	vst v1  }
0x221: {  	[tilespmem:s1+$0x20] =	vst v2;
	v1 =	vld [tilespmem:s18+$0x30]  }
0x222: {  	v2 =	vld [tilespmem:s18+$0xFFFFFF50];
	_ =	sdelay $0x3  }
0x223: {  	[tilespmem:s20+$0x30] =	vst v1  }
0x224: {  	[tilespmem:s1+$0x30] =	vst v2;
	v1 =	vld [tilespmem:s18+$0x40]  }
0x225: {  	v2 =	vld [tilespmem:s18+$0xFFFFFF60];
	_ =	sdelay $0x1  }
0x226: {  	s2 =	simm.s32 $0xDAA0  }
0x227: {  	v3 =	vld [tilespmem:s2+$0x0]  }
0x228: {  	s19 =	simm.s32 $0x200;
	v4 =	vld [tilespmem:s2+$0xFFFFFF20];
	[tilespmem:s20+$0x40] =	vst v1  }
0x229: {  	s6 =	simm.s32 $0x180;
	s4 =	sand.u32 $0x800, s19;
	[tilespmem:s1+$0x40] =	vst v2;
	v1 =	vld [tilespmem:s18+$0x50]  }
0x22a: {  	s7 =	simm.s32 $0x100;
	s6 =	sand.u32 $0x380, s6;
	s4 =	sor.u32 $0xF400, s4;
	v2 =	vld [tilespmem:s18+$0xFFFFFF70]  }
0x22b: {  	s7 =	sand.u32 $0x300, s7;
	s6 =	sor.u32 s6, s4  }
0x22c: {  	s4 =	sor.u32 s7, s4;
	[tilespmem:s6+$0x0] =	vst v3  }
0x22d: {  	[tilespmem:s4+$0x0] =	vst v4;
	v3 =	vld [tilespmem:s2+$0x10]  }
0x22e: {  	v4 =	vld [tilespmem:s2+$0xFFFFFF30];
	[tilespmem:s20+$0x50] =	vst v1  }
0x22f: {  	[tilespmem:s1+$0x50] =	vst v2;
	v1 =	vld [tilespmem:s18+$0x60]  }
0x230: {  	v2 =	vld [tilespmem:s18+$0xFFFFFF80];
	_ =	sdelay $0x1  }
0x231: {  	[tilespmem:s6+$0x10] =	vst v3  }
0x232: {  	[tilespmem:s4+$0x10] =	vst v4;
	v3 =	vld [tilespmem:s2+$0x20]  }
0x233: {  	v4 =	vld [tilespmem:s2+$0xFFFFFF40];
	[tilespmem:s20+$0x60] =	vst v1  }
0x234: {  	[tilespmem:s1+$0x60] =	vst v2;
	v1 =	vld [tilespmem:s18+$0x70]  }
0x235: {  	v2 =	vld [tilespmem:s18+$0xFFFFFF90];
	_ =	sdelay $0x1  }
0x236: {  	[tilespmem:s6+$0x20] =	vst v3  }
0x237: {  	s21 =	simm.s32 $0xE0;
	[tilespmem:s4+$0x20] =	vst v4;
	v3 =	vld [tilespmem:s2+$0x30]  }
0x238: {  	s9 =	simm.s32 $0x0;
	s7 =	sand.u32 $0xFE0, s21;
	v4 =	vld [tilespmem:s2+$0xFFFFFF50];
	[tilespmem:s20+$0x70] =	vst v1  }
0x239: {  	s9 =	sand.u32 $0xFC0, s9;
	[tilespmem:s1+$0x70] =	vst v2;
	v1 =	vld [tilespmem:s7+$0xD880]  }
0x23a: {  	v2 =	vld [tilespmem:s9+$0xD880];
	_ =	sdelay $0x1  }
0x23b: {  	[tilespmem:s6+$0x30] =	vst v3  }
0x23c: {  	[tilespmem:s4+$0x30] =	vst v4;
	v3 =	vld [tilespmem:s2+$0x40]  }
0x23d: {  	v4 =	vld [tilespmem:s2+$0xFFFFFF60];
	[tilespmem:s20+$0x400] =	vst v1  }
0x23e: {  	[tilespmem:s1+$0x400] =	vst v2;
	v1 =	vld [tilespmem:s18+$0x90]  }
0x23f: {  	s9 =	simm.s32 $0xDC60;
	v2 =	vld [tilespmem:s18+$0xFFFFFFB0]  }
0x240: {  	v5 =	vld [tilespmem:s9+$0x0]  }
0x241: {  	s15 =	simm.s32 $0x400;
	[tilespmem:s6+$0x40] =	vst v3;
	v6 =	vld [tilespmem:s9+$0xFFFFFF20]  }
0x242: {  	s22 =	sand.u32 $0x800, s15;
	s17 =	simm.s32 $0x280;
	[tilespmem:s4+$0x40] =	vst v4;
	v3 =	vld [tilespmem:s2+$0x50]  }
0x243: {  	s11 =	simm.s32 $0x200;
	s13 =	sand.u32 $0x380, s17;
	v4 =	vld [tilespmem:s2+$0xFFFFFF70];
	s7 =	sor.u32 $0xF400, s22;
	[tilespmem:s20+$0x410] =	vst v1  }
0x244: {  	s19 =	sand.u32 $0x300, s11;
	s11 =	sor.u32 s13, s7;
	[tilespmem:s1+$0x410] =	vst v2;
	v1 =	vld [tilespmem:s18+$0xA0]  }
0x245: {  	s13 =	sor.u32 s19, s7;
	[tilespmem:s11+$0x0] =	vst v5;
	v2 =	vld [tilespmem:s18+$0xFFFFFFC0]  }
0x246: {  	[tilespmem:s13+$0x0] =	vst v6;
	v5 =	vld [tilespmem:s9+$0x10]  }
0x247: {  	[tilespmem:s6+$0x50] =	vst v3;
	v6 =	vld [tilespmem:s9+$0xFFFFFF30]  }
0x248: {  	[tilespmem:s4+$0x50] =	vst v4;
	v3 =	vld [tilespmem:s2+$0x60]  }
0x249: {  	v4 =	vld [tilespmem:s2+$0xFFFFFF80];
	[tilespmem:s20+$0x420] =	vst v1  }
0x24a: {  	[tilespmem:s1+$0x420] =	vst v2;
	v1 =	vld [tilespmem:s18+$0xB0]  }
0x24b: {  	[tilespmem:s11+$0x10] =	vst v5;
	v2 =	vld [tilespmem:s18+$0xFFFFFFD0]  }
0x24c: {  	[tilespmem:s13+$0x10] =	vst v6;
	v5 =	vld [tilespmem:s9+$0x20]  }
0x24d: {  	[tilespmem:s6+$0x60] =	vst v3;
	v6 =	vld [tilespmem:s9+$0xFFFFFF40]  }
0x24e: {  	[tilespmem:s4+$0x60] =	vst v4;
	v3 =	vld [tilespmem:s2+$0x70]  }
0x24f: {  	v4 =	vld [tilespmem:s2+$0xFFFFFF90];
	[tilespmem:s20+$0x430] =	vst v1  }
0x250: {  	[tilespmem:s1+$0x430] =	vst v2;
	v1 =	vld [tilespmem:s18+$0xC0]  }
0x251: {  	[tilespmem:s11+$0x20] =	vst v5;
	v2 =	vld [tilespmem:s18+$0xFFFFFFE0]  }
0x252: {  	s19 =	simm.s32 $0x2A0;
	[tilespmem:s13+$0x20] =	vst v6;
	v5 =	vld [tilespmem:s9+$0x30]  }
0x253: {  	s23 =	simm.s32 $0x1C0;
	[tilespmem:s6+$0x70] =	vst v3;
	s21 =	sand.u32 $0xFE0, s19;
	v6 =	vld [tilespmem:s9+$0xFFFFFF50]  }
0x254: {  	[tilespmem:s4+$0x70] =	vst v4;
	s7 =	sand.u32 $0xFC0, s23;
	v3 =	vld [tilespmem:s21+$0xD880]  }
0x255: {  	v7 =	vld [tilespmem:s7+$0xD880];
	[tilespmem:s20+$0x440] =	vst v1  }
0x256: {  	[tilespmem:s1+$0x440] =	vst v2;
	v8 =	vld [tilespmem:s18+$0xD0]  }
0x257: {  	[tilespmem:s11+$0x30] =	vst v5;
	v1 =	vld [tilespmem:s18+$0xFFFFFFF0]  }
0x258: {  	[tilespmem:s13+$0x30] =	vst v6;
	v5 =	vld [tilespmem:s9+$0x40]  }
0x259: {  	[tilespmem:s6+$0x400] =	vst v3;
	v4 =	vld [tilespmem:s9+$0xFFFFFF60]  }
0x25a: {  	[tilespmem:s4+$0x400] =	vst v7;
	v2 =	vld [tilespmem:s2+$0x90]  }
0x25b: {  	s22 =	simm.s32 $0xDE20;
	s21 =	simm.s32 $0x4;
	v3 =	vld [tilespmem:s2+$0xFFFFFFB0];
	s18 =	sshll.u32 s16, $0x1;
	[tilespmem:s20+$0x450] =	vst v8  }
.LBB2_16:
0x25c: {  	v6 =	vld [tilespmem:s22+$0x0];
	s21 =	sadd.s32 $0x2, s21;
	[tilespmem:s1+$0x450] =	vst v1;
	s1 =	smov.u32 s4;
	s4 =	smov.u32 s13  }
0x25d: {  	s15 =	sadd.s32 $0x200, s15;
	v1 =	vld [tilespmem:s22+$0xFFFFFF20];
	p1 =	slt.u32 s21, $0xE;
	[tilespmem:s11+$0x40] =	vst v5  }
0x25e: {  	s17 =	sadd.s32 $0x100, s17;
	s7 =	sand.u32 $0x800, s15;
	[tilespmem:s4+$0x40] =	vst v4;
	v4 =	vld [tilespmem:s9+$0x50]  }
0x25f: {  	s13 =	sadd.s32 $0xFFFFFF80, s17;
	s20 =	sand.u32 $0x380, s17;
	s7 =	sor.u32 $0xF400, s7;
	v5 =	vld [tilespmem:s9+$0xFFFFFF70];
	[tilespmem:s6+$0x410] =	vst v2  }
0x260: {  	s13 =	sand.u32 $0x300, s13;
	s20 =	sor.u32 s20, s7;
	[tilespmem:s1+$0x410] =	vst v3;
	v2 =	vld [tilespmem:s2+$0xA0]  }
0x261: {  	s13 =	sor.u32 s13, s7;
	[tilespmem:s20+$0x0] =	vst v6;
	v3 =	vld [tilespmem:s2+$0xFFFFFFC0]  }
0x262: {  	[tilespmem:s13+$0x0] =	vst v1;
	v1 =	vld [tilespmem:s22+$0x10]  }
0x263: {  	v6 =	vld [tilespmem:s22+$0xFFFFFF30];
	[tilespmem:s11+$0x50] =	vst v4  }
0x264: {  	[tilespmem:s4+$0x50] =	vst v5;
	v4 =	vld [tilespmem:s9+$0x60]  }
0x265: {  	v5 =	vld [tilespmem:s9+$0xFFFFFF80];
	[tilespmem:s6+$0x420] =	vst v2  }
0x266: {  	[tilespmem:s1+$0x420] =	vst v3;
	v2 =	vld [tilespmem:s2+$0xB0]  }
0x267: {  	[tilespmem:s20+$0x10] =	vst v1;
	v1 =	vld [tilespmem:s2+$0xFFFFFFD0]  }
0x268: {  	[tilespmem:s13+$0x10] =	vst v6;
	v3 =	vld [tilespmem:s22+$0x20]  }
0x269: {  	v6 =	vld [tilespmem:s22+$0xFFFFFF40];
	[tilespmem:s11+$0x60] =	vst v4  }
0x26a: {  	[tilespmem:s4+$0x60] =	vst v5;
	v4 =	vld [tilespmem:s9+$0x70]  }
0x26b: {  	v5 =	vld [tilespmem:s9+$0xFFFFFF90];
	[tilespmem:s6+$0x430] =	vst v2  }
0x26c: {  	[tilespmem:s1+$0x430] =	vst v1;
	v1 =	vld [tilespmem:s2+$0xC0]  }
0x26d: {  	[tilespmem:s20+$0x20] =	vst v3;
	v2 =	vld [tilespmem:s2+$0xFFFFFFE0]  }
0x26e: {  	s19 =	sadd.s32 $0x1C0, s19;
	[tilespmem:s13+$0x20] =	vst v6;
	v3 =	vld [tilespmem:s22+$0x30]  }
0x26f: {  	s23 =	sand.u32 $0xFE0, s19;
	s7 =	sadd.s32 $0xFFFFFF20, s19;
	v6 =	vld [tilespmem:s22+$0xFFFFFF50];
	[tilespmem:s11+$0x70] =	vst v4  }
0x270: {  	s7 =	sand.u32 $0xFC0, s7;
	[tilespmem:s4+$0x70] =	vst v5;
	v7 =	vld [tilespmem:s23+$0xD880]  }
0x271: {  	v8 =	vld [tilespmem:s7+$0xD880];
	[tilespmem:s6+$0x440] =	vst v1  }
0x272: {  	[tilespmem:s1+$0x440] =	vst v2;
	v9 =	vld [tilespmem:s2+$0xD0]  }
.Ltmp6:
0x273: {  	[tilespmem:s20+$0x30] =	vst v3;
	v1 =	vld [tilespmem:s2+$0xFFFFFFF0];
	s2 =	smov.u32 s9;
	s9 =	smov.u32 s22;
	(pc) =	sbr.rel @p1 .LBB2_16-.Ltmp6, $4  }
0x274: {  	[tilespmem:s13+$0x30] =	vst v6;
	v5 =	vld [tilespmem:s22+$0x40]  }
0x275: {  	v4 =	vld [tilespmem:s22+$0xFFFFFF60];
	[tilespmem:s11+$0x400] =	vst v7  }
0x276: {  	[tilespmem:s4+$0x400] =	vst v8;
	v2 =	vld [tilespmem:s2+$0x90]  }
0x277: {  	s22 =	sadd.s32 $0x1C0, s22;
	v3 =	vld [tilespmem:s2+$0xFFFFFFB0];
	[tilespmem:s6+$0x450] =	vst v9;
	s6 =	smov.u32 s11;
	s11 =	smov.u32 s20  }
0x278: {  	_ = 	snop  }
0x279: {  	[tilespmem:s11+$0x40] =	vst v5  }
0x27a: {  	[tilespmem:s13+$0x40] =	vst v4;
	v62 =	vld [tilespmem:s9+$0x50]  }
0x27b: {  	v63 =	vld [tilespmem:s9+$0xFFFFFF70];
	_ =	sdelay $0x3  }
0x27c: {  	[tilespmem:s11+$0x50] =	vst v62  }
0x27d: {  	[tilespmem:s13+$0x50] =	vst v63;
	v4 =	vld [tilespmem:s9+$0x60]  }
0x27e: {  	v5 =	vld [tilespmem:s9+$0xFFFFFF80];
	_ =	sdelay $0x3  }
0x27f: {  	[tilespmem:s11+$0x60] =	vst v4  }
0x280: {  	[tilespmem:s13+$0x60] =	vst v5;
	v4 =	vld [tilespmem:s9+$0x70]  }
0x281: {  	v5 =	vld [tilespmem:s9+$0xFFFFFF90];
	_ =	sdelay $0x2  }
0x282: {  	s7 =	sadd.s32 $0x1C0, s19  }
0x283: {  	s15 =	sadd.s32 $0xFFFFFF20, s7;
	s7 =	sand.u32 $0xFE0, s7;
	[tilespmem:s11+$0x70] =	vst v4  }
0x284: {  	s21 =	sand.u32 $0xFC0, s15;
	v4 =	vld [tilespmem:s7+$0xD880];
	[tilespmem:s13+$0x70] =	vst v5  }
0x285: {  	v5 =	vld [tilespmem:s21+$0xD880];
	_ =	sdelay $0x3  }
0x286: {  	[tilespmem:s11+$0x400] =	vst v4  }
0x287: {  	[tilespmem:s13+$0x400] =	vst v5;
	v4 =	vld [tilespmem:s9+$0x90]  }
0x288: {  	v5 =	vld [tilespmem:s9+$0xFFFFFFB0];
	_ =	sdelay $0x1  }
0x289: {  	[tilespmem:s6+$0x410] =	vst v2  }
0x28a: {  	[tilespmem:s4+$0x410] =	vst v3;
	v2 =	vld [tilespmem:s2+$0xA0]  }
0x28b: {  	v3 =	vld [tilespmem:s2+$0xFFFFFFC0];
	[tilespmem:s11+$0x410] =	vst v4  }
0x28c: {  	[tilespmem:s13+$0x410] =	vst v5;
	v4 =	vld [tilespmem:s9+$0xA0]  }
0x28d: {  	v5 =	vld [tilespmem:s9+$0xFFFFFFC0];
	_ =	sdelay $0x1  }
0x28e: {  	[tilespmem:s6+$0x420] =	vst v2  }
0x28f: {  	[tilespmem:s4+$0x420] =	vst v3;
	v2 =	vld [tilespmem:s2+$0xB0]  }
0x290: {  	v3 =	vld [tilespmem:s2+$0xFFFFFFD0];
	[tilespmem:s11+$0x420] =	vst v4  }
0x291: {  	[tilespmem:s13+$0x420] =	vst v5;
	v4 =	vld [tilespmem:s9+$0xB0]  }
0x292: {  	v5 =	vld [tilespmem:s9+$0xFFFFFFD0];
	_ =	sdelay $0x1  }
0x293: {  	[tilespmem:s6+$0x430] =	vst v2  }
0x294: {  	[tilespmem:s4+$0x430] =	vst v3;
	v2 =	vld [tilespmem:s2+$0xC0]  }
0x295: {  	v3 =	vld [tilespmem:s2+$0xFFFFFFE0];
	[tilespmem:s11+$0x430] =	vst v4  }
0x296: {  	[tilespmem:s13+$0x430] =	vst v5;
	v4 =	vld [tilespmem:s9+$0xC0]  }
0x297: {  	v5 =	vld [tilespmem:s9+$0xFFFFFFE0];
	_ =	sdelay $0x1  }
0x298: {  	[tilespmem:s6+$0x440] =	vst v2  }
0x299: {  	[tilespmem:s4+$0x440] =	vst v3;
	v2 =	vld [tilespmem:s2+$0xD0]  }
0x29a: {  	v3 =	vld [tilespmem:s2+$0xFFFFFFF0];
	[tilespmem:s11+$0x440] =	vst v4  }
0x29b: {  	[tilespmem:s13+$0x440] =	vst v5;
	v4 =	vld [tilespmem:s9+$0xD0]  }
0x29c: {  	s22 =	sadd.s32 s8, s18;
	v5 =	vld [tilespmem:s9+$0xFFFFFFF0]  }
0x29d: {  	[tilespmem:s1+$0x450] =	vst v1;
	p1 =	sne.s32 s16, $0x6;
	s23 =	smul.u32 $0xC000, s22  }
.Ltmp7:
0x29e: {  	[tilespmem:s6+$0x450] =	vst v2;
	(pc) =	sbr.rel @p1 .LBB2_19-.Ltmp7, $4  }
0x29f: {  	s1 =	sadd.s32 s23, s0;
	[tilespmem:s4+$0x450] =	vst v3  }
0x2a0: {  	s1 =	sshrl.u32 s1, $0x3;
	[tilespmem:s11+$0x450] =	vst v4  }
0x2a1: {  	s1 =	sadd.s32 s24, s1;
	[tilespmem:s13+$0x450] =	vst v5  }
0x2a2: {  	[hbm4b:s1+s25] =	stream.linear.scatter [tilespmem:s30], [sflag:$0x6], $0x1000, $0x38;
	[tilespmem:$0x1E480] =	vst v63  }
.Ltmp8:
0x2a3: {  	(pc) =	sbr.rel .LBB2_20-.Ltmp8, $4  }
0x2a4: {  	s1 =	simm.s32 $0x5  }
0x2a5: {  	_ =	swait.ge [sflag:s1], $0xE00  }
0x2a6: {  	[sflag:s1] =	ssyncset.done $0x0  }
0x2a7: {  	[sflag:s1] =	ssyncadd.s32 $0xFFFFF200  }
.LBB2_19:
0x2a8: {  	s1 =	smul.u32 $0x7000, s16;
	_ =	sdelay $0x1  }
0x2a9: {  	s1 =	sshra.s32 s1, $0x2  }
0x2aa: {  	s1 =	sadd.s32 s1, s12  }
.Ltmp9:
0x2ab: {  	s23 =	simm.s32 $0x5;
	s1 =	sadd.s32 $0x1C00, s1;
	(pc) =	sbr.rel @p0 .LBB2_21-.Ltmp9, $4  }
0x2ac: {  	[tilespmem:s26], [sflag:$0x4] =	stream.linear.gather [spmem:s1], $0xE00, $0x38;
	[tilespmem:$0x1E480] =	vst v63  }
0x2ad: {  	_ =	swait.ge [sflag:s23], $0xE00  }
0x2ae: {  	[sflag:s23] =	ssyncset.done $0x0  }
0x2af: {  	[sflag:s23] =	ssyncadd.s32 $0xFFFFF200  }
.LBB2_20:
0x2b0: {  	s1 =	simm.s32 $0x7  }
0x2b1: {  	_ =	swait.ge [sflag:s1], $0x1000  }
0x2b2: {  	[sflag:s1] =	ssyncset.done $0x0  }
0x2b3: {  	[sflag:s1] =	ssyncadd.s32 $0xFFFFF000  }
.LBB2_21:
0x2b4: {  	s19 =	simm.s32 $0xE6E0  }
0x2b5: {  	v1 =	vld [tilespmem:s19+$0x0]  }
0x2b6: {  	s1 =	simm.s32 $0x0;
	v2 =	vld [tilespmem:s19+$0xFFFFFF20]  }
0x2b7: {  	s2 =	simm.s32 $0x80;
	s1 =	sand.u32 $0x800, s1  }
0x2b8: {  	s4 =	simm.s32 $0x0;
	s2 =	sand.u32 $0x380, s2;
	s1 =	sor.u32 $0x10400, s1  }
0x2b9: {  	s4 =	sand.u32 $0x300, s4;
	s20 =	sor.u32 s2, s1  }
0x2ba: {  	s1 =	sor.u32 s4, s1;
	[tilespmem:s20+$0x0] =	vst v1  }
0x2bb: {  	[tilespmem:s1+$0x0] =	vst v2;
	v1 =	vld [tilespmem:s19+$0x10]  }
0x2bc: {  	v2 =	vld [tilespmem:s19+$0xFFFFFF30];
	_ =	sdelay $0x3  }
0x2bd: {  	[tilespmem:s20+$0x10] =	vst v1  }
0x2be: {  	[tilespmem:s1+$0x10] =	vst v2;
	v1 =	vld [tilespmem:s19+$0x20]  }
0x2bf: {  	v2 =	vld [tilespmem:s19+$0xFFFFFF40];
	_ =	sdelay $0x3  }
0x2c0: {  	[tilespmem:s20+$0x20] =	vst v1  }
0x2c1: {  	[tilespmem:s1+$0x20] =	vst v2;
	v1 =	vld [tilespmem:s19+$0x30]  }
0x2c2: {  	v2 =	vld [tilespmem:s19+$0xFFFFFF50];
	_ =	sdelay $0x3  }
0x2c3: {  	[tilespmem:s20+$0x30] =	vst v1  }
0x2c4: {  	[tilespmem:s1+$0x30] =	vst v2;
	v1 =	vld [tilespmem:s19+$0x40]  }
0x2c5: {  	v2 =	vld [tilespmem:s19+$0xFFFFFF60];
	_ =	sdelay $0x1  }
0x2c6: {  	s2 =	simm.s32 $0xE8A0  }
0x2c7: {  	v3 =	vld [tilespmem:s2+$0x0]  }
0x2c8: {  	s18 =	simm.s32 $0x200;
	v4 =	vld [tilespmem:s2+$0xFFFFFF20];
	[tilespmem:s20+$0x40] =	vst v1  }
0x2c9: {  	s6 =	simm.s32 $0x180;
	s4 =	sand.u32 $0x800, s18;
	[tilespmem:s1+$0x40] =	vst v2;
	v1 =	vld [tilespmem:s19+$0x50]  }
0x2ca: {  	s7 =	simm.s32 $0x100;
	s6 =	sand.u32 $0x380, s6;
	s4 =	sor.u32 $0x10400, s4;
	v2 =	vld [tilespmem:s19+$0xFFFFFF70]  }
0x2cb: {  	s7 =	sand.u32 $0x300, s7;
	s6 =	sor.u32 s6, s4  }
0x2cc: {  	s4 =	sor.u32 s7, s4;
	[tilespmem:s6+$0x0] =	vst v3  }
0x2cd: {  	[tilespmem:s4+$0x0] =	vst v4;
	v3 =	vld [tilespmem:s2+$0x10]  }
0x2ce: {  	v4 =	vld [tilespmem:s2+$0xFFFFFF30];
	[tilespmem:s20+$0x50] =	vst v1  }
0x2cf: {  	[tilespmem:s1+$0x50] =	vst v2;
	v1 =	vld [tilespmem:s19+$0x60]  }
0x2d0: {  	v2 =	vld [tilespmem:s19+$0xFFFFFF80];
	_ =	sdelay $0x1  }
0x2d1: {  	[tilespmem:s6+$0x10] =	vst v3  }
0x2d2: {  	[tilespmem:s4+$0x10] =	vst v4;
	v3 =	vld [tilespmem:s2+$0x20]  }
0x2d3: {  	v4 =	vld [tilespmem:s2+$0xFFFFFF40];
	[tilespmem:s20+$0x60] =	vst v1  }
0x2d4: {  	[tilespmem:s1+$0x60] =	vst v2;
	v1 =	vld [tilespmem:s19+$0x70]  }
0x2d5: {  	v2 =	vld [tilespmem:s19+$0xFFFFFF90];
	_ =	sdelay $0x1  }
0x2d6: {  	[tilespmem:s6+$0x20] =	vst v3  }
0x2d7: {  	s21 =	simm.s32 $0xE0;
	[tilespmem:s4+$0x20] =	vst v4;
	v3 =	vld [tilespmem:s2+$0x30]  }
0x2d8: {  	s9 =	simm.s32 $0x0;
	s7 =	sand.u32 $0xFE0, s21;
	v4 =	vld [tilespmem:s2+$0xFFFFFF50];
	[tilespmem:s20+$0x70] =	vst v1  }
0x2d9: {  	s9 =	sand.u32 $0xFC0, s9;
	[tilespmem:s1+$0x70] =	vst v2;
	v1 =	vld [tilespmem:s7+$0xE680]  }
0x2da: {  	v2 =	vld [tilespmem:s9+$0xE680];
	_ =	sdelay $0x1  }
0x2db: {  	[tilespmem:s6+$0x30] =	vst v3  }
0x2dc: {  	[tilespmem:s4+$0x30] =	vst v4;
	v3 =	vld [tilespmem:s2+$0x40]  }
0x2dd: {  	v4 =	vld [tilespmem:s2+$0xFFFFFF60];
	[tilespmem:s20+$0x400] =	vst v1  }
0x2de: {  	[tilespmem:s1+$0x400] =	vst v2;
	v1 =	vld [tilespmem:s19+$0x90]  }
0x2df: {  	s9 =	simm.s32 $0xEA60;
	v2 =	vld [tilespmem:s19+$0xFFFFFFB0]  }
0x2e0: {  	v5 =	vld [tilespmem:s9+$0x0]  }
0x2e1: {  	s15 =	simm.s32 $0x400;
	[tilespmem:s6+$0x40] =	vst v3;
	v6 =	vld [tilespmem:s9+$0xFFFFFF20]  }
0x2e2: {  	s17 =	simm.s32 $0x280;
	s22 =	sand.u32 $0x800, s15;
	[tilespmem:s4+$0x40] =	vst v4;
	v3 =	vld [tilespmem:s2+$0x50]  }
0x2e3: {  	s11 =	simm.s32 $0x200;
	s13 =	sand.u32 $0x380, s17;
	v4 =	vld [tilespmem:s2+$0xFFFFFF70];
	s7 =	sor.u32 $0x10400, s22;
	[tilespmem:s20+$0x410] =	vst v1  }
0x2e4: {  	s18 =	sand.u32 $0x300, s11;
	s11 =	sor.u32 s13, s7;
	[tilespmem:s1+$0x410] =	vst v2;
	v1 =	vld [tilespmem:s19+$0xA0]  }
0x2e5: {  	s13 =	sor.u32 s18, s7;
	[tilespmem:s11+$0x0] =	vst v5;
	v2 =	vld [tilespmem:s19+$0xFFFFFFC0]  }
0x2e6: {  	[tilespmem:s13+$0x0] =	vst v6;
	v5 =	vld [tilespmem:s9+$0x10]  }
0x2e7: {  	[tilespmem:s6+$0x50] =	vst v3;
	v6 =	vld [tilespmem:s9+$0xFFFFFF30]  }
0x2e8: {  	[tilespmem:s4+$0x50] =	vst v4;
	v3 =	vld [tilespmem:s2+$0x60]  }
0x2e9: {  	v4 =	vld [tilespmem:s2+$0xFFFFFF80];
	[tilespmem:s20+$0x420] =	vst v1  }
0x2ea: {  	[tilespmem:s1+$0x420] =	vst v2;
	v1 =	vld [tilespmem:s19+$0xB0]  }
0x2eb: {  	[tilespmem:s11+$0x10] =	vst v5;
	v2 =	vld [tilespmem:s19+$0xFFFFFFD0]  }
0x2ec: {  	[tilespmem:s13+$0x10] =	vst v6;
	v5 =	vld [tilespmem:s9+$0x20]  }
0x2ed: {  	[tilespmem:s6+$0x60] =	vst v3;
	v6 =	vld [tilespmem:s9+$0xFFFFFF40]  }
0x2ee: {  	[tilespmem:s4+$0x60] =	vst v4;
	v3 =	vld [tilespmem:s2+$0x70]  }
0x2ef: {  	v4 =	vld [tilespmem:s2+$0xFFFFFF90];
	[tilespmem:s20+$0x430] =	vst v1  }
0x2f0: {  	[tilespmem:s1+$0x430] =	vst v2;
	v1 =	vld [tilespmem:s19+$0xC0]  }
0x2f1: {  	[tilespmem:s11+$0x20] =	vst v5;
	v2 =	vld [tilespmem:s19+$0xFFFFFFE0]  }
0x2f2: {  	s18 =	simm.s32 $0x2A0;
	[tilespmem:s13+$0x20] =	vst v6;
	v5 =	vld [tilespmem:s9+$0x30]  }
0x2f3: {  	s23 =	simm.s32 $0x1C0;
	[tilespmem:s6+$0x70] =	vst v3;
	s21 =	sand.u32 $0xFE0, s18;
	v6 =	vld [tilespmem:s9+$0xFFFFFF50]  }
0x2f4: {  	s7 =	sand.u32 $0xFC0, s23;
	[tilespmem:s4+$0x70] =	vst v4;
	v3 =	vld [tilespmem:s21+$0xE680]  }
0x2f5: {  	v7 =	vld [tilespmem:s7+$0xE680];
	[tilespmem:s20+$0x440] =	vst v1  }
0x2f6: {  	[tilespmem:s1+$0x440] =	vst v2;
	v8 =	vld [tilespmem:s19+$0xD0]  }
0x2f7: {  	[tilespmem:s11+$0x30] =	vst v5;
	v1 =	vld [tilespmem:s19+$0xFFFFFFF0]  }
0x2f8: {  	[tilespmem:s13+$0x30] =	vst v6;
	v5 =	vld [tilespmem:s9+$0x40]  }
0x2f9: {  	[tilespmem:s6+$0x400] =	vst v3;
	v4 =	vld [tilespmem:s9+$0xFFFFFF60]  }
0x2fa: {  	[tilespmem:s4+$0x400] =	vst v7;
	v2 =	vld [tilespmem:s2+$0x90]  }
0x2fb: {  	s21 =	simm.s32 $0xEC20;
	v3 =	vld [tilespmem:s2+$0xFFFFFFB0];
	s19 =	simm.s32 $0x4;
	[tilespmem:s20+$0x450] =	vst v8  }
.LBB2_22:
0x2fc: {  	v6 =	vld [tilespmem:s21+$0x0];
	s19 =	sadd.s32 $0x2, s19;
	[tilespmem:s1+$0x450] =	vst v1;
	s1 =	smov.u32 s4;
	s4 =	smov.u32 s13  }
0x2fd: {  	s15 =	sadd.s32 $0x200, s15;
	v1 =	vld [tilespmem:s21+$0xFFFFFF20];
	p0 =	slt.u32 s19, $0xE;
	[tilespmem:s11+$0x40] =	vst v5  }
0x2fe: {  	s17 =	sadd.s32 $0x100, s17;
	s7 =	sand.u32 $0x800, s15;
	[tilespmem:s4+$0x40] =	vst v4;
	v4 =	vld [tilespmem:s9+$0x50]  }
0x2ff: {  	s13 =	sadd.s32 $0xFFFFFF80, s17;
	s20 =	sand.u32 $0x380, s17;
	s7 =	sor.u32 $0x10400, s7;
	v5 =	vld [tilespmem:s9+$0xFFFFFF70];
	[tilespmem:s6+$0x410] =	vst v2  }
0x300: {  	s13 =	sand.u32 $0x300, s13;
	s20 =	sor.u32 s20, s7;
	[tilespmem:s1+$0x410] =	vst v3;
	v2 =	vld [tilespmem:s2+$0xA0]  }
0x301: {  	s13 =	sor.u32 s13, s7;
	[tilespmem:s20+$0x0] =	vst v6;
	v3 =	vld [tilespmem:s2+$0xFFFFFFC0]  }
0x302: {  	[tilespmem:s13+$0x0] =	vst v1;
	v1 =	vld [tilespmem:s21+$0x10]  }
0x303: {  	v6 =	vld [tilespmem:s21+$0xFFFFFF30];
	[tilespmem:s11+$0x50] =	vst v4  }
0x304: {  	[tilespmem:s4+$0x50] =	vst v5;
	v4 =	vld [tilespmem:s9+$0x60]  }
0x305: {  	v5 =	vld [tilespmem:s9+$0xFFFFFF80];
	[tilespmem:s6+$0x420] =	vst v2  }
0x306: {  	[tilespmem:s1+$0x420] =	vst v3;
	v2 =	vld [tilespmem:s2+$0xB0]  }
0x307: {  	[tilespmem:s20+$0x10] =	vst v1;
	v1 =	vld [tilespmem:s2+$0xFFFFFFD0]  }
0x308: {  	[tilespmem:s13+$0x10] =	vst v6;
	v3 =	vld [tilespmem:s21+$0x20]  }
0x309: {  	v6 =	vld [tilespmem:s21+$0xFFFFFF40];
	[tilespmem:s11+$0x60] =	vst v4  }
0x30a: {  	[tilespmem:s4+$0x60] =	vst v5;
	v4 =	vld [tilespmem:s9+$0x70]  }
0x30b: {  	v5 =	vld [tilespmem:s9+$0xFFFFFF90];
	[tilespmem:s6+$0x430] =	vst v2  }
0x30c: {  	[tilespmem:s1+$0x430] =	vst v1;
	v1 =	vld [tilespmem:s2+$0xC0]  }
0x30d: {  	[tilespmem:s20+$0x20] =	vst v3;
	v2 =	vld [tilespmem:s2+$0xFFFFFFE0]  }
0x30e: {  	s18 =	sadd.s32 $0x1C0, s18;
	[tilespmem:s13+$0x20] =	vst v6;
	v3 =	vld [tilespmem:s21+$0x30]  }
0x30f: {  	s22 =	sand.u32 $0xFE0, s18;
	s7 =	sadd.s32 $0xFFFFFF20, s18;
	v6 =	vld [tilespmem:s21+$0xFFFFFF50];
	[tilespmem:s11+$0x70] =	vst v4  }
0x310: {  	s7 =	sand.u32 $0xFC0, s7;
	[tilespmem:s4+$0x70] =	vst v5;
	v7 =	vld [tilespmem:s22+$0xE680]  }
0x311: {  	v8 =	vld [tilespmem:s7+$0xE680];
	[tilespmem:s6+$0x440] =	vst v1  }
0x312: {  	[tilespmem:s1+$0x440] =	vst v2;
	v9 =	vld [tilespmem:s2+$0xD0]  }
.Ltmp10:
0x313: {  	[tilespmem:s20+$0x30] =	vst v3;
	v1 =	vld [tilespmem:s2+$0xFFFFFFF0];
	s2 =	smov.u32 s9;
	s9 =	smov.u32 s21;
	(pc) =	sbr.rel @p0 .LBB2_22-.Ltmp10, $4  }
0x314: {  	[tilespmem:s13+$0x30] =	vst v6;
	v5 =	vld [tilespmem:s21+$0x40]  }
0x315: {  	v4 =	vld [tilespmem:s21+$0xFFFFFF60];
	[tilespmem:s11+$0x400] =	vst v7  }
0x316: {  	[tilespmem:s4+$0x400] =	vst v8;
	v2 =	vld [tilespmem:s2+$0x90]  }
0x317: {  	s21 =	sadd.s32 $0x1C0, s21;
	v3 =	vld [tilespmem:s2+$0xFFFFFFB0];
	[tilespmem:s6+$0x450] =	vst v9;
	s6 =	smov.u32 s11;
	s11 =	smov.u32 s20  }
0x318: {  	_ = 	snop  }
0x319: {  	[tilespmem:s11+$0x40] =	vst v5  }
0x31a: {  	[tilespmem:s13+$0x40] =	vst v4;
	v62 =	vld [tilespmem:s9+$0x50]  }
0x31b: {  	v63 =	vld [tilespmem:s9+$0xFFFFFF70];
	_ =	sdelay $0x3  }
0x31c: {  	[tilespmem:s11+$0x50] =	vst v62  }
0x31d: {  	[tilespmem:s13+$0x50] =	vst v63;
	v4 =	vld [tilespmem:s9+$0x60]  }
0x31e: {  	v5 =	vld [tilespmem:s9+$0xFFFFFF80];
	_ =	sdelay $0x3  }
0x31f: {  	[tilespmem:s11+$0x60] =	vst v4  }
0x320: {  	[tilespmem:s13+$0x60] =	vst v5;
	v4 =	vld [tilespmem:s9+$0x70]  }
0x321: {  	v5 =	vld [tilespmem:s9+$0xFFFFFF90];
	_ =	sdelay $0x2  }
0x322: {  	s7 =	sadd.s32 $0x1C0, s18  }
0x323: {  	s15 =	sadd.s32 $0xFFFFFF20, s7;
	s7 =	sand.u32 $0xFE0, s7;
	[tilespmem:s11+$0x70] =	vst v4  }
0x324: {  	s20 =	sand.u32 $0xFC0, s15;
	v4 =	vld [tilespmem:s7+$0xE680];
	[tilespmem:s13+$0x70] =	vst v5  }
0x325: {  	v5 =	vld [tilespmem:s20+$0xE680];
	_ =	sdelay $0x3  }
0x326: {  	[tilespmem:s11+$0x400] =	vst v4  }
0x327: {  	[tilespmem:s13+$0x400] =	vst v5;
	v4 =	vld [tilespmem:s9+$0x90]  }
0x328: {  	v5 =	vld [tilespmem:s9+$0xFFFFFFB0];
	_ =	sdelay $0x1  }
0x329: {  	[tilespmem:s6+$0x410] =	vst v2  }
0x32a: {  	[tilespmem:s4+$0x410] =	vst v3;
	v2 =	vld [tilespmem:s2+$0xA0]  }
0x32b: {  	v3 =	vld [tilespmem:s2+$0xFFFFFFC0];
	[tilespmem:s11+$0x410] =	vst v4  }
0x32c: {  	[tilespmem:s13+$0x410] =	vst v5;
	v4 =	vld [tilespmem:s9+$0xA0]  }
0x32d: {  	v5 =	vld [tilespmem:s9+$0xFFFFFFC0];
	_ =	sdelay $0x1  }
0x32e: {  	[tilespmem:s6+$0x420] =	vst v2  }
0x32f: {  	[tilespmem:s4+$0x420] =	vst v3;
	v2 =	vld [tilespmem:s2+$0xB0]  }
0x330: {  	v3 =	vld [tilespmem:s2+$0xFFFFFFD0];
	[tilespmem:s11+$0x420] =	vst v4  }
0x331: {  	[tilespmem:s13+$0x420] =	vst v5;
	v4 =	vld [tilespmem:s9+$0xB0]  }
0x332: {  	v5 =	vld [tilespmem:s9+$0xFFFFFFD0];
	_ =	sdelay $0x1  }
0x333: {  	[tilespmem:s6+$0x430] =	vst v2  }
0x334: {  	[tilespmem:s4+$0x430] =	vst v3;
	v2 =	vld [tilespmem:s2+$0xC0]  }
0x335: {  	v3 =	vld [tilespmem:s2+$0xFFFFFFE0];
	[tilespmem:s11+$0x430] =	vst v4  }
0x336: {  	[tilespmem:s13+$0x430] =	vst v5;
	v4 =	vld [tilespmem:s9+$0xC0]  }
0x337: {  	v5 =	vld [tilespmem:s9+$0xFFFFFFE0];
	_ =	sdelay $0x1  }
0x338: {  	[tilespmem:s6+$0x440] =	vst v2  }
0x339: {  	[tilespmem:s4+$0x440] =	vst v3;
	v2 =	vld [tilespmem:s2+$0xD0]  }
0x33a: {  	v3 =	vld [tilespmem:s2+$0xFFFFFFF0];
	[tilespmem:s11+$0x440] =	vst v4  }
0x33b: {  	[tilespmem:s13+$0x440] =	vst v5;
	v4 =	vld [tilespmem:s9+$0xD0]  }
0x33c: {  	s21 =	sadd.s32 s8, s3;
	s16 =	sadd.s32 $0x1, s16;
	v5 =	vld [tilespmem:s9+$0xFFFFFFF0]  }
0x33d: {  	[tilespmem:s1+$0x450] =	vst v1;
	s22 =	smul.u32 $0xC000, s21;
	p0 =	sne.s32 s16, $0x7  }
.Ltmp11:
0x33e: {  	[tilespmem:s6+$0x450] =	vst v2;
	(pc) =	sbr.rel @p0 .LBB2_15-.Ltmp11, $4  }
0x33f: {  	s1 =	sadd.s32 s22, s0;
	[tilespmem:s4+$0x450] =	vst v3  }
0x340: {  	s1 =	sshrl.u32 s1, $0x3;
	[tilespmem:s11+$0x450] =	vst v4  }
0x341: {  	s23 =	simm.s32 $0x10400;
	s1 =	sadd.s32 s24, s1;
	[tilespmem:s13+$0x450] =	vst v5  }
0x342: {  	[hbm4b:s1+s25] =	stream.linear.scatter [tilespmem:s23], [sflag:$0x7], $0x1000, $0x38;
	[tilespmem:$0x1E480] =	vst v63  }
0x343: {  	s0 =	simm.s32 $0x6  }
0x344: {  	_ =	swait.ge [sflag:s0], $0x1000  }
0x345: {  	[sflag:s0] =	ssyncset.done $0x0  }
0x346: {  	s30 =	simm.s32 $0x7;
	[sflag:s0] =	ssyncadd.s32 $0xFFFFF000  }
0x347: {  	_ =	swait.ge [sflag:s30], $0x1000  }
0x348: {  	s1 =	rddreg [dreg:$0x1a]  }
0x349: {  	s1 =	sadd.s32 $0x1, s1  }
0x34a: {  	p0 =	sne.s32 s1, $0x18  }
.Ltmp12:
0x34b: {  	_ = 	snop;
	(pc) =	sbr.rel @p0 .LBB2_4-.Ltmp12, $3  }
0x34c: {  	_ =	sdelay $0x1  }
0x34d: {  	[sflag:s30] =	ssyncset.done $0x0  }
0x34e: {  	[sflag:s30] =	ssyncadd.s32 $0xFFFFF000;
	[dreg:$0x1a] =	wrdreg s1  }
0x34f: {  	s1 =	rddreg [dreg:$0x19]  }
0x350: {  	s0 =	rddreg [dreg:$0x15];
	s1 =	sadd.s32 $0x1, s1  }
0x351: {  	p0 =	sne.s32 s1, s0  }
.Ltmp13:
0x352: {  	_ = 	snop;
	(pc) =	sbr.rel @p0 .LBB2_1-.Ltmp13, $1  }
0x353: {  	_ =	sdelay $0x3  }
0x354: {  	_ =	sfence.sel $0x180000  }
0x355: {  	[bflag:$0x0] =	sbarrier.arrive $0xFFFF  }
0x356: {  	_ =	strace $0x90000047  }
0x357: {  	s0 =	stileid.u32;
	[bflag:$0x2] =	sbarrier.arrive $0xFFFF  }
0x358: {  	p0 =	sne.s32 s0, $0x0;
	s0 =	rddreg [dreg:$0x4]  }
0x359: {  	s0 =	sadd.s32 @!p0 $0x100000, s0  }
0x35a: {  	[sflag:s0] =	ssyncadd.tile.s32 @!p0 $0x1;
	_ =	shalt  }
.Lfunc_end2:
_tile_overlayer_lowered:
.L_overlay_start_2:
0x35b: {  	(tag) =	ssettag $0x2  }
0x35c: {  	s0 =	rddreg [dreg:$0x0];
	s2 =	stileid.u32  }
0x35d: {  	s1 =	rddreg [dreg:$0x1];
	p0 =	sne.s32 s2, $0x0  }
0x35e: {  	s3 =	rddreg [dreg:$0x2];
	[bflag:$0x3] =	sbarrier.arrive $0xFFFF;
	s2 =	simm.s32 @!p0 $0x1C08  }
0x35f: {  	[timem:s3], [sflag:s2] =	dma.local @!p0 [hbm:s0], s1  }
0x360: {  	s0 =	simm.s32 @!p0 $0x8  }
0x361: {  	_ =	swait.ge @!p0 [sflag:s0], s1  }
0x362: {  	s1 =	ssub.s32 @!p0 $0x0, s1;
	[sflag:s0] =	ssyncset.done @!p0 $0x0  }
0x363: {  	[sflag:s0] =	ssyncadd.s32 @!p0 s1  }
0x364: {  	[bflag:$0x3] =	sbarrier.arrive $0xFFFF  }
0x365: {  	_ =	shalt  }

</sc_bundles>
